<compile_context>
chip_gen: v7x
topology: tpu7x:2x2x1
jax: 0.10.2.dev20260603
libtpu: 0.0.44.dev20260713+nightly
codegen_flags: <defaults>
</compile_context>

<pallas_src>
import functools
import numpy as np
import jax
import jax.numpy as jnp
from jax import lax
from jax.experimental import pallas as pl
from jax.experimental.pallas import tpu as pltpu
from jax.experimental.pallas import tpu_sc as plsc

N = 10000
E = 320000
BS = 16
D_H = 128
D_E = 16
D_T = 32
DIMS = 3
H4 = 4 * D_H
H2 = 2 * D_H

NW = 32
CH = 80
TPS = N // 16
D_P = 8
CW = 24

E_SPLITS = (163840, 156160)
BLKN = 2000
BLKE = 2560

def _silu(x):
    return x * jax.nn.sigmoid(x)


def _tfe_body(t_ref, batch_ref, frame_ref, tw1, tb1, tw2, tb2, out_ref):
    half = D_T // 2
    freqs = jnp.exp(
        (-np.log(10000.0) / half)
        * lax.broadcasted_iota(jnp.int32, (1, half), 1).astype(jnp.float32))
    args = t_ref[...] * freqs
    temb = jnp.concatenate([jnp.cos(args), jnp.sin(args)], axis=-1)
    th = _silu(jnp.dot(temb, tw1[...], preferred_element_type=jnp.float32)
               + tb1[...])
    th = jnp.dot(th, tw2[...], preferred_element_type=jnp.float32) + tb2[...]
    oh = (batch_ref[...] == lax.broadcasted_iota(jnp.int32, (1, BS), 1))
    ten = jnp.dot(oh.astype(jnp.float32), th,
                  preferred_element_type=jnp.float32)
    out_ref[...] = jnp.concatenate([ten, frame_ref[...]],
                                   axis=-1).astype(out_ref.dtype)


@functools.lru_cache(maxsize=None)
def _sc_mesh():
    return plsc.VectorSubcoreMesh(core_axis_name="c", subcore_axis_name="s")


def _make_sc_gather(tables_meta, n_e):
    n_t = len(tables_meta)
    ew = n_e // NW
    nch = ew // CH
    out_type = tuple(jax.ShapeDtypeStruct((n_e, w), d)
                     for _, w, d in tables_meta)
    scratch = [pltpu.VMEM((CH,), jnp.int32), pltpu.VMEM((CH,), jnp.int32)]
    scratch += [pltpu.VMEM((CH, w), d) for _, w, d in tables_meta]
    scratch += [pltpu.SemaphoreType.DMA]

    @functools.partial(pl.kernel, mesh=_sc_mesh(), out_type=out_type,
                       scratch_types=scratch,
                       compiler_params=pltpu.CompilerParams(
                           use_tc_tiling_on_sc=False))
    def gather_kernel(src_hbm, dst_hbm, *rest):
        tabs = rest[:n_t]
        outs = rest[n_t:2 * n_t]
        si = rest[2 * n_t]
        di = rest[2 * n_t + 1]
        bufs = rest[2 * n_t + 2: 2 * n_t + 2 + n_t]
        sem = rest[-1]
        wid = lax.axis_index("s") * 2 + lax.axis_index("c")
        base = wid * ew

        def body(j, carry):
            off = pl.multiple_of(base + j * CH, 8)
            pltpu.sync_copy(src_hbm.at[pl.ds(off, CH)], si)
            pltpu.sync_copy(dst_hbm.at[pl.ds(off, CH)], di)
            copies = []
            for (use_dst, _, _), tab, buf in zip(tables_meta, tabs, bufs):
                idx = di if use_dst else si
                copies.append(pltpu.async_copy(tab.at[idx], buf, sem))
            for c in copies:
                c.wait()
            for buf, out in zip(bufs, outs):
                pltpu.sync_copy(buf, out.at[pl.ds(off, CH)])
            return carry

        lax.fori_loop(0, nch, body, 0)

    return gather_kernel


@functools.lru_cache(maxsize=None)
def _make_sc_scatter_add(n_e):
    ew = n_e // NW
    nch = ew // CH

    @functools.partial(
        pl.kernel, mesh=_sc_mesh(),
        out_type=jax.ShapeDtypeStruct((2 * N, CW), jnp.float32),
        scratch_types=[pltpu.VMEM((CH,), jnp.int32),
                       pltpu.VMEM((CH, CW), jnp.float32),
                       pltpu.VMEM_SHARED((N, CW), jnp.float32)],
        compiler_params=pltpu.CompilerParams(use_tc_tiling_on_sc=False))
    def scatter_kernel(dst_hbm, comb_hbm, zeros_hbm, out_hbm, di, buf, acc):
        c = lax.axis_index("c")
        s = lax.axis_index("s")
        wid = s * 2 + c
        r0 = s * TPS
        pltpu.sync_copy(zeros_hbm.at[pl.ds(r0, TPS)], acc.at[pl.ds(r0, TPS)])
        plsc.subcore_barrier()
        base = wid * ew

        def body(j, carry):
            off = pl.multiple_of(base + j * CH, 8)
            pltpu.sync_copy(dst_hbm.at[pl.ds(off, CH)], di)
            pltpu.sync_copy(comb_hbm.at[pl.ds(off, CH)], buf)
            pltpu.sync_copy(buf, acc.at[di], add=True)
            return carry

        lax.fori_loop(0, nch, body, 0)
        plsc.subcore_barrier()
        pltpu.sync_copy(acc.at[pl.ds(r0, TPS)],
                        out_hbm.at[pl.ds(c * N + r0, TPS)])

    return scatter_kernel


def _msg_body(sx, dx, ea, di, tfe, ps, pd,
              w_sx, w_dx, w_ea, w_di, w_tfe, b1, w2, b2,
              pw1, pb1, pw2, pb2, out_ref):
    bf = jnp.bfloat16
    h = jnp.dot(sx[...].astype(bf), w_sx[...],
                preferred_element_type=jnp.float32)
    h = h + jnp.dot(dx[...].astype(bf), w_dx[...],
                    preferred_element_type=jnp.float32)
    h = h + jnp.dot(ea[...], w_ea[...], preferred_element_type=jnp.float32)
    h = h + jnp.dot(tfe[...].astype(bf), w_tfe[...],
                    preferred_element_type=jnp.float32)
    h = h + di[...] * w_di[...]
    h = _silu(h + b1[...])
    msg = _silu(jnp.dot(h, w2[...], preferred_element_type=jnp.float32)
                + b2[...])
    ph = _silu(jnp.dot(msg, pw1[...], preferred_element_type=jnp.float32)
               + pb1[...])
    praw = jnp.dot(ph, pw2[...], preferred_element_type=jnp.float32) + pb2[...]
    lane = lax.broadcasted_iota(jnp.int32, (1, D_P), 1)
    cnt_lane = (lane == DIMS).astype(jnp.float32)
    ppart = praw * (pd[...] - ps[...]) + cnt_lane
    out_ref[...] = jnp.concatenate([msg, ppart], axis=-1)


def _node_body(x, p0, p1, p2, p3, te, w_x, w_a, w_t, b1, w2, b2, g, bb,
               xn_ref, pv_ref):
    psum = (p0[...] + p1[...]) + (p2[...] + p3[...])
    aggr = psum[:, :D_E]
    pos3 = psum[:, D_E:D_E + DIMS]
    cnt = psum[:, D_E + DIMS:D_E + DIMS + 1]
    pv_ref[...] = pos3 / jnp.maximum(cnt, 1.0)
    xv = x[...]
    h = jnp.dot(xv, w_x[...], preferred_element_type=jnp.float32)
    h = h + jnp.dot(aggr, w_a[...], preferred_element_type=jnp.float32)
    h = h + jnp.dot(te[...][:, :D_T].astype(jnp.float32), w_t[...],
                    preferred_element_type=jnp.float32)
    h = _silu(h + b1[...])
    h = jnp.dot(h, w2[...], preferred_element_type=jnp.float32) + b2[...] + xv
    m = jnp.mean(h, axis=-1, keepdims=True)
    v = jnp.mean((h - m) ** 2, axis=-1, keepdims=True)
    xn_ref[...] = (h - m) * lax.rsqrt(v + 1e-5) * g[...] + bb[...]


def _edge_body(xs, xd, di, te, ea, w_xs, w_xd, w_di, w_te, b1, w2, b2, g, bb,
               out_ref):
    bf = jnp.bfloat16
    h = jnp.dot(xs[...].astype(bf), w_xs[...],
                preferred_element_type=jnp.float32)
    h = h + jnp.dot(xd[...].astype(bf), w_xd[...],
                    preferred_element_type=jnp.float32)
    h = h + jnp.dot(te[...][:, :D_T].astype(bf), w_te[...],
                    preferred_element_type=jnp.float32)
    h = h + di[...] * w_di[...]
    h = _silu(h + b1[...])
    h = jnp.dot(h, w2[...], preferred_element_type=jnp.float32) + b2[...]
    h = h + ea[...]
    m = jnp.mean(h, axis=-1, keepdims=True)
    v = jnp.mean((h - m) ** 2, axis=-1, keepdims=True)
    out_ref[...] = (h - m) * lax.rsqrt(v + 1e-5) * g[...] + bb[...]


_META_B = ((False, D_H, jnp.float32), (True, D_H, jnp.float32),
           (False, 2 * D_T, jnp.float32), (False, D_P, jnp.float32),
           (True, D_P, jnp.float32))
_META_F = ((False, D_H, jnp.float32), (True, D_H, jnp.float32))


@functools.lru_cache(maxsize=None)
def _gather_b(n_e):
    return _make_sc_gather(_META_B, n_e)


@functools.lru_cache(maxsize=None)
def _gather_f(n_e):
    return _make_sc_gather(_META_F, n_e)


def _row(v):
    return v.reshape(1, -1)


def kernel(x_feat, t, pos, edge_index, edge_attr, dist, batch, frame_emb,
           params):
    p = params
    src = edge_index[0].astype(jnp.int32)
    dst = edge_index[1].astype(jnp.int32)
    t2 = t.reshape(BS, 1)
    batch2 = batch.astype(jnp.int32).reshape(N, 1)
    posp = jnp.pad(pos, ((0, 0), (0, D_P - DIMS)))

    tfe = pl.pallas_call(
        _tfe_body,
        grid=(N // BLKN,),
        in_specs=[
            pl.BlockSpec((BS, 1), lambda i: (0, 0)),
            pl.BlockSpec((BLKN, 1), lambda i: (i, 0)),
            pl.BlockSpec((BLKN, D_T), lambda i: (i, 0)),
            pl.BlockSpec((D_T, H2), lambda i: (0, 0)),
            pl.BlockSpec((1, H2), lambda i: (0, 0)),
            pl.BlockSpec((H2, D_T), lambda i: (0, 0)),
            pl.BlockSpec((1, D_T), lambda i: (0, 0)),
        ],
        out_specs=pl.BlockSpec((BLKN, 2 * D_T), lambda i: (i, 0)),
        out_shape=jax.ShapeDtypeStruct((N, 2 * D_T), jnp.float32),
    )(t2, batch2, frame_emb, p['time_w1'], _row(p['time_b1']), p['time_w2'],
      _row(p['time_b2']))

    e0 = E_SPLITS[0]
    srcs = (src[:e0], src[e0:])
    dsts = (dst[:e0], dst[e0:])
    eas = (edge_attr[:e0], edge_attr[e0:])
    dis = (dist[:e0], dist[e0:])

    mw1 = p['msg_w1']
    pw2p = jnp.pad(p['pos_w2'], ((0, 0), (0, D_P - DIMS)))
    pb2p = _row(jnp.pad(p['pos_b2'], (0, D_P - DIMS)))
    wspec = lambda a: pl.BlockSpec(a.shape, lambda i: (0,) * a.ndim)
    bf = jnp.bfloat16
    msg_ws = [mw1[:D_H].astype(bf), mw1[D_H:2 * D_H].astype(bf),
              mw1[2 * D_H:2 * D_H + D_E],
              mw1[2 * D_H + D_E:2 * D_H + D_E + 1],
              mw1[2 * D_H + D_E + 1:].astype(bf),
              _row(p['msg_b1']), p['msg_w2'], _row(p['msg_b2']),
              p['pos_w1'], _row(p['pos_b1']), pw2p, pb2p]
    ew1 = p['edge_w1']
    edge_ws = [ew1[:D_H].astype(bf), ew1[D_H:2 * D_H].astype(bf),
               ew1[2 * D_H:2 * D_H + 1], ew1[2 * D_H + 1:].astype(bf),
               _row(p['edge_b1']), p['edge_w2'],
               _row(p['edge_b2']), _row(p['ln_e_g']), _row(p['ln_e_b'])]
    zeros32 = jnp.zeros((N, CW), jnp.float32)

    parts = []
    tfe_es = []
    for k in range(2):
        n_e = E_SPLITS[k]
        sx, dx, tfe_e, ps, pd = _gather_b(n_e)(srcs[k], dsts[k], x_feat,
                                               x_feat, tfe, posp, posp)
        tfe_es.append(tfe_e)
        espec = lambda w: pl.BlockSpec((BLKE, w), lambda i: (i, 0))
        comb = pl.pallas_call(
            _msg_body,
            grid=(n_e // BLKE,),
            in_specs=[espec(D_H), espec(D_H), espec(D_E), espec(1),
                      espec(2 * D_T), espec(D_P), espec(D_P)]
                     + [wspec(w) for w in msg_ws],
            out_specs=pl.BlockSpec((BLKE, CW), lambda i: (i, 0)),
            out_shape=jax.ShapeDtypeStruct((n_e, CW), jnp.float32),
        )(sx, dx, eas[k], dis[k], tfe_e, ps, pd, *msg_ws)
        part = _make_sc_scatter_add(n_e)(dsts[k], comb, zeros32)
        parts += [part[:N], part[N:]]

    nw1 = p['node_w1']
    node_ws = [nw1[:D_H], nw1[D_H:D_H + D_E], nw1[D_H + D_E:],
               _row(p['node_b1']), p['node_w2'], _row(p['node_b2']),
               _row(p['ln_n_g']), _row(p['ln_n_b'])]
    nspec = lambda w: pl.BlockSpec((BLKN, w), lambda i: (i, 0))
    x_new, pos_v_t = pl.pallas_call(
        _node_body,
        grid=(N // BLKN,),
        in_specs=[nspec(D_H)] + [nspec(CW)] * 4
                 + [pl.BlockSpec((BLKN, 2 * D_T), lambda i: (i, 0))]
                 + [wspec(w) for w in node_ws],
        out_specs=[nspec(D_H), nspec(DIMS)],
        out_shape=[jax.ShapeDtypeStruct((N, D_H), jnp.float32),
                   jax.ShapeDtypeStruct((N, DIMS), jnp.float32)],
    )(x_feat, *parts, tfe, *node_ws)

    edge_news = []
    for k in range(2):
        n_e = E_SPLITS[k]
        xs, xd = _gather_f(n_e)(srcs[k], dsts[k], x_new, x_new)
        espec = lambda w: pl.BlockSpec((BLKE, w), lambda i: (i, 0))
        edge_news.append(pl.pallas_call(
            _edge_body,
            grid=(n_e // BLKE,),
            in_specs=[espec(D_H), espec(D_H), espec(1),
                      pl.BlockSpec((BLKE, 2 * D_T), lambda i: (i, 0)),
                      espec(D_E)]
                     + [wspec(w) for w in edge_ws],
            out_specs=pl.BlockSpec((BLKE, D_E), lambda i: (i, 0)),
            out_shape=jax.ShapeDtypeStruct((n_e, D_E), jnp.float32),
        )(xs, xd, dis[k], tfe_es[k], eas[k], *edge_ws))
    edge_new = jnp.concatenate(edge_news, axis=0)

    return (pos_v_t, x_new, edge_new)

# --- scband reference (transcript-rebuilt; emitter-appended) ---
"""Pipeline reference for scband-dynamic-graph-network-65661460021917 (READ-ONLY COPY).

The authoritative reference and input builder live on the scoring server;
editing this copy changes nothing except your own understanding.
"""

import jax, jax.numpy as jnp
import numpy as np

N = 10000
E = 320000
BS = 16
D_H = 128
D_E = 16
D_T = D_H // 4
DIMS = 3
H4 = 4 * D_H
H2 = 2 * D_H


def _lin(key, fi, fo):
    return jax.random.normal(key, (fi, fo), dtype=jnp.float32) / np.sqrt(fi)


def _make_params(key):
    ks = jax.random.split(key, 10)
    return {
        'msg_w1': _lin(ks[0], D_E + 2 * D_H + 1 + 2 * D_T, H4), 'msg_b1': jnp.zeros((H4,), jnp.float32),
        'msg_w2': _lin(ks[1], H4, D_E), 'msg_b2': jnp.zeros((D_E,), jnp.float32),
        'node_w1': _lin(ks[2], D_H + D_E + D_T, H4), 'node_b1': jnp.zeros((H4,), jnp.float32),
        'node_w2': _lin(ks[3], H4, D_H), 'node_b2': jnp.zeros((D_H,), jnp.float32),
        'edge_w1': _lin(ks[4], 2 * D_H + 1 + D_T, H4), 'edge_b1': jnp.zeros((H4,), jnp.float32),
        'edge_w2': _lin(ks[5], H4, D_E), 'edge_b2': jnp.zeros((D_E,), jnp.float32),
        'time_w1': _lin(ks[6], D_T, H2), 'time_b1': jnp.zeros((H2,), jnp.float32),
        'time_w2': _lin(ks[7], H2, D_T), 'time_b2': jnp.zeros((D_T,), jnp.float32),
        'pos_w1': _lin(ks[8], D_E, H4), 'pos_b1': jnp.zeros((H4,), jnp.float32),
        'pos_w2': _lin(ks[9], H4, DIMS), 'pos_b2': jnp.zeros((DIMS,), jnp.float32),
        'ln_n_g': jnp.ones((D_H,), jnp.float32), 'ln_n_b': jnp.zeros((D_H,), jnp.float32),
        'ln_e_g': jnp.ones((D_E,), jnp.float32), 'ln_e_b': jnp.zeros((D_E,), jnp.float32),
    }


def setup_inputs(seed: int = 0):
    key = jax.random.key(seed)
    kp, k1, k2, k3, k4, k5, k6, k7, k8 = jax.random.split(key, 9)
    return {
        'x_feat': jax.random.normal(k1, (N, D_H), jnp.float32),
        't': jax.random.uniform(k2, (BS,), jnp.float32),
        'pos': jax.random.normal(k3, (N, DIMS), jnp.float32),
        'edge_index': jax.random.randint(k4, (2, E), 0, N),
        'edge_attr': jax.random.normal(k5, (E, D_E), jnp.float32),
        'dist': jax.random.uniform(k6, (E, 1), jnp.float32),
        'batch': jnp.sort(jax.random.randint(k7, (N,), 0, BS)),
        'frame_emb': jax.random.normal(k8, (N, D_T), jnp.float32),
        'params': _make_params(kp),
    }


def _silu(x):
    return x * jax.nn.sigmoid(x)


def _ln(x, g, b):
    m = jnp.mean(x, axis=-1, keepdims=True)
    v = jnp.mean((x - m) ** 2, axis=-1, keepdims=True)
    return (x - m) / jnp.sqrt(v + 1e-5) * g + b


def _timestep_embedding(t, dim):
    half = dim // 2
    freqs = jnp.exp(-np.log(10000.0) * jnp.arange(half, dtype=jnp.float32) / half)
    args = t[:, None] * freqs[None, :]
    return jnp.concatenate([jnp.cos(args), jnp.sin(args)], axis=-1)


def _forward(x_feat, t, pos, edge_attr, dist, frame_emb, params, edge_index, batch):
    p = params
    src = edge_index[0]
    dst = edge_index[1]
    t_emb = _timestep_embedding(t, D_T)
    t_hidden = _silu(t_emb @ p['time_w1'] + p['time_b1']) @ p['time_w2'] + p['time_b2']
    t_emb_nodes = t_hidden[batch]
    t_emb_edges = t_emb_nodes[src]
    frame_e = frame_emb[src]
    source_x = x_feat[src]
    target_x = x_feat[dst]
    message_input = jnp.concatenate([source_x, target_x, edge_attr, dist, t_emb_edges, frame_e], axis=-1)
    messages = _silu(_silu(message_input @ p['msg_w1'] + p['msg_b1']) @ p['msg_w2'] + p['msg_b2'])
    pos_messages = _silu(messages @ p['pos_w1'] + p['pos_b1']) @ p['pos_w2'] + p['pos_b2']
    pos_messages = pos_messages * (pos[dst] - pos[src])
    pos_sum = jax.ops.segment_sum(pos_messages, dst, num_segments=N)
    cnt = jax.ops.segment_sum(jnp.ones((E, 1), jnp.float32), dst, num_segments=N)
    pos_v_t = pos_sum / jnp.maximum(cnt, 1.0)
    aggr_messages = jax.ops.segment_sum(messages, dst, num_segments=N)
    node_update = jnp.concatenate([x_feat, aggr_messages, t_emb_nodes], axis=-1)
    node_update = _silu(node_update @ p['node_w1'] + p['node_b1']) @ p['node_w2'] + p['node_b2']
    x_new = _ln(node_update + x_feat, p['ln_n_g'], p['ln_n_b'])
    edge_update = jnp.concatenate([x_new[src], x_new[dst], dist, t_emb_edges], axis=-1)
    edge_out = _silu(edge_update @ p['edge_w1'] + p['edge_b1']) @ p['edge_w2'] + p['edge_b2']
    edge_new = _ln(edge_out + edge_attr, p['ln_e_g'], p['ln_e_b'])
    return (pos_v_t, x_new, edge_new)


def reference(x_feat, t, pos, edge_index, edge_attr, dist, batch, frame_emb, params):
    return _forward(x_feat, t, pos, edge_attr, dist, frame_emb, params, edge_index, batch)

if __name__ == "__main__":
    import jax
    _d = setup_inputs()
    print(jax.jit(kernel)(*tuple(_d.values())))

</pallas_src>

<mosaic_0001>
#map = affine_map<(d0, d1) -> (0)>
#map1 = affine_map<(d0, d1) -> (0, 0)>
module attributes {stable_mosaic.version = 14 : i64} {
  func.func @gather_kernel(%arg0: i32, %arg1: i32, %arg2: memref<156160xi32, #tpu.memory_space<hbm>>, %arg3: memref<156160xi32, #tpu.memory_space<hbm>>, %arg4: memref<10000x128xf32, #tpu.memory_space<hbm>>, %arg5: memref<10000x128xf32, #tpu.memory_space<hbm>>, %arg6: memref<10000x64xf32, #tpu.memory_space<hbm>>, %arg7: memref<10000x8xf32, #tpu.memory_space<hbm>>, %arg8: memref<10000x8xf32, #tpu.memory_space<hbm>>, %arg9: memref<156160x128xf32, #tpu.memory_space<hbm>>, %arg10: memref<156160x128xf32, #tpu.memory_space<hbm>>, %arg11: memref<156160x64xf32, #tpu.memory_space<hbm>>, %arg12: memref<156160x8xf32, #tpu.memory_space<hbm>>, %arg13: memref<156160x8xf32, #tpu.memory_space<hbm>>, %arg14: memref<80xi32, #tpu.memory_space<vmem>>, %arg15: memref<80xi32, #tpu.memory_space<vmem>>, %arg16: memref<80x128xf32, #tpu.memory_space<vmem>>, %arg17: memref<80x128xf32, #tpu.memory_space<vmem>>, %arg18: memref<80x64xf32, #tpu.memory_space<vmem>>, %arg19: memref<80x8xf32, #tpu.memory_space<vmem>>, %arg20: memref<80x8xf32, #tpu.memory_space<vmem>>, %arg21: memref<!tpu.dma_semaphore, #tpu.memory_space<semaphore_mem>>) attributes {dimension_semantics = [#tpu.dimension_semantics<core_parallel>, #tpu.dimension_semantics<subcore_parallel>], iteration_bounds = array<i64: 2, 16>, scalar_prefetch = 0 : i64, scratch_operands = 8 : i64, tpu.core_type = #tpu.core_type<sc_vector_subcore>, window_params = [{transform_indices = #map}, {transform_indices = #map}, {transform_indices = #map1}, {transform_indices = #map1}, {transform_indices = #map1}, {transform_indices = #map1}, {transform_indices = #map1}, {transform_indices = #map1}, {transform_indices = #map1}, {transform_indices = #map1}, {transform_indices = #map1}, {transform_indices = #map1}]} {
    %mul3A = arith.constant 2 : i32
    %mul3A_0 = arith.muli %arg1, %mul3A : i32
    %add3A = arith.addi %mul3A_0, %arg0 : i32
    %mul3A_1 = arith.constant 4880 : i32
    %mul3A_2 = arith.muli %add3A, %mul3A_1 : i32
    %scan3A = arith.constant 0 : i32
    %scan3A_3 = arith.constant 0 : i32
    %scan3A_4 = arith.constant 61 : i32
    %scan3A_5 = arith.addi %scan3A_3, %scan3A_4 : i32
    %scan3A_6 = arith.constant 1 : i32
    scf.for %scan3A_8 = %scan3A_3 to %scan3A_5 step %scan3A_6  : i32 {
      %mul3A_9 = arith.constant 80 : i32
      %mul3A_10 = arith.muli %scan3A_8, %mul3A_9 : i32
      %add3A_11 = arith.addi %mul3A_2, %mul3A_10 : i32
      %multiple_of3A = tpu.assume_multiple %add3A_11, 8 : i32
      "tpu.region"() ({
        %run_scoped3A = tpu.sem_alloc : memref<!tpu.dma_semaphore, #tpu.memory_space<semaphore_mem>>
        %dma_start3A_40 = tpu.memref_slice %arg2[%multiple_of3A] : memref<156160xi32, #tpu.memory_space<hbm>> -> memref<80xi32, #tpu.memory_space<hbm>>
        %dma_start3A_41 = tpu.memref_slice %arg2[%multiple_of3A] : memref<156160xi32, #tpu.memory_space<hbm>> -> memref<80xi32, #tpu.memory_space<hbm>>
        tpu.enqueue_dma source(%dma_start3A_41 : memref<80xi32, #tpu.memory_space<hbm>>) target(%arg14 : memref<80xi32, #tpu.memory_space<vmem>>) target_semaphore(%run_scoped3A : memref<!tpu.dma_semaphore, #tpu.memory_space<semaphore_mem>>)
        %dma_wait3A_42 = tpu.memref_slice %arg2[%multiple_of3A] : memref<156160xi32, #tpu.memory_space<hbm>> -> memref<80xi32, #tpu.memory_space<hbm>>
        %dma_wait3A_43 = tpu.memref_slice %arg2[%multiple_of3A] : memref<156160xi32, #tpu.memory_space<hbm>> -> memref<80xi32, #tpu.memory_space<hbm>>
        tpu.wait_dma2 semaphore(%run_scoped3A : memref<!tpu.dma_semaphore, #tpu.memory_space<semaphore_mem>>) src(%dma_wait3A_43 : memref<80xi32, #tpu.memory_space<hbm>>) dst(%arg14 : memref<80xi32, #tpu.memory_space<vmem>>)
        tpu.yield
      }) : () -> ()
      "tpu.region"() ({
        %run_scoped3A = tpu.sem_alloc : memref<!tpu.dma_semaphore, #tpu.memory_space<semaphore_mem>>
        %dma_start3A_40 = tpu.memref_slice %arg3[%multiple_of3A] : memref<156160xi32, #tpu.memory_space<hbm>> -> memref<80xi32, #tpu.memory_space<hbm>>
        %dma_start3A_41 = tpu.memref_slice %arg3[%multiple_of3A] : memref<156160xi32, #tpu.memory_space<hbm>> -> memref<80xi32, #tpu.memory_space<hbm>>
        tpu.enqueue_dma source(%dma_start3A_41 : memref<80xi32, #tpu.memory_space<hbm>>) target(%arg15 : memref<80xi32, #tpu.memory_space<vmem>>) target_semaphore(%run_scoped3A : memref<!tpu.dma_semaphore, #tpu.memory_space<semaphore_mem>>)
        %dma_wait3A_42 = tpu.memref_slice %arg3[%multiple_of3A] : memref<156160xi32, #tpu.memory_space<hbm>> -> memref<80xi32, #tpu.memory_space<hbm>>
        %dma_wait3A_43 = tpu.memref_slice %arg3[%multiple_of3A] : memref<156160xi32, #tpu.memory_space<hbm>> -> memref<80xi32, #tpu.memory_space<hbm>>
        tpu.wait_dma2 semaphore(%run_scoped3A : memref<!tpu.dma_semaphore, #tpu.memory_space<semaphore_mem>>) src(%dma_wait3A_43 : memref<80xi32, #tpu.memory_space<hbm>>) dst(%arg15 : memref<80xi32, #tpu.memory_space<vmem>>)
        tpu.yield
      }) : () -> ()
      %dma_start3A = arith.constant 0 : i32
      %dma_start3A_12 = arith.constant 0 : i32
      %dma_start3A_13 = tpu.memref_slice %arg4[%dma_start3A, %dma_start3A_12] : memref<10000x128xf32, #tpu.memory_space<hbm>> -> memref<10000x128xf32, #tpu.memory_space<hbm>>
      tpu.enqueue_indirect_dma source(%dma_start3A_13 : memref<10000x128xf32, #tpu.memory_space<hbm>>) target(%arg16 : memref<80x128xf32, #tpu.memory_space<vmem>>) offsets(%arg14 : memref<80xi32, #tpu.memory_space<vmem>>) semaphore(%arg21 : memref<!tpu.dma_semaphore, #tpu.memory_space<semaphore_mem>>)
      %dma_start3A_14 = arith.constant 0 : i32
      %dma_start3A_15 = arith.constant 0 : i32
      %dma_start3A_16 = tpu.memref_slice %arg5[%dma_start3A_14, %dma_start3A_15] : memref<10000x128xf32, #tpu.memory_space<hbm>> -> memref<10000x128xf32, #tpu.memory_space<hbm>>
      tpu.enqueue_indirect_dma source(%dma_start3A_16 : memref<10000x128xf32, #tpu.memory_space<hbm>>) target(%arg17 : memref<80x128xf32, #tpu.memory_space<vmem>>) offsets(%arg15 : memref<80xi32, #tpu.memory_space<vmem>>) semaphore(%arg21 : memref<!tpu.dma_semaphore, #tpu.memory_space<semaphore_mem>>)
      %dma_start3A_17 = arith.constant 0 : i32
      %dma_start3A_18 = arith.constant 0 : i32
      %dma_start3A_19 = tpu.memref_slice %arg6[%dma_start3A_17, %dma_start3A_18] : memref<10000x64xf32, #tpu.memory_space<hbm>> -> memref<10000x64xf32, #tpu.memory_space<hbm>>
      tpu.enqueue_indirect_dma source(%dma_start3A_19 : memref<10000x64xf32, #tpu.memory_space<hbm>>) target(%arg18 : memref<80x64xf32, #tpu.memory_space<vmem>>) offsets(%arg14 : memref<80xi32, #tpu.memory_space<vmem>>) semaphore(%arg21 : memref<!tpu.dma_semaphore, #tpu.memory_space<semaphore_mem>>)
      %dma_start3A_20 = arith.constant 0 : i32
      %dma_start3A_21 = arith.constant 0 : i32
      %dma_start3A_22 = tpu.memref_slice %arg7[%dma_start3A_20, %dma_start3A_21] : memref<10000x8xf32, #tpu.memory_space<hbm>> -> memref<10000x8xf32, #tpu.memory_space<hbm>>
      tpu.enqueue_indirect_dma source(%dma_start3A_22 : memref<10000x8xf32, #tpu.memory_space<hbm>>) target(%arg19 : memref<80x8xf32, #tpu.memory_space<vmem>>) offsets(%arg14 : memref<80xi32, #tpu.memory_space<vmem>>) semaphore(%arg21 : memref<!tpu.dma_semaphore, #tpu.memory_space<semaphore_mem>>)
      %dma_start3A_23 = arith.constant 0 : i32
      %dma_start3A_24 = arith.constant 0 : i32
      %dma_start3A_25 = tpu.memref_slice %arg8[%dma_start3A_23, %dma_start3A_24] : memref<10000x8xf32, #tpu.memory_space<hbm>> -> memref<10000x8xf32, #tpu.memory_space<hbm>>
      tpu.enqueue_indirect_dma source(%dma_start3A_25 : memref<10000x8xf32, #tpu.memory_space<hbm>>) target(%arg20 : memref<80x8xf32, #tpu.memory_space<vmem>>) offsets(%arg15 : memref<80xi32, #tpu.memory_space<vmem>>) semaphore(%arg21 : memref<!tpu.dma_semaphore, #tpu.memory_space<semaphore_mem>>)
      %dma_wait3A = arith.constant 0 : i32
      %dma_wait3A_26 = arith.constant 0 : i32
      %dma_wait3A_27 = tpu.memref_slice %arg4[%dma_wait3A, %dma_wait3A_26] : memref<10000x128xf32, #tpu.memory_space<hbm>> -> memref<10000x128xf32, #tpu.memory_space<hbm>>
      tpu.wait_indirect_dma semaphore(%arg21 : memref<!tpu.dma_semaphore, #tpu.memory_space<semaphore_mem>>) src(%dma_wait3A_27 : memref<10000x128xf32, #tpu.memory_space<hbm>>) dst(%arg16 : memref<80x128xf32, #tpu.memory_space<vmem>>)
      %dma_wait3A_28 = arith.constant 0 : i32
      %dma_wait3A_29 = arith.constant 0 : i32
      %dma_wait3A_30 = tpu.memref_slice %arg5[%dma_wait3A_28, %dma_wait3A_29] : memref<10000x128xf32, #tpu.memory_space<hbm>> -> memref<10000x128xf32, #tpu.memory_space<hbm>>
      tpu.wait_indirect_dma semaphore(%arg21 : memref<!tpu.dma_semaphore, #tpu.memory_space<semaphore_mem>>) src(%dma_wait3A_30 : memref<10000x128xf32, #tpu.memory_space<hbm>>) dst(%arg17 : memref<80x128xf32, #tpu.memory_space<vmem>>)
      %dma_wait3A_31 = arith.constant 0 : i32
      %dma_wait3A_32 = arith.constant 0 : i32
      %dma_wait3A_33 = tpu.memref_slice %arg6[%dma_wait3A_31, %dma_wait3A_32] : memref<10000x64xf32, #tpu.memory_space<hbm>> -> memref<10000x64xf32, #tpu.memory_space<hbm>>
      tpu.wait_indirect_dma semaphore(%arg21 : memref<!tpu.dma_semaphore, #tpu.memory_space<semaphore_mem>>) src(%dma_wait3A_33 : memref<10000x64xf32, #tpu.memory_space<hbm>>) dst(%arg18 : memref<80x64xf32, #tpu.memory_space<vmem>>)
      %dma_wait3A_34 = arith.constant 0 : i32
      %dma_wait3A_35 = arith.constant 0 : i32
      %dma_wait3A_36 = tpu.memref_slice %arg7[%dma_wait3A_34, %dma_wait3A_35] : memref<10000x8xf32, #tpu.memory_space<hbm>> -> memref<10000x8xf32, #tpu.memory_space<hbm>>
      tpu.wait_indirect_dma semaphore(%arg21 : memref<!tpu.dma_semaphore, #tpu.memory_space<semaphore_mem>>) src(%dma_wait3A_36 : memref<10000x8xf32, #tpu.memory_space<hbm>>) dst(%arg19 : memref<80x8xf32, #tpu.memory_space<vmem>>)
      %dma_wait3A_37 = arith.constant 0 : i32
      %dma_wait3A_38 = arith.constant 0 : i32
      %dma_wait3A_39 = tpu.memref_slice %arg8[%dma_wait3A_37, %dma_wait3A_38] : memref<10000x8xf32, #tpu.memory_space<hbm>> -> memref<10000x8xf32, #tpu.memory_space<hbm>>
      tpu.wait_indirect_dma semaphore(%arg21 : memref<!tpu.dma_semaphore, #tpu.memory_space<semaphore_mem>>) src(%dma_wait3A_39 : memref<10000x8xf32, #tpu.memory_space<hbm>>) dst(%arg20 : memref<80x8xf32, #tpu.memory_space<vmem>>)
      "tpu.region"() ({
        %run_scoped3A = tpu.sem_alloc : memref<!tpu.dma_semaphore, #tpu.memory_space<semaphore_mem>>
        %dma_start3A_40 = arith.constant 0 : i32
        %dma_start3A_41 = tpu.memref_slice %arg9[%multiple_of3A, %dma_start3A_40] : memref<156160x128xf32, #tpu.memory_space<hbm>> -> memref<80x128xf32, #tpu.memory_space<hbm>>
        %dma_start3A_42 = arith.constant 0 : i32
        %dma_start3A_43 = tpu.memref_slice %arg9[%multiple_of3A, %dma_start3A_42] : memref<156160x128xf32, #tpu.memory_space<hbm>> -> memref<80x128xf32, #tpu.memory_space<hbm>>
        tpu.enqueue_dma source(%arg16 : memref<80x128xf32, #tpu.memory_space<vmem>>) target(%dma_start3A_43 : memref<80x128xf32, #tpu.memory_space<hbm>>) target_semaphore(%run_scoped3A : memref<!tpu.dma_semaphore, #tpu.memory_space<semaphore_mem>>)
        %dma_wait3A_44 = arith.constant 0 : i32
        %dma_wait3A_45 = tpu.memref_slice %arg9[%multiple_of3A, %dma_wait3A_44] : memref<156160x128xf32, #tpu.memory_space<hbm>> -> memref<80x128xf32, #tpu.memory_space<hbm>>
        %dma_wait3A_46 = arith.constant 0 : i32
        %dma_wait3A_47 = tpu.memref_slice %arg9[%multiple_of3A, %dma_wait3A_46] : memref<156160x128xf32, #tpu.memory_space<hbm>> -> memref<80x128xf32, #tpu.memory_space<hbm>>
        tpu.wait_dma2 semaphore(%run_scoped3A : memref<!tpu.dma_semaphore, #tpu.memory_space<semaphore_mem>>) src(%arg16 : memref<80x128xf32, #tpu.memory_space<vmem>>) dst(%dma_wait3A_47 : memref<80x128xf32, #tpu.memory_space<hbm>>)
        tpu.yield
      }) : () -> ()
      "tpu.region"() ({
        %run_scoped3A = tpu.sem_alloc : memref<!tpu.dma_semaphore, #tpu.memory_space<semaphore_mem>>
        %dma_start3A_40 = arith.constant 0 : i32
        %dma_start3A_41 = tpu.memref_slice %arg10[%multiple_of3A, %dma_start3A_40] : memref<156160x128xf32, #tpu.memory_space<hbm>> -> memref<80x128xf32, #tpu.memory_space<hbm>>
        %dma_start3A_42 = arith.constant 0 : i32
        %dma_start3A_43 = tpu.memref_slice %arg10[%multiple_of3A, %dma_start3A_42] : memref<156160x128xf32, #tpu.memory_space<hbm>> -> memref<80x128xf32, #tpu.memory_space<hbm>>
        tpu.enqueue_dma source(%arg17 : memref<80x128xf32, #tpu.memory_space<vmem>>) target(%dma_start3A_43 : memref<80x128xf32, #tpu.memory_space<hbm>>) target_semaphore(%run_scoped3A : memref<!tpu.dma_semaphore, #tpu.memory_space<semaphore_mem>>)
        %dma_wait3A_44 = arith.constant 0 : i32
        %dma_wait3A_45 = tpu.memref_slice %arg10[%multiple_of3A, %dma_wait3A_44] : memref<156160x128xf32, #tpu.memory_space<hbm>> -> memref<80x128xf32, #tpu.memory_space<hbm>>
        %dma_wait3A_46 = arith.constant 0 : i32
        %dma_wait3A_47 = tpu.memref_slice %arg10[%multiple_of3A, %dma_wait3A_46] : memref<156160x128xf32, #tpu.memory_space<hbm>> -> memref<80x128xf32, #tpu.memory_space<hbm>>
        tpu.wait_dma2 semaphore(%run_scoped3A : memref<!tpu.dma_semaphore, #tpu.memory_space<semaphore_mem>>) src(%arg17 : memref<80x128xf32, #tpu.memory_space<vmem>>) dst(%dma_wait3A_47 : memref<80x128xf32, #tpu.memory_space<hbm>>)
        tpu.yield
      }) : () -> ()
      "tpu.region"() ({
        %run_scoped3A = tpu.sem_alloc : memref<!tpu.dma_semaphore, #tpu.memory_space<semaphore_mem>>
        %dma_start3A_40 = arith.constant 0 : i32
        %dma_start3A_41 = tpu.memref_slice %arg11[%multiple_of3A, %dma_start3A_40] : memref<156160x64xf32, #tpu.memory_space<hbm>> -> memref<80x64xf32, #tpu.memory_space<hbm>>
        %dma_start3A_42 = arith.constant 0 : i32
        %dma_start3A_43 = tpu.memref_slice %arg11[%multiple_of3A, %dma_start3A_42] : memref<156160x64xf32, #tpu.memory_space<hbm>> -> memref<80x64xf32, #tpu.memory_space<hbm>>
        tpu.enqueue_dma source(%arg18 : memref<80x64xf32, #tpu.memory_space<vmem>>) target(%dma_start3A_43 : memref<80x64xf32, #tpu.memory_space<hbm>>) target_semaphore(%run_scoped3A : memref<!tpu.dma_semaphore, #tpu.memory_space<semaphore_mem>>)
        %dma_wait3A_44 = arith.constant 0 : i32
        %dma_wait3A_45 = tpu.memref_slice %arg11[%multiple_of3A, %dma_wait3A_44] : memref<156160x64xf32, #tpu.memory_space<hbm>> -> memref<80x64xf32, #tpu.memory_space<hbm>>
        %dma_wait3A_46 = arith.constant 0 : i32
        %dma_wait3A_47 = tpu.memref_slice %arg11[%multiple_of3A, %dma_wait3A_46] : memref<156160x64xf32, #tpu.memory_space<hbm>> -> memref<80x64xf32, #tpu.memory_space<hbm>>
        tpu.wait_dma2 semaphore(%run_scoped3A : memref<!tpu.dma_semaphore, #tpu.memory_space<semaphore_mem>>) src(%arg18 : memref<80x64xf32, #tpu.memory_space<vmem>>) dst(%dma_wait3A_47 : memref<80x64xf32, #tpu.memory_space<hbm>>)
        tpu.yield
      }) : () -> ()
      "tpu.region"() ({
        %run_scoped3A = tpu.sem_alloc : memref<!tpu.dma_semaphore, #tpu.memory_space<semaphore_mem>>
        %dma_start3A_40 = arith.constant 0 : i32
        %dma_start3A_41 = tpu.memref_slice %arg12[%multiple_of3A, %dma_start3A_40] : memref<156160x8xf32, #tpu.memory_space<hbm>> -> memref<80x8xf32, #tpu.memory_space<hbm>>
        %dma_start3A_42 = arith.constant 0 : i32
        %dma_start3A_43 = tpu.memref_slice %arg12[%multiple_of3A, %dma_start3A_42] : memref<156160x8xf32, #tpu.memory_space<hbm>> -> memref<80x8xf32, #tpu.memory_space<hbm>>
        tpu.enqueue_dma source(%arg19 : memref<80x8xf32, #tpu.memory_space<vmem>>) target(%dma_start3A_43 : memref<80x8xf32, #tpu.memory_space<hbm>>) target_semaphore(%run_scoped3A : memref<!tpu.dma_semaphore, #tpu.memory_space<semaphore_mem>>)
        %dma_wait3A_44 = arith.constant 0 : i32
        %dma_wait3A_45 = tpu.memref_slice %arg12[%multiple_of3A, %dma_wait3A_44] : memref<156160x8xf32, #tpu.memory_space<hbm>> -> memref<80x8xf32, #tpu.memory_space<hbm>>
        %dma_wait3A_46 = arith.constant 0 : i32
        %dma_wait3A_47 = tpu.memref_slice %arg12[%multiple_of3A, %dma_wait3A_46] : memref<156160x8xf32, #tpu.memory_space<hbm>> -> memref<80x8xf32, #tpu.memory_space<hbm>>
        tpu.wait_dma2 semaphore(%run_scoped3A : memref<!tpu.dma_semaphore, #tpu.memory_space<semaphore_mem>>) src(%arg19 : memref<80x8xf32, #tpu.memory_space<vmem>>) dst(%dma_wait3A_47 : memref<80x8xf32, #tpu.memory_space<hbm>>)
        tpu.yield
      }) : () -> ()
      "tpu.region"() ({
        %run_scoped3A = tpu.sem_alloc : memref<!tpu.dma_semaphore, #tpu.memory_space<semaphore_mem>>
        %dma_start3A_40 = arith.constant 0 : i32
        %dma_start3A_41 = tpu.memref_slice %arg13[%multiple_of3A, %dma_start3A_40] : memref<156160x8xf32, #tpu.memory_space<hbm>> -> memref<80x8xf32, #tpu.memory_space<hbm>>
        %dma_start3A_42 = arith.constant 0 : i32
        %dma_start3A_43 = tpu.memref_slice %arg13[%multiple_of3A, %dma_start3A_42] : memref<156160x8xf32, #tpu.memory_space<hbm>> -> memref<80x8xf32, #tpu.memory_space<hbm>>
        tpu.enqueue_dma source(%arg20 : memref<80x8xf32, #tpu.memory_space<vmem>>) target(%dma_start3A_43 : memref<80x8xf32, #tpu.memory_space<hbm>>) target_semaphore(%run_scoped3A : memref<!tpu.dma_semaphore, #tpu.memory_space<semaphore_mem>>)
        %dma_wait3A_44 = arith.constant 0 : i32
        %dma_wait3A_45 = tpu.memref_slice %arg13[%multiple_of3A, %dma_wait3A_44] : memref<156160x8xf32, #tpu.memory_space<hbm>> -> memref<80x8xf32, #tpu.memory_space<hbm>>
        %dma_wait3A_46 = arith.constant 0 : i32
        %dma_wait3A_47 = tpu.memref_slice %arg13[%multiple_of3A, %dma_wait3A_46] : memref<156160x8xf32, #tpu.memory_space<hbm>> -> memref<80x8xf32, #tpu.memory_space<hbm>>
        tpu.wait_dma2 semaphore(%run_scoped3A : memref<!tpu.dma_semaphore, #tpu.memory_space<semaphore_mem>>) src(%arg20 : memref<80x8xf32, #tpu.memory_space<vmem>>) dst(%dma_wait3A_47 : memref<80x8xf32, #tpu.memory_space<hbm>>)
        tpu.yield
      }) : () -> ()
    }
    %scan3A_7 = arith.constant 61 : i32
    return
  }
}

#map = affine_map<(d0, d1) -> (0)>
#map1 = affine_map<(d0, d1) -> (0, 0)>
module attributes {stable_mosaic.version = 14 : i64} {
  func.func @gather_kernel(%arg0: i32, %arg1: i32, %arg2: memref<163840xi32, #tpu.memory_space<hbm>>, %arg3: memref<163840xi32, #tpu.memory_space<hbm>>, %arg4: memref<10000x128xf32, #tpu.memory_space<hbm>>, %arg5: memref<10000x128xf32, #tpu.memory_space<hbm>>, %arg6: memref<10000x64xf32, #tpu.memory_space<hbm>>, %arg7: memref<10000x8xf32, #tpu.memory_space<hbm>>, %arg8: memref<10000x8xf32, #tpu.memory_space<hbm>>, %arg9: memref<163840x128xf32, #tpu.memory_space<hbm>>, %arg10: memref<163840x128xf32, #tpu.memory_space<hbm>>, %arg11: memref<163840x64xf32, #tpu.memory_space<hbm>>, %arg12: memref<163840x8xf32, #tpu.memory_space<hbm>>, %arg13: memref<163840x8xf32, #tpu.memory_space<hbm>>, %arg14: memref<80xi32, #tpu.memory_space<vmem>>, %arg15: memref<80xi32, #tpu.memory_space<vmem>>, %arg16: memref<80x128xf32, #tpu.memory_space<vmem>>, %arg17: memref<80x128xf32, #tpu.memory_space<vmem>>, %arg18: memref<80x64xf32, #tpu.memory_space<vmem>>, %arg19: memref<80x8xf32, #tpu.memory_space<vmem>>, %arg20: memref<80x8xf32, #tpu.memory_space<vmem>>, %arg21: memref<!tpu.dma_semaphore, #tpu.memory_space<semaphore_mem>>) attributes {dimension_semantics = [#tpu.dimension_semantics<core_parallel>, #tpu.dimension_semantics<subcore_parallel>], iteration_bounds = array<i64: 2, 16>, scalar_prefetch = 0 : i64, scratch_operands = 8 : i64, tpu.core_type = #tpu.core_type<sc_vector_subcore>, window_params = [{transform_indices = #map}, {transform_indices = #map}, {transform_indices = #map1}, {transform_indices = #map1}, {transform_indices = #map1}, {transform_indices = #map1}, {transform_indices = #map1}, {transform_indices = #map1}, {transform_indices = #map1}, {transform_indices = #map1}, {transform_indices = #map1}, {transform_indices = #map1}]} {
    %mul3A = arith.constant 2 : i32
    %mul3A_0 = arith.muli %arg1, %mul3A : i32
    %add3A = arith.addi %mul3A_0, %arg0 : i32
    %mul3A_1 = arith.constant 5120 : i32
    %mul3A_2 = arith.muli %add3A, %mul3A_1 : i32
    %scan3A = arith.constant 0 : i32
    %scan3A_3 = arith.constant 0 : i32
    %scan3A_4 = arith.constant 64 : i32
    %scan3A_5 = arith.addi %scan3A_3, %scan3A_4 : i32
    %scan3A_6 = arith.constant 1 : i32
    scf.for %scan3A_8 = %scan3A_3 to %scan3A_5 step %scan3A_6  : i32 {
      %mul3A_9 = arith.constant 80 : i32
      %mul3A_10 = arith.muli %scan3A_8, %mul3A_9 : i32
      %add3A_11 = arith.addi %mul3A_2, %mul3A_10 : i32
      %multiple_of3A = tpu.assume_multiple %add3A_11, 8 : i32
      "tpu.region"() ({
        %run_scoped3A = tpu.sem_alloc : memref<!tpu.dma_semaphore, #tpu.memory_space<semaphore_mem>>
        %dma_start3A_40 = tpu.memref_slice %arg2[%multiple_of3A] : memref<163840xi32, #tpu.memory_space<hbm>> -> memref<80xi32, #tpu.memory_space<hbm>>
        %dma_start3A_41 = tpu.memref_slice %arg2[%multiple_of3A] : memref<163840xi32, #tpu.memory_space<hbm>> -> memref<80xi32, #tpu.memory_space<hbm>>
        tpu.enqueue_dma source(%dma_start3A_41 : memref<80xi32, #tpu.memory_space<hbm>>) target(%arg14 : memref<80xi32, #tpu.memory_space<vmem>>) target_semaphore(%run_scoped3A : memref<!tpu.dma_semaphore, #tpu.memory_space<semaphore_mem>>)
        %dma_wait3A_42 = tpu.memref_slice %arg2[%multiple_of3A] : memref<163840xi32, #tpu.memory_space<hbm>> -> memref<80xi32, #tpu.memory_space<hbm>>
        %dma_wait3A_43 = tpu.memref_slice %arg2[%multiple_of3A] : memref<163840xi32, #tpu.memory_space<hbm>> -> memref<80xi32, #tpu.memory_space<hbm>>
        tpu.wait_dma2 semaphore(%run_scoped3A : memref<!tpu.dma_semaphore, #tpu.memory_space<semaphore_mem>>) src(%dma_wait3A_43 : memref<80xi32, #tpu.memory_space<hbm>>) dst(%arg14 : memref<80xi32, #tpu.memory_space<vmem>>)
        tpu.yield
      }) : () -> ()
      "tpu.region"() ({
        %run_scoped3A = tpu.sem_alloc : memref<!tpu.dma_semaphore, #tpu.memory_space<semaphore_mem>>
        %dma_start3A_40 = tpu.memref_slice %arg3[%multiple_of3A] : memref<163840xi32, #tpu.memory_space<hbm>> -> memref<80xi32, #tpu.memory_space<hbm>>
        %dma_start3A_41 = tpu.memref_slice %arg3[%multiple_of3A] : memref<163840xi32, #tpu.memory_space<hbm>> -> memref<80xi32, #tpu.memory_space<hbm>>
        tpu.enqueue_dma source(%dma_start3A_41 : memref<80xi32, #tpu.memory_space<hbm>>) target(%arg15 : memref<80xi32, #tpu.memory_space<vmem>>) target_semaphore(%run_scoped3A : memref<!tpu.dma_semaphore, #tpu.memory_space<semaphore_mem>>)
        %dma_wait3A_42 = tpu.memref_slice %arg3[%multiple_of3A] : memref<163840xi32, #tpu.memory_space<hbm>> -> memref<80xi32, #tpu.memory_space<hbm>>
        %dma_wait3A_43 = tpu.memref_slice %arg3[%multiple_of3A] : memref<163840xi32, #tpu.memory_space<hbm>> -> memref<80xi32, #tpu.memory_space<hbm>>
        tpu.wait_dma2 semaphore(%run_scoped3A : memref<!tpu.dma_semaphore, #tpu.memory_space<semaphore_mem>>) src(%dma_wait3A_43 : memref<80xi32, #tpu.memory_space<hbm>>) dst(%arg15 : memref<80xi32, #tpu.memory_space<vmem>>)
        tpu.yield
      }) : () -> ()
      %dma_start3A = arith.constant 0 : i32
      %dma_start3A_12 = arith.constant 0 : i32
      %dma_start3A_13 = tpu.memref_slice %arg4[%dma_start3A, %dma_start3A_12] : memref<10000x128xf32, #tpu.memory_space<hbm>> -> memref<10000x128xf32, #tpu.memory_space<hbm>>
      tpu.enqueue_indirect_dma source(%dma_start3A_13 : memref<10000x128xf32, #tpu.memory_space<hbm>>) target(%arg16 : memref<80x128xf32, #tpu.memory_space<vmem>>) offsets(%arg14 : memref<80xi32, #tpu.memory_space<vmem>>) semaphore(%arg21 : memref<!tpu.dma_semaphore, #tpu.memory_space<semaphore_mem>>)
      %dma_start3A_14 = arith.constant 0 : i32
      %dma_start3A_15 = arith.constant 0 : i32
      %dma_start3A_16 = tpu.memref_slice %arg5[%dma_start3A_14, %dma_start3A_15] : memref<10000x128xf32, #tpu.memory_space<hbm>> -> memref<10000x128xf32, #tpu.memory_space<hbm>>
      tpu.enqueue_indirect_dma source(%dma_start3A_16 : memref<10000x128xf32, #tpu.memory_space<hbm>>) target(%arg17 : memref<80x128xf32, #tpu.memory_space<vmem>>) offsets(%arg15 : memref<80xi32, #tpu.memory_space<vmem>>) semaphore(%arg21 : memref<!tpu.dma_semaphore, #tpu.memory_space<semaphore_mem>>)
      %dma_start3A_17 = arith.constant 0 : i32
      %dma_start3A_18 = arith.constant 0 : i32
      %dma_start3A_19 = tpu.memref_slice %arg6[%dma_start3A_17, %dma_start3A_18] : memref<10000x64xf32, #tpu.memory_space<hbm>> -> memref<10000x64xf32, #tpu.memory_space<hbm>>
      tpu.enqueue_indirect_dma source(%dma_start3A_19 : memref<10000x64xf32, #tpu.memory_space<hbm>>) target(%arg18 : memref<80x64xf32, #tpu.memory_space<vmem>>) offsets(%arg14 : memref<80xi32, #tpu.memory_space<vmem>>) semaphore(%arg21 : memref<!tpu.dma_semaphore, #tpu.memory_space<semaphore_mem>>)
      %dma_start3A_20 = arith.constant 0 : i32
      %dma_start3A_21 = arith.constant 0 : i32
      %dma_start3A_22 = tpu.memref_slice %arg7[%dma_start3A_20, %dma_start3A_21] : memref<10000x8xf32, #tpu.memory_space<hbm>> -> memref<10000x8xf32, #tpu.memory_space<hbm>>
      tpu.enqueue_indirect_dma source(%dma_start3A_22 : memref<10000x8xf32, #tpu.memory_space<hbm>>) target(%arg19 : memref<80x8xf32, #tpu.memory_space<vmem>>) offsets(%arg14 : memref<80xi32, #tpu.memory_space<vmem>>) semaphore(%arg21 : memref<!tpu.dma_semaphore, #tpu.memory_space<semaphore_mem>>)
      %dma_start3A_23 = arith.constant 0 : i32
      %dma_start3A_24 = arith.constant 0 : i32
      %dma_start3A_25 = tpu.memref_slice %arg8[%dma_start3A_23, %dma_start3A_24] : memref<10000x8xf32, #tpu.memory_space<hbm>> -> memref<10000x8xf32, #tpu.memory_space<hbm>>
      tpu.enqueue_indirect_dma source(%dma_start3A_25 : memref<10000x8xf32, #tpu.memory_space<hbm>>) target(%arg20 : memref<80x8xf32, #tpu.memory_space<vmem>>) offsets(%arg15 : memref<80xi32, #tpu.memory_space<vmem>>) semaphore(%arg21 : memref<!tpu.dma_semaphore, #tpu.memory_space<semaphore_mem>>)
      %dma_wait3A = arith.constant 0 : i32
      %dma_wait3A_26 = arith.constant 0 : i32
      %dma_wait3A_27 = tpu.memref_slice %arg4[%dma_wait3A, %dma_wait3A_26] : memref<10000x128xf32, #tpu.memory_space<hbm>> -> memref<10000x128xf32, #tpu.memory_space<hbm>>
      tpu.wait_indirect_dma semaphore(%arg21 : memref<!tpu.dma_semaphore, #tpu.memory_space<semaphore_mem>>) src(%dma_wait3A_27 : memref<10000x128xf32, #tpu.memory_space<hbm>>) dst(%arg16 : memref<80x128xf32, #tpu.memory_space<vmem>>)
      %dma_wait3A_28 = arith.constant 0 : i32
      %dma_wait3A_29 = arith.constant 0 : i32
      %dma_wait3A_30 = tpu.memref_slice %arg5[%dma_wait3A_28, %dma_wait3A_29] : memref<10000x128xf32, #tpu.memory_space<hbm>> -> memref<10000x128xf32, #tpu.memory_space<hbm>>
      tpu.wait_indirect_dma semaphore(%arg21 : memref<!tpu.dma_semaphore, #tpu.memory_space<semaphore_mem>>) src(%dma_wait3A_30 : memref<10000x128xf32, #tpu.memory_space<hbm>>) dst(%arg17 : memref<80x128xf32, #tpu.memory_space<vmem>>)
      %dma_wait3A_31 = arith.constant 0 : i32
      %dma_wait3A_32 = arith.constant 0 : i32
      %dma_wait3A_33 = tpu.memref_slice %arg6[%dma_wait3A_31, %dma_wait3A_32] : memref<10000x64xf32, #tpu.memory_space<hbm>> -> memref<10000x64xf32, #tpu.memory_space<hbm>>
      tpu.wait_indirect_dma semaphore(%arg21 : memref<!tpu.dma_semaphore, #tpu.memory_space<semaphore_mem>>) src(%dma_wait3A_33 : memref<10000x64xf32, #tpu.memory_space<hbm>>) dst(%arg18 : memref<80x64xf32, #tpu.memory_space<vmem>>)
      %dma_wait3A_34 = arith.constant 0 : i32
      %dma_wait3A_35 = arith.constant 0 : i32
      %dma_wait3A_36 = tpu.memref_slice %arg7[%dma_wait3A_34, %dma_wait3A_35] : memref<10000x8xf32, #tpu.memory_space<hbm>> -> memref<10000x8xf32, #tpu.memory_space<hbm>>
      tpu.wait_indirect_dma semaphore(%arg21 : memref<!tpu.dma_semaphore, #tpu.memory_space<semaphore_mem>>) src(%dma_wait3A_36 : memref<10000x8xf32, #tpu.memory_space<hbm>>) dst(%arg19 : memref<80x8xf32, #tpu.memory_space<vmem>>)
      %dma_wait3A_37 = arith.constant 0 : i32
      %dma_wait3A_38 = arith.constant 0 : i32
      %dma_wait3A_39 = tpu.memref_slice %arg8[%dma_wait3A_37, %dma_wait3A_38] : memref<10000x8xf32, #tpu.memory_space<hbm>> -> memref<10000x8xf32, #tpu.memory_space<hbm>>
      tpu.wait_indirect_dma semaphore(%arg21 : memref<!tpu.dma_semaphore, #tpu.memory_space<semaphore_mem>>) src(%dma_wait3A_39 : memref<10000x8xf32, #tpu.memory_space<hbm>>) dst(%arg20 : memref<80x8xf32, #tpu.memory_space<vmem>>)
      "tpu.region"() ({
        %run_scoped3A = tpu.sem_alloc : memref<!tpu.dma_semaphore, #tpu.memory_space<semaphore_mem>>
        %dma_start3A_40 = arith.constant 0 : i32
        %dma_start3A_41 = tpu.memref_slice %arg9[%multiple_of3A, %dma_start3A_40] : memref<163840x128xf32, #tpu.memory_space<hbm>> -> memref<80x128xf32, #tpu.memory_space<hbm>>
        %dma_start3A_42 = arith.constant 0 : i32
        %dma_start3A_43 = tpu.memref_slice %arg9[%multiple_of3A, %dma_start3A_42] : memref<163840x128xf32, #tpu.memory_space<hbm>> -> memref<80x128xf32, #tpu.memory_space<hbm>>
        tpu.enqueue_dma source(%arg16 : memref<80x128xf32, #tpu.memory_space<vmem>>) target(%dma_start3A_43 : memref<80x128xf32, #tpu.memory_space<hbm>>) target_semaphore(%run_scoped3A : memref<!tpu.dma_semaphore, #tpu.memory_space<semaphore_mem>>)
        %dma_wait3A_44 = arith.constant 0 : i32
        %dma_wait3A_45 = tpu.memref_slice %arg9[%multiple_of3A, %dma_wait3A_44] : memref<163840x128xf32, #tpu.memory_space<hbm>> -> memref<80x128xf32, #tpu.memory_space<hbm>>
        %dma_wait3A_46 = arith.constant 0 : i32
        %dma_wait3A_47 = tpu.memref_slice %arg9[%multiple_of3A, %dma_wait3A_46] : memref<163840x128xf32, #tpu.memory_space<hbm>> -> memref<80x128xf32, #tpu.memory_space<hbm>>
        tpu.wait_dma2 semaphore(%run_scoped3A : memref<!tpu.dma_semaphore, #tpu.memory_space<semaphore_mem>>) src(%arg16 : memref<80x128xf32, #tpu.memory_space<vmem>>) dst(%dma_wait3A_47 : memref<80x128xf32, #tpu.memory_space<hbm>>)
        tpu.yield
      }) : () -> ()
      "tpu.region"() ({
        %run_scoped3A = tpu.sem_alloc : memref<!tpu.dma_semaphore, #tpu.memory_space<semaphore_mem>>
        %dma_start3A_40 = arith.constant 0 : i32
        %dma_start3A_41 = tpu.memref_slice %arg10[%multiple_of3A, %dma_start3A_40] : memref<163840x128xf32, #tpu.memory_space<hbm>> -> memref<80x128xf32, #tpu.memory_space<hbm>>
        %dma_start3A_42 = arith.constant 0 : i32
        %dma_start3A_43 = tpu.memref_slice %arg10[%multiple_of3A, %dma_start3A_42] : memref<163840x128xf32, #tpu.memory_space<hbm>> -> memref<80x128xf32, #tpu.memory_space<hbm>>
        tpu.enqueue_dma source(%arg17 : memref<80x128xf32, #tpu.memory_space<vmem>>) target(%dma_start3A_43 : memref<80x128xf32, #tpu.memory_space<hbm>>) target_semaphore(%run_scoped3A : memref<!tpu.dma_semaphore, #tpu.memory_space<semaphore_mem>>)
        %dma_wait3A_44 = arith.constant 0 : i32
        %dma_wait3A_45 = tpu.memref_slice %arg10[%multiple_of3A, %dma_wait3A_44] : memref<163840x128xf32, #tpu.memory_space<hbm>> -> memref<80x128xf32, #tpu.memory_space<hbm>>
        %dma_wait3A_46 = arith.constant 0 : i32
        %dma_wait3A_47 = tpu.memref_slice %arg10[%multiple_of3A, %dma_wait3A_46] : memref<163840x128xf32, #tpu.memory_space<hbm>> -> memref<80x128xf32, #tpu.memory_space<hbm>>
        tpu.wait_dma2 semaphore(%run_scoped3A : memref<!tpu.dma_semaphore, #tpu.memory_space<semaphore_mem>>) src(%arg17 : memref<80x128xf32, #tpu.memory_space<vmem>>) dst(%dma_wait3A_47 : memref<80x128xf32, #tpu.memory_space<hbm>>)
        tpu.yield
      }) : () -> ()
      "tpu.region"() ({
        %run_scoped3A = tpu.sem_alloc : memref<!tpu.dma_semaphore, #tpu.memory_space<semaphore_mem>>
        %dma_start3A_40 = arith.constant 0 : i32
        %dma_start3A_41 = tpu.memref_slice %arg11[%multiple_of3A, %dma_start3A_40] : memref<163840x64xf32, #tpu.memory_space<hbm>> -> memref<80x64xf32, #tpu.memory_space<hbm>>
        %dma_start3A_42 = arith.constant 0 : i32
        %dma_start3A_43 = tpu.memref_slice %arg11[%multiple_of3A, %dma_start3A_42] : memref<163840x64xf32, #tpu.memory_space<hbm>> -> memref<80x64xf32, #tpu.memory_space<hbm>>
        tpu.enqueue_dma source(%arg18 : memref<80x64xf32, #tpu.memory_space<vmem>>) target(%dma_start3A_43 : memref<80x64xf32, #tpu.memory_space<hbm>>) target_semaphore(%run_scoped3A : memref<!tpu.dma_semaphore, #tpu.memory_space<semaphore_mem>>)
        %dma_wait3A_44 = arith.constant 0 : i32
        %dma_wait3A_45 = tpu.memref_slice %arg11[%multiple_of3A, %dma_wait3A_44] : memref<163840x64xf32, #tpu.memory_space<hbm>> -> memref<80x64xf32, #tpu.memory_space<hbm>>
        %dma_wait3A_46 = arith.constant 0 : i32
        %dma_wait3A_47 = tpu.memref_slice %arg11[%multiple_of3A, %dma_wait3A_46] : memref<163840x64xf32, #tpu.memory_space<hbm>> -> memref<80x64xf32, #tpu.memory_space<hbm>>
        tpu.wait_dma2 semaphore(%run_scoped3A : memref<!tpu.dma_semaphore, #tpu.memory_space<semaphore_mem>>) src(%arg18 : memref<80x64xf32, #tpu.memory_space<vmem>>) dst(%dma_wait3A_47 : memref<80x64xf32, #tpu.memory_space<hbm>>)
        tpu.yield
      }) : () -> ()
      "tpu.region"() ({
        %run_scoped3A = tpu.sem_alloc : memref<!tpu.dma_semaphore, #tpu.memory_space<semaphore_mem>>
        %dma_start3A_40 = arith.constant 0 : i32
        %dma_start3A_41 = tpu.memref_slice %arg12[%multiple_of3A, %dma_start3A_40] : memref<163840x8xf32, #tpu.memory_space<hbm>> -> memref<80x8xf32, #tpu.memory_space<hbm>>
        %dma_start3A_42 = arith.constant 0 : i32
        %dma_start3A_43 = tpu.memref_slice %arg12[%multiple_of3A, %dma_start3A_42] : memref<163840x8xf32, #tpu.memory_space<hbm>> -> memref<80x8xf32, #tpu.memory_space<hbm>>
        tpu.enqueue_dma source(%arg19 : memref<80x8xf32, #tpu.memory_space<vmem>>) target(%dma_start3A_43 : memref<80x8xf32, #tpu.memory_space<hbm>>) target_semaphore(%run_scoped3A : memref<!tpu.dma_semaphore, #tpu.memory_space<semaphore_mem>>)
        %dma_wait3A_44 = arith.constant 0 : i32
        %dma_wait3A_45 = tpu.memref_slice %arg12[%multiple_of3A, %dma_wait3A_44] : memref<163840x8xf32, #tpu.memory_space<hbm>> -> memref<80x8xf32, #tpu.memory_space<hbm>>
        %dma_wait3A_46 = arith.constant 0 : i32
        %dma_wait3A_47 = tpu.memref_slice %arg12[%multiple_of3A, %dma_wait3A_46] : memref<163840x8xf32, #tpu.memory_space<hbm>> -> memref<80x8xf32, #tpu.memory_space<hbm>>
        tpu.wait_dma2 semaphore(%run_scoped3A : memref<!tpu.dma_semaphore, #tpu.memory_space<semaphore_mem>>) src(%arg19 : memref<80x8xf32, #tpu.memory_space<vmem>>) dst(%dma_wait3A_47 : memref<80x8xf32, #tpu.memory_space<hbm>>)
        tpu.yield
      }) : () -> ()
      "tpu.region"() ({
        %run_scoped3A = tpu.sem_alloc : memref<!tpu.dma_semaphore, #tpu.memory_space<semaphore_mem>>
        %dma_start3A_40 = arith.constant 0 : i32
        %dma_start3A_41 = tpu.memref_slice %arg13[%multiple_of3A, %dma_start3A_40] : memref<163840x8xf32, #tpu.memory_space<hbm>> -> memref<80x8xf32, #tpu.memory_space<hbm>>
        %dma_start3A_42 = arith.constant 0 : i32
        %dma_start3A_43 = tpu.memref_slice %arg13[%multiple_of3A, %dma_start3A_42] : memref<163840x8xf32, #tpu.memory_space<hbm>> -> memref<80x8xf32, #tpu.memory_space<hbm>>
        tpu.enqueue_dma source(%arg20 : memref<80x8xf32, #tpu.memory_space<vmem>>) target(%dma_start3A_43 : memref<80x8xf32, #tpu.memory_space<hbm>>) target_semaphore(%run_scoped3A : memref<!tpu.dma_semaphore, #tpu.memory_space<semaphore_mem>>)
        %dma_wait3A_44 = arith.constant 0 : i32
        %dma_wait3A_45 = tpu.memref_slice %arg13[%multiple_of3A, %dma_wait3A_44] : memref<163840x8xf32, #tpu.memory_space<hbm>> -> memref<80x8xf32, #tpu.memory_space<hbm>>
        %dma_wait3A_46 = arith.constant 0 : i32
        %dma_wait3A_47 = tpu.memref_slice %arg13[%multiple_of3A, %dma_wait3A_46] : memref<163840x8xf32, #tpu.memory_space<hbm>> -> memref<80x8xf32, #tpu.memory_space<hbm>>
        tpu.wait_dma2 semaphore(%run_scoped3A : memref<!tpu.dma_semaphore, #tpu.memory_space<semaphore_mem>>) src(%arg20 : memref<80x8xf32, #tpu.memory_space<vmem>>) dst(%dma_wait3A_47 : memref<80x8xf32, #tpu.memory_space<hbm>>)
        tpu.yield
      }) : () -> ()
    }
    %scan3A_7 = arith.constant 64 : i32
    return
  }
}

#map = affine_map<(d0, d1) -> (0)>
#map1 = affine_map<(d0, d1) -> (0, 0)>
module attributes {stable_mosaic.version = 14 : i64} {
  func.func @scatter_kernel(%arg0: i32, %arg1: i32, %arg2: memref<163840xi32, #tpu.memory_space<hbm>>, %arg3: memref<163840x24xf32, #tpu.memory_space<hbm>>, %arg4: memref<10000x24xf32, #tpu.memory_space<hbm>>, %arg5: memref<20000x24xf32, #tpu.memory_space<hbm>>, %arg6: memref<80xi32, #tpu.memory_space<vmem>>, %arg7: memref<80x24xf32, #tpu.memory_space<vmem>>, %arg8: memref<10000x24xf32, #tpu.memory_space<vmem_shared>>) attributes {dimension_semantics = [#tpu.dimension_semantics<core_parallel>, #tpu.dimension_semantics<subcore_parallel>], iteration_bounds = array<i64: 2, 16>, scalar_prefetch = 0 : i64, scratch_operands = 3 : i64, tpu.core_type = #tpu.core_type<sc_vector_subcore>, window_params = [{transform_indices = #map}, {transform_indices = #map1}, {transform_indices = #map1}, {transform_indices = #map1}]} {
    %mul3A = arith.constant 2 : i32
    %mul3A_0 = arith.muli %arg1, %mul3A : i32
    %add3A = arith.addi %mul3A_0, %arg0 : i32
    %mul3A_1 = arith.constant 625 : i32
    %mul3A_2 = arith.muli %arg1, %mul3A_1 : i32
    "tpu.region"() ({
      %run_scoped3A = tpu.sem_alloc : memref<!tpu.dma_semaphore, #tpu.memory_space<semaphore_mem>>
      %dma_start3A = arith.constant 0 : i32
      %dma_start3A_14 = tpu.memref_slice %arg8[%mul3A_2, %dma_start3A] : memref<10000x24xf32, #tpu.memory_space<vmem_shared>> -> memref<625x24xf32, #tpu.memory_space<vmem_shared>>
      %dma_start3A_15 = arith.constant 0 : i32
      %dma_start3A_16 = tpu.memref_slice %arg4[%mul3A_2, %dma_start3A_15] : memref<10000x24xf32, #tpu.memory_space<hbm>> -> memref<625x24xf32, #tpu.memory_space<hbm>>
      tpu.enqueue_dma source(%dma_start3A_16 : memref<625x24xf32, #tpu.memory_space<hbm>>) target(%dma_start3A_14 : memref<625x24xf32, #tpu.memory_space<vmem_shared>>) target_semaphore(%run_scoped3A : memref<!tpu.dma_semaphore, #tpu.memory_space<semaphore_mem>>)
      %dma_wait3A = arith.constant 0 : i32
      %dma_wait3A_17 = tpu.memref_slice %arg8[%mul3A_2, %dma_wait3A] : memref<10000x24xf32, #tpu.memory_space<vmem_shared>> -> memref<625x24xf32, #tpu.memory_space<vmem_shared>>
      %dma_wait3A_18 = arith.constant 0 : i32
      %dma_wait3A_19 = tpu.memref_slice %arg4[%mul3A_2, %dma_wait3A_18] : memref<10000x24xf32, #tpu.memory_space<hbm>> -> memref<625x24xf32, #tpu.memory_space<hbm>>
      tpu.wait_dma2 semaphore(%run_scoped3A : memref<!tpu.dma_semaphore, #tpu.memory_space<semaphore_mem>>) src(%dma_wait3A_19 : memref<625x24xf32, #tpu.memory_space<hbm>>) dst(%dma_wait3A_17 : memref<625x24xf32, #tpu.memory_space<vmem_shared>>)
      tpu.yield
    }) : () -> ()
    %barrier3A = arith.constant 0 : index
    tpu.barrier barrier_id(%barrier3A)
    %mul3A_3 = arith.constant 5120 : i32
    %mul3A_4 = arith.muli %add3A, %mul3A_3 : i32
    %scan3A = arith.constant 0 : i32
    %scan3A_5 = arith.constant 0 : i32
    %scan3A_6 = arith.constant 64 : i32
    %scan3A_7 = arith.addi %scan3A_5, %scan3A_6 : i32
    %scan3A_8 = arith.constant 1 : i32
    scf.for %scan3A_14 = %scan3A_5 to %scan3A_7 step %scan3A_8  : i32 {
      %mul3A_15 = arith.constant 80 : i32
      %mul3A_16 = arith.muli %scan3A_14, %mul3A_15 : i32
      %add3A_17 = arith.addi %mul3A_4, %mul3A_16 : i32
      %multiple_of3A = tpu.assume_multiple %add3A_17, 8 : i32
      "tpu.region"() ({
        %run_scoped3A = tpu.sem_alloc : memref<!tpu.dma_semaphore, #tpu.memory_space<semaphore_mem>>
        %dma_start3A = tpu.memref_slice %arg2[%multiple_of3A] : memref<163840xi32, #tpu.memory_space<hbm>> -> memref<80xi32, #tpu.memory_space<hbm>>
        %dma_start3A_18 = tpu.memref_slice %arg2[%multiple_of3A] : memref<163840xi32, #tpu.memory_space<hbm>> -> memref<80xi32, #tpu.memory_space<hbm>>
        tpu.enqueue_dma source(%dma_start3A_18 : memref<80xi32, #tpu.memory_space<hbm>>) target(%arg6 : memref<80xi32, #tpu.memory_space<vmem>>) target_semaphore(%run_scoped3A : memref<!tpu.dma_semaphore, #tpu.memory_space<semaphore_mem>>)
        %dma_wait3A = tpu.memref_slice %arg2[%multiple_of3A] : memref<163840xi32, #tpu.memory_space<hbm>> -> memref<80xi32, #tpu.memory_space<hbm>>
        %dma_wait3A_19 = tpu.memref_slice %arg2[%multiple_of3A] : memref<163840xi32, #tpu.memory_space<hbm>> -> memref<80xi32, #tpu.memory_space<hbm>>
        tpu.wait_dma2 semaphore(%run_scoped3A : memref<!tpu.dma_semaphore, #tpu.memory_space<semaphore_mem>>) src(%dma_wait3A_19 : memref<80xi32, #tpu.memory_space<hbm>>) dst(%arg6 : memref<80xi32, #tpu.memory_space<vmem>>)
        tpu.yield
      }) : () -> ()
      "tpu.region"() ({
        %run_scoped3A = tpu.sem_alloc : memref<!tpu.dma_semaphore, #tpu.memory_space<semaphore_mem>>
        %dma_start3A = arith.constant 0 : i32
        %dma_start3A_18 = tpu.memref_slice %arg3[%multiple_of3A, %dma_start3A] : memref<163840x24xf32, #tpu.memory_space<hbm>> -> memref<80x24xf32, #tpu.memory_space<hbm>>
        %dma_start3A_19 = arith.constant 0 : i32
        %dma_start3A_20 = tpu.memref_slice %arg3[%multiple_of3A, %dma_start3A_19] : memref<163840x24xf32, #tpu.memory_space<hbm>> -> memref<80x24xf32, #tpu.memory_space<hbm>>
        tpu.enqueue_dma source(%dma_start3A_20 : memref<80x24xf32, #tpu.memory_space<hbm>>) target(%arg7 : memref<80x24xf32, #tpu.memory_space<vmem>>) target_semaphore(%run_scoped3A : memref<!tpu.dma_semaphore, #tpu.memory_space<semaphore_mem>>)
        %dma_wait3A = arith.constant 0 : i32
        %dma_wait3A_21 = tpu.memref_slice %arg3[%multiple_of3A, %dma_wait3A] : memref<163840x24xf32, #tpu.memory_space<hbm>> -> memref<80x24xf32, #tpu.memory_space<hbm>>
        %dma_wait3A_22 = arith.constant 0 : i32
        %dma_wait3A_23 = tpu.memref_slice %arg3[%multiple_of3A, %dma_wait3A_22] : memref<163840x24xf32, #tpu.memory_space<hbm>> -> memref<80x24xf32, #tpu.memory_space<hbm>>
        tpu.wait_dma2 semaphore(%run_scoped3A : memref<!tpu.dma_semaphore, #tpu.memory_space<semaphore_mem>>) src(%dma_wait3A_23 : memref<80x24xf32, #tpu.memory_space<hbm>>) dst(%arg7 : memref<80x24xf32, #tpu.memory_space<vmem>>)
        tpu.yield
      }) : () -> ()
      "tpu.region"() ({
        %run_scoped3A = tpu.sem_alloc : memref<!tpu.dma_semaphore, #tpu.memory_space<semaphore_mem>>
        %dma_start3A = arith.constant 0 : i32
        %dma_start3A_18 = arith.constant 0 : i32
        %dma_start3A_19 = tpu.memref_slice %arg8[%dma_start3A, %dma_start3A_18] : memref<10000x24xf32, #tpu.memory_space<vmem_shared>> -> memref<10000x24xf32, #tpu.memory_space<vmem_shared>>
        tpu.enqueue_indirect_dma source(%arg7 : memref<80x24xf32, #tpu.memory_space<vmem>>) target(%dma_start3A_19 : memref<10000x24xf32, #tpu.memory_space<vmem_shared>>) offsets(%arg6 : memref<80xi32, #tpu.memory_space<vmem>>) semaphore(%run_scoped3A : memref<!tpu.dma_semaphore, #tpu.memory_space<semaphore_mem>>) {add = true}
        %dma_wait3A = arith.constant 0 : i32
        %dma_wait3A_20 = arith.constant 0 : i32
        %dma_wait3A_21 = tpu.memref_slice %arg8[%dma_wait3A, %dma_wait3A_20] : memref<10000x24xf32, #tpu.memory_space<vmem_shared>> -> memref<10000x24xf32, #tpu.memory_space<vmem_shared>>
        tpu.wait_indirect_dma semaphore(%run_scoped3A : memref<!tpu.dma_semaphore, #tpu.memory_space<semaphore_mem>>) src(%arg7 : memref<80x24xf32, #tpu.memory_space<vmem>>) dst(%dma_wait3A_21 : memref<10000x24xf32, #tpu.memory_space<vmem_shared>>)
        tpu.yield
      }) : () -> ()
    }
    %scan3A_9 = arith.constant 64 : i32
    %barrier3A_10 = arith.constant 0 : index
    tpu.barrier barrier_id(%barrier3A_10)
    %mul3A_11 = arith.constant 10000 : i32
    %mul3A_12 = arith.muli %arg0, %mul3A_11 : i32
    %add3A_13 = arith.addi %mul3A_12, %mul3A_2 : i32
    "tpu.region"() ({
      %run_scoped3A = tpu.sem_alloc : memref<!tpu.dma_semaphore, #tpu.memory_space<semaphore_mem>>
      %dma_start3A = arith.constant 0 : i32
      %dma_start3A_14 = tpu.memref_slice %arg5[%add3A_13, %dma_start3A] : memref<20000x24xf32, #tpu.memory_space<hbm>> -> memref<625x24xf32, #tpu.memory_space<hbm>>
      %dma_start3A_15 = arith.constant 0 : i32
      %dma_start3A_16 = tpu.memref_slice %arg8[%mul3A_2, %dma_start3A_15] : memref<10000x24xf32, #tpu.memory_space<vmem_shared>> -> memref<625x24xf32, #tpu.memory_space<vmem_shared>>
      tpu.enqueue_dma source(%dma_start3A_16 : memref<625x24xf32, #tpu.memory_space<vmem_shared>>) target(%dma_start3A_14 : memref<625x24xf32, #tpu.memory_space<hbm>>) target_semaphore(%run_scoped3A : memref<!tpu.dma_semaphore, #tpu.memory_space<semaphore_mem>>)
      %dma_wait3A = arith.constant 0 : i32
      %dma_wait3A_17 = tpu.memref_slice %arg5[%add3A_13, %dma_wait3A] : memref<20000x24xf32, #tpu.memory_space<hbm>> -> memref<625x24xf32, #tpu.memory_space<hbm>>
      %dma_wait3A_18 = arith.constant 0 : i32
      %dma_wait3A_19 = tpu.memref_slice %arg8[%mul3A_2, %dma_wait3A_18] : memref<10000x24xf32, #tpu.memory_space<vmem_shared>> -> memref<625x24xf32, #tpu.memory_space<vmem_shared>>
      tpu.wait_dma2 semaphore(%run_scoped3A : memref<!tpu.dma_semaphore, #tpu.memory_space<semaphore_mem>>) src(%dma_wait3A_19 : memref<625x24xf32, #tpu.memory_space<vmem_shared>>) dst(%dma_wait3A_17 : memref<625x24xf32, #tpu.memory_space<hbm>>)
      tpu.yield
    }) : () -> ()
    return
  }
}

#map = affine_map<(d0, d1) -> (0)>
#map1 = affine_map<(d0, d1) -> (0, 0)>
module attributes {stable_mosaic.version = 14 : i64} {
  func.func @scatter_kernel(%arg0: i32, %arg1: i32, %arg2: memref<156160xi32, #tpu.memory_space<hbm>>, %arg3: memref<156160x24xf32, #tpu.memory_space<hbm>>, %arg4: memref<10000x24xf32, #tpu.memory_space<hbm>>, %arg5: memref<20000x24xf32, #tpu.memory_space<hbm>>, %arg6: memref<80xi32, #tpu.memory_space<vmem>>, %arg7: memref<80x24xf32, #tpu.memory_space<vmem>>, %arg8: memref<10000x24xf32, #tpu.memory_space<vmem_shared>>) attributes {dimension_semantics = [#tpu.dimension_semantics<core_parallel>, #tpu.dimension_semantics<subcore_parallel>], iteration_bounds = array<i64: 2, 16>, scalar_prefetch = 0 : i64, scratch_operands = 3 : i64, tpu.core_type = #tpu.core_type<sc_vector_subcore>, window_params = [{transform_indices = #map}, {transform_indices = #map1}, {transform_indices = #map1}, {transform_indices = #map1}]} {
    %mul3A = arith.constant 2 : i32
    %mul3A_0 = arith.muli %arg1, %mul3A : i32
    %add3A = arith.addi %mul3A_0, %arg0 : i32
    %mul3A_1 = arith.constant 625 : i32
    %mul3A_2 = arith.muli %arg1, %mul3A_1 : i32
    "tpu.region"() ({
      %run_scoped3A = tpu.sem_alloc : memref<!tpu.dma_semaphore, #tpu.memory_space<semaphore_mem>>
      %dma_start3A = arith.constant 0 : i32
      %dma_start3A_14 = tpu.memref_slice %arg8[%mul3A_2, %dma_start3A] : memref<10000x24xf32, #tpu.memory_space<vmem_shared>> -> memref<625x24xf32, #tpu.memory_space<vmem_shared>>
      %dma_start3A_15 = arith.constant 0 : i32
      %dma_start3A_16 = tpu.memref_slice %arg4[%mul3A_2, %dma_start3A_15] : memref<10000x24xf32, #tpu.memory_space<hbm>> -> memref<625x24xf32, #tpu.memory_space<hbm>>
      tpu.enqueue_dma source(%dma_start3A_16 : memref<625x24xf32, #tpu.memory_space<hbm>>) target(%dma_start3A_14 : memref<625x24xf32, #tpu.memory_space<vmem_shared>>) target_semaphore(%run_scoped3A : memref<!tpu.dma_semaphore, #tpu.memory_space<semaphore_mem>>)
      %dma_wait3A = arith.constant 0 : i32
      %dma_wait3A_17 = tpu.memref_slice %arg8[%mul3A_2, %dma_wait3A] : memref<10000x24xf32, #tpu.memory_space<vmem_shared>> -> memref<625x24xf32, #tpu.memory_space<vmem_shared>>
      %dma_wait3A_18 = arith.constant 0 : i32
      %dma_wait3A_19 = tpu.memref_slice %arg4[%mul3A_2, %dma_wait3A_18] : memref<10000x24xf32, #tpu.memory_space<hbm>> -> memref<625x24xf32, #tpu.memory_space<hbm>>
      tpu.wait_dma2 semaphore(%run_scoped3A : memref<!tpu.dma_semaphore, #tpu.memory_space<semaphore_mem>>) src(%dma_wait3A_19 : memref<625x24xf32, #tpu.memory_space<hbm>>) dst(%dma_wait3A_17 : memref<625x24xf32, #tpu.memory_space<vmem_shared>>)
      tpu.yield
    }) : () -> ()
    %barrier3A = arith.constant 0 : index
    tpu.barrier barrier_id(%barrier3A)
    %mul3A_3 = arith.constant 4880 : i32
    %mul3A_4 = arith.muli %add3A, %mul3A_3 : i32
    %scan3A = arith.constant 0 : i32
    %scan3A_5 = arith.constant 0 : i32
    %scan3A_6 = arith.constant 61 : i32
    %scan3A_7 = arith.addi %scan3A_5, %scan3A_6 : i32
    %scan3A_8 = arith.constant 1 : i32
    scf.for %scan3A_14 = %scan3A_5 to %scan3A_7 step %scan3A_8  : i32 {
      %mul3A_15 = arith.constant 80 : i32
      %mul3A_16 = arith.muli %scan3A_14, %mul3A_15 : i32
      %add3A_17 = arith.addi %mul3A_4, %mul3A_16 : i32
      %multiple_of3A = tpu.assume_multiple %add3A_17, 8 : i32
      "tpu.region"() ({
        %run_scoped3A = tpu.sem_alloc : memref<!tpu.dma_semaphore, #tpu.memory_space<semaphore_mem>>
        %dma_start3A = tpu.memref_slice %arg2[%multiple_of3A] : memref<156160xi32, #tpu.memory_space<hbm>> -> memref<80xi32, #tpu.memory_space<hbm>>
        %dma_start3A_18 = tpu.memref_slice %arg2[%multiple_of3A] : memref<156160xi32, #tpu.memory_space<hbm>> -> memref<80xi32, #tpu.memory_space<hbm>>
        tpu.enqueue_dma source(%dma_start3A_18 : memref<80xi32, #tpu.memory_space<hbm>>) target(%arg6 : memref<80xi32, #tpu.memory_space<vmem>>) target_semaphore(%run_scoped3A : memref<!tpu.dma_semaphore, #tpu.memory_space<semaphore_mem>>)
        %dma_wait3A = tpu.memref_slice %arg2[%multiple_of3A] : memref<156160xi32, #tpu.memory_space<hbm>> -> memref<80xi32, #tpu.memory_space<hbm>>
        %dma_wait3A_19 = tpu.memref_slice %arg2[%multiple_of3A] : memref<156160xi32, #tpu.memory_space<hbm>> -> memref<80xi32, #tpu.memory_space<hbm>>
        tpu.wait_dma2 semaphore(%run_scoped3A : memref<!tpu.dma_semaphore, #tpu.memory_space<semaphore_mem>>) src(%dma_wait3A_19 : memref<80xi32, #tpu.memory_space<hbm>>) dst(%arg6 : memref<80xi32, #tpu.memory_space<vmem>>)
        tpu.yield
      }) : () -> ()
      "tpu.region"() ({
        %run_scoped3A = tpu.sem_alloc : memref<!tpu.dma_semaphore, #tpu.memory_space<semaphore_mem>>
        %dma_start3A = arith.constant 0 : i32
        %dma_start3A_18 = tpu.memref_slice %arg3[%multiple_of3A, %dma_start3A] : memref<156160x24xf32, #tpu.memory_space<hbm>> -> memref<80x24xf32, #tpu.memory_space<hbm>>
        %dma_start3A_19 = arith.constant 0 : i32
        %dma_start3A_20 = tpu.memref_slice %arg3[%multiple_of3A, %dma_start3A_19] : memref<156160x24xf32, #tpu.memory_space<hbm>> -> memref<80x24xf32, #tpu.memory_space<hbm>>
        tpu.enqueue_dma source(%dma_start3A_20 : memref<80x24xf32, #tpu.memory_space<hbm>>) target(%arg7 : memref<80x24xf32, #tpu.memory_space<vmem>>) target_semaphore(%run_scoped3A : memref<!tpu.dma_semaphore, #tpu.memory_space<semaphore_mem>>)
        %dma_wait3A = arith.constant 0 : i32
        %dma_wait3A_21 = tpu.memref_slice %arg3[%multiple_of3A, %dma_wait3A] : memref<156160x24xf32, #tpu.memory_space<hbm>> -> memref<80x24xf32, #tpu.memory_space<hbm>>
        %dma_wait3A_22 = arith.constant 0 : i32
        %dma_wait3A_23 = tpu.memref_slice %arg3[%multiple_of3A, %dma_wait3A_22] : memref<156160x24xf32, #tpu.memory_space<hbm>> -> memref<80x24xf32, #tpu.memory_space<hbm>>
        tpu.wait_dma2 semaphore(%run_scoped3A : memref<!tpu.dma_semaphore, #tpu.memory_space<semaphore_mem>>) src(%dma_wait3A_23 : memref<80x24xf32, #tpu.memory_space<hbm>>) dst(%arg7 : memref<80x24xf32, #tpu.memory_space<vmem>>)
        tpu.yield
      }) : () -> ()
      "tpu.region"() ({
        %run_scoped3A = tpu.sem_alloc : memref<!tpu.dma_semaphore, #tpu.memory_space<semaphore_mem>>
        %dma_start3A = arith.constant 0 : i32
        %dma_start3A_18 = arith.constant 0 : i32
        %dma_start3A_19 = tpu.memref_slice %arg8[%dma_start3A, %dma_start3A_18] : memref<10000x24xf32, #tpu.memory_space<vmem_shared>> -> memref<10000x24xf32, #tpu.memory_space<vmem_shared>>
        tpu.enqueue_indirect_dma source(%arg7 : memref<80x24xf32, #tpu.memory_space<vmem>>) target(%dma_start3A_19 : memref<10000x24xf32, #tpu.memory_space<vmem_shared>>) offsets(%arg6 : memref<80xi32, #tpu.memory_space<vmem>>) semaphore(%run_scoped3A : memref<!tpu.dma_semaphore, #tpu.memory_space<semaphore_mem>>) {add = true}
        %dma_wait3A = arith.constant 0 : i32
        %dma_wait3A_20 = arith.constant 0 : i32
        %dma_wait3A_21 = tpu.memref_slice %arg8[%dma_wait3A, %dma_wait3A_20] : memref<10000x24xf32, #tpu.memory_space<vmem_shared>> -> memref<10000x24xf32, #tpu.memory_space<vmem_shared>>
        tpu.wait_indirect_dma semaphore(%run_scoped3A : memref<!tpu.dma_semaphore, #tpu.memory_space<semaphore_mem>>) src(%arg7 : memref<80x24xf32, #tpu.memory_space<vmem>>) dst(%dma_wait3A_21 : memref<10000x24xf32, #tpu.memory_space<vmem_shared>>)
        tpu.yield
      }) : () -> ()
    }
    %scan3A_9 = arith.constant 61 : i32
    %barrier3A_10 = arith.constant 0 : index
    tpu.barrier barrier_id(%barrier3A_10)
    %mul3A_11 = arith.constant 10000 : i32
    %mul3A_12 = arith.muli %arg0, %mul3A_11 : i32
    %add3A_13 = arith.addi %mul3A_12, %mul3A_2 : i32
    "tpu.region"() ({
      %run_scoped3A = tpu.sem_alloc : memref<!tpu.dma_semaphore, #tpu.memory_space<semaphore_mem>>
      %dma_start3A = arith.constant 0 : i32
      %dma_start3A_14 = tpu.memref_slice %arg5[%add3A_13, %dma_start3A] : memref<20000x24xf32, #tpu.memory_space<hbm>> -> memref<625x24xf32, #tpu.memory_space<hbm>>
      %dma_start3A_15 = arith.constant 0 : i32
      %dma_start3A_16 = tpu.memref_slice %arg8[%mul3A_2, %dma_start3A_15] : memref<10000x24xf32, #tpu.memory_space<vmem_shared>> -> memref<625x24xf32, #tpu.memory_space<vmem_shared>>
      tpu.enqueue_dma source(%dma_start3A_16 : memref<625x24xf32, #tpu.memory_space<vmem_shared>>) target(%dma_start3A_14 : memref<625x24xf32, #tpu.memory_space<hbm>>) target_semaphore(%run_scoped3A : memref<!tpu.dma_semaphore, #tpu.memory_space<semaphore_mem>>)
      %dma_wait3A = arith.constant 0 : i32
      %dma_wait3A_17 = tpu.memref_slice %arg5[%add3A_13, %dma_wait3A] : memref<20000x24xf32, #tpu.memory_space<hbm>> -> memref<625x24xf32, #tpu.memory_space<hbm>>
      %dma_wait3A_18 = arith.constant 0 : i32
      %dma_wait3A_19 = tpu.memref_slice %arg8[%mul3A_2, %dma_wait3A_18] : memref<10000x24xf32, #tpu.memory_space<vmem_shared>> -> memref<625x24xf32, #tpu.memory_space<vmem_shared>>
      tpu.wait_dma2 semaphore(%run_scoped3A : memref<!tpu.dma_semaphore, #tpu.memory_space<semaphore_mem>>) src(%dma_wait3A_19 : memref<625x24xf32, #tpu.memory_space<vmem_shared>>) dst(%dma_wait3A_17 : memref<625x24xf32, #tpu.memory_space<hbm>>)
      tpu.yield
    }) : () -> ()
    return
  }
}

#map = affine_map<(d0, d1) -> (0)>
#map1 = affine_map<(d0, d1) -> (0, 0)>
module attributes {stable_mosaic.version = 14 : i64} {
  func.func @gather_kernel(%arg0: i32, %arg1: i32, %arg2: memref<163840xi32, #tpu.memory_space<hbm>>, %arg3: memref<163840xi32, #tpu.memory_space<hbm>>, %arg4: memref<10000x128xf32, #tpu.memory_space<hbm>>, %arg5: memref<10000x128xf32, #tpu.memory_space<hbm>>, %arg6: memref<163840x128xf32, #tpu.memory_space<hbm>>, %arg7: memref<163840x128xf32, #tpu.memory_space<hbm>>, %arg8: memref<80xi32, #tpu.memory_space<vmem>>, %arg9: memref<80xi32, #tpu.memory_space<vmem>>, %arg10: memref<80x128xf32, #tpu.memory_space<vmem>>, %arg11: memref<80x128xf32, #tpu.memory_space<vmem>>, %arg12: memref<!tpu.dma_semaphore, #tpu.memory_space<semaphore_mem>>) attributes {dimension_semantics = [#tpu.dimension_semantics<core_parallel>, #tpu.dimension_semantics<subcore_parallel>], iteration_bounds = array<i64: 2, 16>, scalar_prefetch = 0 : i64, scratch_operands = 5 : i64, tpu.core_type = #tpu.core_type<sc_vector_subcore>, window_params = [{transform_indices = #map}, {transform_indices = #map}, {transform_indices = #map1}, {transform_indices = #map1}, {transform_indices = #map1}, {transform_indices = #map1}]} {
    %mul3A = arith.constant 2 : i32
    %mul3A_0 = arith.muli %arg1, %mul3A : i32
    %add3A = arith.addi %mul3A_0, %arg0 : i32
    %mul3A_1 = arith.constant 5120 : i32
    %mul3A_2 = arith.muli %add3A, %mul3A_1 : i32
    %scan3A = arith.constant 0 : i32
    %scan3A_3 = arith.constant 0 : i32
    %scan3A_4 = arith.constant 64 : i32
    %scan3A_5 = arith.addi %scan3A_3, %scan3A_4 : i32
    %scan3A_6 = arith.constant 1 : i32
    scf.for %scan3A_8 = %scan3A_3 to %scan3A_5 step %scan3A_6  : i32 {
      %mul3A_9 = arith.constant 80 : i32
      %mul3A_10 = arith.muli %scan3A_8, %mul3A_9 : i32
      %add3A_11 = arith.addi %mul3A_2, %mul3A_10 : i32
      %multiple_of3A = tpu.assume_multiple %add3A_11, 8 : i32
      "tpu.region"() ({
        %run_scoped3A = tpu.sem_alloc : memref<!tpu.dma_semaphore, #tpu.memory_space<semaphore_mem>>
        %dma_start3A_22 = tpu.memref_slice %arg2[%multiple_of3A] : memref<163840xi32, #tpu.memory_space<hbm>> -> memref<80xi32, #tpu.memory_space<hbm>>
        %dma_start3A_23 = tpu.memref_slice %arg2[%multiple_of3A] : memref<163840xi32, #tpu.memory_space<hbm>> -> memref<80xi32, #tpu.memory_space<hbm>>
        tpu.enqueue_dma source(%dma_start3A_23 : memref<80xi32, #tpu.memory_space<hbm>>) target(%arg8 : memref<80xi32, #tpu.memory_space<vmem>>) target_semaphore(%run_scoped3A : memref<!tpu.dma_semaphore, #tpu.memory_space<semaphore_mem>>)
        %dma_wait3A_24 = tpu.memref_slice %arg2[%multiple_of3A] : memref<163840xi32, #tpu.memory_space<hbm>> -> memref<80xi32, #tpu.memory_space<hbm>>
        %dma_wait3A_25 = tpu.memref_slice %arg2[%multiple_of3A] : memref<163840xi32, #tpu.memory_space<hbm>> -> memref<80xi32, #tpu.memory_space<hbm>>
        tpu.wait_dma2 semaphore(%run_scoped3A : memref<!tpu.dma_semaphore, #tpu.memory_space<semaphore_mem>>) src(%dma_wait3A_25 : memref<80xi32, #tpu.memory_space<hbm>>) dst(%arg8 : memref<80xi32, #tpu.memory_space<vmem>>)
        tpu.yield
      }) : () -> ()
      "tpu.region"() ({
        %run_scoped3A = tpu.sem_alloc : memref<!tpu.dma_semaphore, #tpu.memory_space<semaphore_mem>>
        %dma_start3A_22 = tpu.memref_slice %arg3[%multiple_of3A] : memref<163840xi32, #tpu.memory_space<hbm>> -> memref<80xi32, #tpu.memory_space<hbm>>
        %dma_start3A_23 = tpu.memref_slice %arg3[%multiple_of3A] : memref<163840xi32, #tpu.memory_space<hbm>> -> memref<80xi32, #tpu.memory_space<hbm>>
        tpu.enqueue_dma source(%dma_start3A_23 : memref<80xi32, #tpu.memory_space<hbm>>) target(%arg9 : memref<80xi32, #tpu.memory_space<vmem>>) target_semaphore(%run_scoped3A : memref<!tpu.dma_semaphore, #tpu.memory_space<semaphore_mem>>)
        %dma_wait3A_24 = tpu.memref_slice %arg3[%multiple_of3A] : memref<163840xi32, #tpu.memory_space<hbm>> -> memref<80xi32, #tpu.memory_space<hbm>>
        %dma_wait3A_25 = tpu.memref_slice %arg3[%multiple_of3A] : memref<163840xi32, #tpu.memory_space<hbm>> -> memref<80xi32, #tpu.memory_space<hbm>>
        tpu.wait_dma2 semaphore(%run_scoped3A : memref<!tpu.dma_semaphore, #tpu.memory_space<semaphore_mem>>) src(%dma_wait3A_25 : memref<80xi32, #tpu.memory_space<hbm>>) dst(%arg9 : memref<80xi32, #tpu.memory_space<vmem>>)
        tpu.yield
      }) : () -> ()
      %dma_start3A = arith.constant 0 : i32
      %dma_start3A_12 = arith.constant 0 : i32
      %dma_start3A_13 = tpu.memref_slice %arg4[%dma_start3A, %dma_start3A_12] : memref<10000x128xf32, #tpu.memory_space<hbm>> -> memref<10000x128xf32, #tpu.memory_space<hbm>>
      tpu.enqueue_indirect_dma source(%dma_start3A_13 : memref<10000x128xf32, #tpu.memory_space<hbm>>) target(%arg10 : memref<80x128xf32, #tpu.memory_space<vmem>>) offsets(%arg8 : memref<80xi32, #tpu.memory_space<vmem>>) semaphore(%arg12 : memref<!tpu.dma_semaphore, #tpu.memory_space<semaphore_mem>>)
      %dma_start3A_14 = arith.constant 0 : i32
      %dma_start3A_15 = arith.constant 0 : i32
      %dma_start3A_16 = tpu.memref_slice %arg5[%dma_start3A_14, %dma_start3A_15] : memref<10000x128xf32, #tpu.memory_space<hbm>> -> memref<10000x128xf32, #tpu.memory_space<hbm>>
      tpu.enqueue_indirect_dma source(%dma_start3A_16 : memref<10000x128xf32, #tpu.memory_space<hbm>>) target(%arg11 : memref<80x128xf32, #tpu.memory_space<vmem>>) offsets(%arg9 : memref<80xi32, #tpu.memory_space<vmem>>) semaphore(%arg12 : memref<!tpu.dma_semaphore, #tpu.memory_space<semaphore_mem>>)
      %dma_wait3A = arith.constant 0 : i32
      %dma_wait3A_17 = arith.constant 0 : i32
      %dma_wait3A_18 = tpu.memref_slice %arg4[%dma_wait3A, %dma_wait3A_17] : memref<10000x128xf32, #tpu.memory_space<hbm>> -> memref<10000x128xf32, #tpu.memory_space<hbm>>
      tpu.wait_indirect_dma semaphore(%arg12 : memref<!tpu.dma_semaphore, #tpu.memory_space<semaphore_mem>>) src(%dma_wait3A_18 : memref<10000x128xf32, #tpu.memory_space<hbm>>) dst(%arg10 : memref<80x128xf32, #tpu.memory_space<vmem>>)
      %dma_wait3A_19 = arith.constant 0 : i32
      %dma_wait3A_20 = arith.constant 0 : i32
      %dma_wait3A_21 = tpu.memref_slice %arg5[%dma_wait3A_19, %dma_wait3A_20] : memref<10000x128xf32, #tpu.memory_space<hbm>> -> memref<10000x128xf32, #tpu.memory_space<hbm>>
      tpu.wait_indirect_dma semaphore(%arg12 : memref<!tpu.dma_semaphore, #tpu.memory_space<semaphore_mem>>) src(%dma_wait3A_21 : memref<10000x128xf32, #tpu.memory_space<hbm>>) dst(%arg11 : memref<80x128xf32, #tpu.memory_space<vmem>>)
      "tpu.region"() ({
        %run_scoped3A = tpu.sem_alloc : memref<!tpu.dma_semaphore, #tpu.memory_space<semaphore_mem>>
        %dma_start3A_22 = arith.constant 0 : i32
        %dma_start3A_23 = tpu.memref_slice %arg6[%multiple_of3A, %dma_start3A_22] : memref<163840x128xf32, #tpu.memory_space<hbm>> -> memref<80x128xf32, #tpu.memory_space<hbm>>
        %dma_start3A_24 = arith.constant 0 : i32
        %dma_start3A_25 = tpu.memref_slice %arg6[%multiple_of3A, %dma_start3A_24] : memref<163840x128xf32, #tpu.memory_space<hbm>> -> memref<80x128xf32, #tpu.memory_space<hbm>>
        tpu.enqueue_dma source(%arg10 : memref<80x128xf32, #tpu.memory_space<vmem>>) target(%dma_start3A_25 : memref<80x128xf32, #tpu.memory_space<hbm>>) target_semaphore(%run_scoped3A : memref<!tpu.dma_semaphore, #tpu.memory_space<semaphore_mem>>)
        %dma_wait3A_26 = arith.constant 0 : i32
        %dma_wait3A_27 = tpu.memref_slice %arg6[%multiple_of3A, %dma_wait3A_26] : memref<163840x128xf32, #tpu.memory_space<hbm>> -> memref<80x128xf32, #tpu.memory_space<hbm>>
        %dma_wait3A_28 = arith.constant 0 : i32
        %dma_wait3A_29 = tpu.memref_slice %arg6[%multiple_of3A, %dma_wait3A_28] : memref<163840x128xf32, #tpu.memory_space<hbm>> -> memref<80x128xf32, #tpu.memory_space<hbm>>
        tpu.wait_dma2 semaphore(%run_scoped3A : memref<!tpu.dma_semaphore, #tpu.memory_space<semaphore_mem>>) src(%arg10 : memref<80x128xf32, #tpu.memory_space<vmem>>) dst(%dma_wait3A_29 : memref<80x128xf32, #tpu.memory_space<hbm>>)
        tpu.yield
      }) : () -> ()
      "tpu.region"() ({
        %run_scoped3A = tpu.sem_alloc : memref<!tpu.dma_semaphore, #tpu.memory_space<semaphore_mem>>
        %dma_start3A_22 = arith.constant 0 : i32
        %dma_start3A_23 = tpu.memref_slice %arg7[%multiple_of3A, %dma_start3A_22] : memref<163840x128xf32, #tpu.memory_space<hbm>> -> memref<80x128xf32, #tpu.memory_space<hbm>>
        %dma_start3A_24 = arith.constant 0 : i32
        %dma_start3A_25 = tpu.memref_slice %arg7[%multiple_of3A, %dma_start3A_24] : memref<163840x128xf32, #tpu.memory_space<hbm>> -> memref<80x128xf32, #tpu.memory_space<hbm>>
        tpu.enqueue_dma source(%arg11 : memref<80x128xf32, #tpu.memory_space<vmem>>) target(%dma_start3A_25 : memref<80x128xf32, #tpu.memory_space<hbm>>) target_semaphore(%run_scoped3A : memref<!tpu.dma_semaphore, #tpu.memory_space<semaphore_mem>>)
        %dma_wait3A_26 = arith.constant 0 : i32
        %dma_wait3A_27 = tpu.memref_slice %arg7[%multiple_of3A, %dma_wait3A_26] : memref<163840x128xf32, #tpu.memory_space<hbm>> -> memref<80x128xf32, #tpu.memory_space<hbm>>
        %dma_wait3A_28 = arith.constant 0 : i32
        %dma_wait3A_29 = tpu.memref_slice %arg7[%multiple_of3A, %dma_wait3A_28] : memref<163840x128xf32, #tpu.memory_space<hbm>> -> memref<80x128xf32, #tpu.memory_space<hbm>>
        tpu.wait_dma2 semaphore(%run_scoped3A : memref<!tpu.dma_semaphore, #tpu.memory_space<semaphore_mem>>) src(%arg11 : memref<80x128xf32, #tpu.memory_space<vmem>>) dst(%dma_wait3A_29 : memref<80x128xf32, #tpu.memory_space<hbm>>)
        tpu.yield
      }) : () -> ()
    }
    %scan3A_7 = arith.constant 64 : i32
    return
  }
}

#map = affine_map<(d0, d1) -> (0)>
#map1 = affine_map<(d0, d1) -> (0, 0)>
module attributes {stable_mosaic.version = 14 : i64} {
  func.func @gather_kernel(%arg0: i32, %arg1: i32, %arg2: memref<156160xi32, #tpu.memory_space<hbm>>, %arg3: memref<156160xi32, #tpu.memory_space<hbm>>, %arg4: memref<10000x128xf32, #tpu.memory_space<hbm>>, %arg5: memref<10000x128xf32, #tpu.memory_space<hbm>>, %arg6: memref<156160x128xf32, #tpu.memory_space<hbm>>, %arg7: memref<156160x128xf32, #tpu.memory_space<hbm>>, %arg8: memref<80xi32, #tpu.memory_space<vmem>>, %arg9: memref<80xi32, #tpu.memory_space<vmem>>, %arg10: memref<80x128xf32, #tpu.memory_space<vmem>>, %arg11: memref<80x128xf32, #tpu.memory_space<vmem>>, %arg12: memref<!tpu.dma_semaphore, #tpu.memory_space<semaphore_mem>>) attributes {dimension_semantics = [#tpu.dimension_semantics<core_parallel>, #tpu.dimension_semantics<subcore_parallel>], iteration_bounds = array<i64: 2, 16>, scalar_prefetch = 0 : i64, scratch_operands = 5 : i64, tpu.core_type = #tpu.core_type<sc_vector_subcore>, window_params = [{transform_indices = #map}, {transform_indices = #map}, {transform_indices = #map1}, {transform_indices = #map1}, {transform_indices = #map1}, {transform_indices = #map1}]} {
    %mul3A = arith.constant 2 : i32
    %mul3A_0 = arith.muli %arg1, %mul3A : i32
    %add3A = arith.addi %mul3A_0, %arg0 : i32
    %mul3A_1 = arith.constant 4880 : i32
    %mul3A_2 = arith.muli %add3A, %mul3A_1 : i32
    %scan3A = arith.constant 0 : i32
    %scan3A_3 = arith.constant 0 : i32
    %scan3A_4 = arith.constant 61 : i32
    %scan3A_5 = arith.addi %scan3A_3, %scan3A_4 : i32
    %scan3A_6 = arith.constant 1 : i32
    scf.for %scan3A_8 = %scan3A_3 to %scan3A_5 step %scan3A_6  : i32 {
      %mul3A_9 = arith.constant 80 : i32
      %mul3A_10 = arith.muli %scan3A_8, %mul3A_9 : i32
      %add3A_11 = arith.addi %mul3A_2, %mul3A_10 : i32
      %multiple_of3A = tpu.assume_multiple %add3A_11, 8 : i32
      "tpu.region"() ({
        %run_scoped3A = tpu.sem_alloc : memref<!tpu.dma_semaphore, #tpu.memory_space<semaphore_mem>>
        %dma_start3A_22 = tpu.memref_slice %arg2[%multiple_of3A] : memref<156160xi32, #tpu.memory_space<hbm>> -> memref<80xi32, #tpu.memory_space<hbm>>
        %dma_start3A_23 = tpu.memref_slice %arg2[%multiple_of3A] : memref<156160xi32, #tpu.memory_space<hbm>> -> memref<80xi32, #tpu.memory_space<hbm>>
        tpu.enqueue_dma source(%dma_start3A_23 : memref<80xi32, #tpu.memory_space<hbm>>) target(%arg8 : memref<80xi32, #tpu.memory_space<vmem>>) target_semaphore(%run_scoped3A : memref<!tpu.dma_semaphore, #tpu.memory_space<semaphore_mem>>)
        %dma_wait3A_24 = tpu.memref_slice %arg2[%multiple_of3A] : memref<156160xi32, #tpu.memory_space<hbm>> -> memref<80xi32, #tpu.memory_space<hbm>>
        %dma_wait3A_25 = tpu.memref_slice %arg2[%multiple_of3A] : memref<156160xi32, #tpu.memory_space<hbm>> -> memref<80xi32, #tpu.memory_space<hbm>>
        tpu.wait_dma2 semaphore(%run_scoped3A : memref<!tpu.dma_semaphore, #tpu.memory_space<semaphore_mem>>) src(%dma_wait3A_25 : memref<80xi32, #tpu.memory_space<hbm>>) dst(%arg8 : memref<80xi32, #tpu.memory_space<vmem>>)
        tpu.yield
      }) : () -> ()
      "tpu.region"() ({
        %run_scoped3A = tpu.sem_alloc : memref<!tpu.dma_semaphore, #tpu.memory_space<semaphore_mem>>
        %dma_start3A_22 = tpu.memref_slice %arg3[%multiple_of3A] : memref<156160xi32, #tpu.memory_space<hbm>> -> memref<80xi32, #tpu.memory_space<hbm>>
        %dma_start3A_23 = tpu.memref_slice %arg3[%multiple_of3A] : memref<156160xi32, #tpu.memory_space<hbm>> -> memref<80xi32, #tpu.memory_space<hbm>>
        tpu.enqueue_dma source(%dma_start3A_23 : memref<80xi32, #tpu.memory_space<hbm>>) target(%arg9 : memref<80xi32, #tpu.memory_space<vmem>>) target_semaphore(%run_scoped3A : memref<!tpu.dma_semaphore, #tpu.memory_space<semaphore_mem>>)
        %dma_wait3A_24 = tpu.memref_slice %arg3[%multiple_of3A] : memref<156160xi32, #tpu.memory_space<hbm>> -> memref<80xi32, #tpu.memory_space<hbm>>
        %dma_wait3A_25 = tpu.memref_slice %arg3[%multiple_of3A] : memref<156160xi32, #tpu.memory_space<hbm>> -> memref<80xi32, #tpu.memory_space<hbm>>
        tpu.wait_dma2 semaphore(%run_scoped3A : memref<!tpu.dma_semaphore, #tpu.memory_space<semaphore_mem>>) src(%dma_wait3A_25 : memref<80xi32, #tpu.memory_space<hbm>>) dst(%arg9 : memref<80xi32, #tpu.memory_space<vmem>>)
        tpu.yield
      }) : () -> ()
      %dma_start3A = arith.constant 0 : i32
      %dma_start3A_12 = arith.constant 0 : i32
      %dma_start3A_13 = tpu.memref_slice %arg4[%dma_start3A, %dma_start3A_12] : memref<10000x128xf32, #tpu.memory_space<hbm>> -> memref<10000x128xf32, #tpu.memory_space<hbm>>
      tpu.enqueue_indirect_dma source(%dma_start3A_13 : memref<10000x128xf32, #tpu.memory_space<hbm>>) target(%arg10 : memref<80x128xf32, #tpu.memory_space<vmem>>) offsets(%arg8 : memref<80xi32, #tpu.memory_space<vmem>>) semaphore(%arg12 : memref<!tpu.dma_semaphore, #tpu.memory_space<semaphore_mem>>)
      %dma_start3A_14 = arith.constant 0 : i32
      %dma_start3A_15 = arith.constant 0 : i32
      %dma_start3A_16 = tpu.memref_slice %arg5[%dma_start3A_14, %dma_start3A_15] : memref<10000x128xf32, #tpu.memory_space<hbm>> -> memref<10000x128xf32, #tpu.memory_space<hbm>>
      tpu.enqueue_indirect_dma source(%dma_start3A_16 : memref<10000x128xf32, #tpu.memory_space<hbm>>) target(%arg11 : memref<80x128xf32, #tpu.memory_space<vmem>>) offsets(%arg9 : memref<80xi32, #tpu.memory_space<vmem>>) semaphore(%arg12 : memref<!tpu.dma_semaphore, #tpu.memory_space<semaphore_mem>>)
      %dma_wait3A = arith.constant 0 : i32
      %dma_wait3A_17 = arith.constant 0 : i32
      %dma_wait3A_18 = tpu.memref_slice %arg4[%dma_wait3A, %dma_wait3A_17] : memref<10000x128xf32, #tpu.memory_space<hbm>> -> memref<10000x128xf32, #tpu.memory_space<hbm>>
      tpu.wait_indirect_dma semaphore(%arg12 : memref<!tpu.dma_semaphore, #tpu.memory_space<semaphore_mem>>) src(%dma_wait3A_18 : memref<10000x128xf32, #tpu.memory_space<hbm>>) dst(%arg10 : memref<80x128xf32, #tpu.memory_space<vmem>>)
      %dma_wait3A_19 = arith.constant 0 : i32
      %dma_wait3A_20 = arith.constant 0 : i32
      %dma_wait3A_21 = tpu.memref_slice %arg5[%dma_wait3A_19, %dma_wait3A_20] : memref<10000x128xf32, #tpu.memory_space<hbm>> -> memref<10000x128xf32, #tpu.memory_space<hbm>>
      tpu.wait_indirect_dma semaphore(%arg12 : memref<!tpu.dma_semaphore, #tpu.memory_space<semaphore_mem>>) src(%dma_wait3A_21 : memref<10000x128xf32, #tpu.memory_space<hbm>>) dst(%arg11 : memref<80x128xf32, #tpu.memory_space<vmem>>)
      "tpu.region"() ({
        %run_scoped3A = tpu.sem_alloc : memref<!tpu.dma_semaphore, #tpu.memory_space<semaphore_mem>>
        %dma_start3A_22 = arith.constant 0 : i32
        %dma_start3A_23 = tpu.memref_slice %arg6[%multiple_of3A, %dma_start3A_22] : memref<156160x128xf32, #tpu.memory_space<hbm>> -> memref<80x128xf32, #tpu.memory_space<hbm>>
        %dma_start3A_24 = arith.constant 0 : i32
        %dma_start3A_25 = tpu.memref_slice %arg6[%multiple_of3A, %dma_start3A_24] : memref<156160x128xf32, #tpu.memory_space<hbm>> -> memref<80x128xf32, #tpu.memory_space<hbm>>
        tpu.enqueue_dma source(%arg10 : memref<80x128xf32, #tpu.memory_space<vmem>>) target(%dma_start3A_25 : memref<80x128xf32, #tpu.memory_space<hbm>>) target_semaphore(%run_scoped3A : memref<!tpu.dma_semaphore, #tpu.memory_space<semaphore_mem>>)
        %dma_wait3A_26 = arith.constant 0 : i32
        %dma_wait3A_27 = tpu.memref_slice %arg6[%multiple_of3A, %dma_wait3A_26] : memref<156160x128xf32, #tpu.memory_space<hbm>> -> memref<80x128xf32, #tpu.memory_space<hbm>>
        %dma_wait3A_28 = arith.constant 0 : i32
        %dma_wait3A_29 = tpu.memref_slice %arg6[%multiple_of3A, %dma_wait3A_28] : memref<156160x128xf32, #tpu.memory_space<hbm>> -> memref<80x128xf32, #tpu.memory_space<hbm>>
        tpu.wait_dma2 semaphore(%run_scoped3A : memref<!tpu.dma_semaphore, #tpu.memory_space<semaphore_mem>>) src(%arg10 : memref<80x128xf32, #tpu.memory_space<vmem>>) dst(%dma_wait3A_29 : memref<80x128xf32, #tpu.memory_space<hbm>>)
        tpu.yield
      }) : () -> ()
      "tpu.region"() ({
        %run_scoped3A = tpu.sem_alloc : memref<!tpu.dma_semaphore, #tpu.memory_space<semaphore_mem>>
        %dma_start3A_22 = arith.constant 0 : i32
        %dma_start3A_23 = tpu.memref_slice %arg7[%multiple_of3A, %dma_start3A_22] : memref<156160x128xf32, #tpu.memory_space<hbm>> -> memref<80x128xf32, #tpu.memory_space<hbm>>
        %dma_start3A_24 = arith.constant 0 : i32
        %dma_start3A_25 = tpu.memref_slice %arg7[%multiple_of3A, %dma_start3A_24] : memref<156160x128xf32, #tpu.memory_space<hbm>> -> memref<80x128xf32, #tpu.memory_space<hbm>>
        tpu.enqueue_dma source(%arg11 : memref<80x128xf32, #tpu.memory_space<vmem>>) target(%dma_start3A_25 : memref<80x128xf32, #tpu.memory_space<hbm>>) target_semaphore(%run_scoped3A : memref<!tpu.dma_semaphore, #tpu.memory_space<semaphore_mem>>)
        %dma_wait3A_26 = arith.constant 0 : i32
        %dma_wait3A_27 = tpu.memref_slice %arg7[%multiple_of3A, %dma_wait3A_26] : memref<156160x128xf32, #tpu.memory_space<hbm>> -> memref<80x128xf32, #tpu.memory_space<hbm>>
        %dma_wait3A_28 = arith.constant 0 : i32
        %dma_wait3A_29 = tpu.memref_slice %arg7[%multiple_of3A, %dma_wait3A_28] : memref<156160x128xf32, #tpu.memory_space<hbm>> -> memref<80x128xf32, #tpu.memory_space<hbm>>
        tpu.wait_dma2 semaphore(%run_scoped3A : memref<!tpu.dma_semaphore, #tpu.memory_space<semaphore_mem>>) src(%arg11 : memref<80x128xf32, #tpu.memory_space<vmem>>) dst(%dma_wait3A_29 : memref<80x128xf32, #tpu.memory_space<hbm>>)
        tpu.yield
      }) : () -> ()
    }
    %scan3A_7 = arith.constant 61 : i32
    return
  }
}

module attributes {stable_mosaic.version = 14 : i64} {
  func.func @_tfe_body(%arg0: i32, %arg1: memref<16x1xf32, #tpu.memory_space<vmem>>, %arg2: memref<2000x1xi32, #tpu.memory_space<vmem>>, %arg3: memref<2000x32xf32, #tpu.memory_space<vmem>>, %arg4: memref<32x256xf32, #tpu.memory_space<vmem>>, %arg5: memref<1x256xf32, #tpu.memory_space<vmem>>, %arg6: memref<256x32xf32, #tpu.memory_space<vmem>>, %arg7: memref<1x32xf32, #tpu.memory_space<vmem>>, %arg8: memref<2000x64xf32, #tpu.memory_space<vmem>>) attributes {dimension_semantics = [#tpu.dimension_semantics<arbitrary>], iteration_bounds = array<i64: 5>, scalar_prefetch = 0 : i64, scratch_operands = 0 : i64, tpu.core_type = #tpu.core_type<tc>, window_params = [{pipeline_mode = #tpu.pipeline_mode<synchronous>, transform_indices = @transform_0, window_bounds = array<i64: 16, 1>}, {transform_indices = @transform_1, window_bounds = array<i64: 2000, 1>}, {transform_indices = @transform_2, window_bounds = array<i64: 2000, 32>}, {pipeline_mode = #tpu.pipeline_mode<synchronous>, transform_indices = @transform_3, window_bounds = array<i64: 32, 256>}, {pipeline_mode = #tpu.pipeline_mode<synchronous>, transform_indices = @transform_4, window_bounds = array<i64: 1, 256>}, {pipeline_mode = #tpu.pipeline_mode<synchronous>, transform_indices = @transform_5, window_bounds = array<i64: 256, 32>}, {pipeline_mode = #tpu.pipeline_mode<synchronous>, transform_indices = @transform_6, window_bounds = array<i64: 1, 32>}, {transform_indices = @transform_7, window_bounds = array<i64: 2000, 64>}]} {
    %iota3A = tpu.iota {dimensions = array<i32: 1>} : vector<1x16xi32>
    %convert_element_type3A = arith.sitofp %iota3A : vector<1x16xi32> to vector<1x16xf32>
    %mul3A = arith.constant -0.575646281 : f32
    %mul3A_0 = vector.broadcast %mul3A : f32 to vector<1x16xf32>
    %mul3A_1 = arith.mulf %mul3A_0, %convert_element_type3A : vector<1x16xf32>
    %exp3A = math.exp %mul3A_1 : vector<1x16xf32>
    %get3A = arith.constant 0 : index
    %get3A_2 = arith.constant 0 : index
    %get3A_3 = vector.load %arg1[%get3A, %get3A_2] : memref<16x1xf32, #tpu.memory_space<vmem>>, vector<16x1xf32>
    %mul3A_4 = vector.broadcast %get3A_3 : vector<16x1xf32> to vector<16x16xf32>
    %mul3A_5 = vector.broadcast %exp3A : vector<1x16xf32> to vector<16x16xf32>
    %mul3A_6 = arith.mulf %mul3A_4, %mul3A_5 : vector<16x16xf32>
    %cos3A = math.cos %mul3A_6 : vector<16x16xf32>
    %sin3A = math.sin %mul3A_6 : vector<16x16xf32>
    %concatenate3A = tpu.concatenate %cos3A, %sin3A in 1 : vector<16x16xf32>, vector<16x16xf32> -> vector<16x32xf32>
    %get3A_7 = arith.constant 0 : index
    %get3A_8 = arith.constant 0 : index
    %get3A_9 = vector.load %arg4[%get3A_7, %get3A_8] : memref<32x256xf32, #tpu.memory_space<vmem>>, vector<32x256xf32>
    %dot_general3A = arith.constant dense<0.000000e+00> : vector<16x256xf32>
    %dot_general3A_10 = tpu.matmul %concatenate3A, %get3A_9, %dot_general3A {dimension_numbers = #tpu.dot_dimension_numbers<[1], [0], [0], [1], [0, 0, 1, 1], [], []>, transpose_lhs_hint = false} : vector<16x32xf32>, vector<32x256xf32>, vector<16x256xf32> -> vector<16x256xf32>
    %get3A_11 = arith.constant 0 : index
    %get3A_12 = arith.constant 0 : index
    %get3A_13 = vector.load %arg5[%get3A_11, %get3A_12] : memref<1x256xf32, #tpu.memory_space<vmem>>, vector<1x256xf32>
    %add3A = vector.broadcast %get3A_13 : vector<1x256xf32> to vector<16x256xf32>
    %add3A_14 = arith.addf %dot_general3A_10, %add3A : vector<16x256xf32>
    %logistic3A = arith.negf %add3A_14 : vector<16x256xf32>
    %logistic3A_15 = math.exp %logistic3A : vector<16x256xf32>
    %logistic3A_16 = arith.constant 1.000000e+00 : f32
    %logistic3A_17 = vector.broadcast %logistic3A_16 : f32 to vector<16x256xf32>
    %logistic3A_18 = arith.addf %logistic3A_17, %logistic3A_15 : vector<16x256xf32>
    %logistic3A_19 = arith.divf %logistic3A_17, %logistic3A_18 : vector<16x256xf32>
    %mul3A_20 = arith.mulf %add3A_14, %logistic3A_19 : vector<16x256xf32>
    %get3A_21 = arith.constant 0 : index
    %get3A_22 = arith.constant 0 : index
    %get3A_23 = vector.load %arg6[%get3A_21, %get3A_22] : memref<256x32xf32, #tpu.memory_space<vmem>>, vector<256x32xf32>
    %dot_general3A_24 = arith.constant dense<0.000000e+00> : vector<16x32xf32>
    %dot_general3A_25 = tpu.matmul %mul3A_20, %get3A_23, %dot_general3A_24 {dimension_numbers = #tpu.dot_dimension_numbers<[1], [0], [0], [1], [0, 0, 1, 1], [], []>, transpose_lhs_hint = false} : vector<16x256xf32>, vector<256x32xf32>, vector<16x32xf32> -> vector<16x32xf32>
    %get3A_26 = arith.constant 0 : index
    %get3A_27 = arith.constant 0 : index
    %get3A_28 = vector.load %arg7[%get3A_26, %get3A_27] : memref<1x32xf32, #tpu.memory_space<vmem>>, vector<1x32xf32>
    %add3A_29 = vector.broadcast %get3A_28 : vector<1x32xf32> to vector<16x32xf32>
    %add3A_30 = arith.addf %dot_general3A_25, %add3A_29 : vector<16x32xf32>
    %get3A_31 = arith.constant 0 : index
    %get3A_32 = arith.constant 0 : index
    %get3A_33 = vector.load %arg2[%get3A_31, %get3A_32] : memref<2000x1xi32, #tpu.memory_space<vmem>>, vector<2000x1xi32>
    %iota3A_34 = tpu.iota {dimensions = array<i32: 1>} : vector<1x16xi32>
    %eq3A = vector.broadcast %get3A_33 : vector<2000x1xi32> to vector<2000x16xi32>
    %eq3A_35 = vector.broadcast %iota3A_34 : vector<1x16xi32> to vector<2000x16xi32>
    %eq3A_36 = arith.cmpi eq, %eq3A, %eq3A_35 : vector<2000x16xi32>
    %convert_element_type3A_37 = arith.extui %eq3A_36 : vector<2000x16xi1> to vector<2000x16xi32>
    %convert_element_type3A_38 = arith.sitofp %convert_element_type3A_37 : vector<2000x16xi32> to vector<2000x16xf32>
    %dot_general3A_39 = arith.constant dense<0.000000e+00> : vector<2000x32xf32>
    %dot_general3A_40 = tpu.matmul %convert_element_type3A_38, %add3A_30, %dot_general3A_39 {dimension_numbers = #tpu.dot_dimension_numbers<[1], [0], [0], [1], [0, 0, 1, 1], [], []>, transpose_lhs_hint = false} : vector<2000x16xf32>, vector<16x32xf32>, vector<2000x32xf32> -> vector<2000x32xf32>
    %get3A_41 = arith.constant 0 : index
    %get3A_42 = arith.constant 0 : index
    %get3A_43 = vector.load %arg3[%get3A_41, %get3A_42] : memref<2000x32xf32, #tpu.memory_space<vmem>>, vector<2000x32xf32>
    %concatenate3A_44 = tpu.concatenate %dot_general3A_40, %get3A_43 in 1 : vector<2000x32xf32>, vector<2000x32xf32> -> vector<2000x64xf32>
    %swap3A = arith.constant 0 : index
    %swap3A_45 = arith.constant 0 : index
    %swap3A_46 = vector.load %arg8[%swap3A, %swap3A_45] : memref<2000x64xf32, #tpu.memory_space<vmem>>, vector<2000x64xf32>
    tpu.vector_store %arg8[%swap3A, %swap3A_45], %concatenate3A_44 {strides = array<i32>} : memref<2000x64xf32, #tpu.memory_space<vmem>>, vector<2000x64xf32>,
    return
  }
  func.func @transform_0(%arg0: i32) -> (i32, i32) {
    %c0_i32 = arith.constant 0 : i32
    %c0_i32_0 = arith.constant 0 : i32
    %c0_i32_1 = arith.constant 0 : i32
    return %c0_i32, %c0_i32_0 : i32, i32
  }
  func.func @transform_1(%arg0: i32) -> (i32, i32) {
    %c0_i32 = arith.constant 0 : i32
    %c0_i32_0 = arith.constant 0 : i32
    return %arg0, %c0_i32 : i32, i32
  }
  func.func @transform_2(%arg0: i32) -> (i32, i32) {
    %c0_i32 = arith.constant 0 : i32
    %c0_i32_0 = arith.constant 0 : i32
    return %arg0, %c0_i32 : i32, i32
  }
  func.func @transform_3(%arg0: i32) -> (i32, i32) {
    %c0_i32 = arith.constant 0 : i32
    %c0_i32_0 = arith.constant 0 : i32
    %c0_i32_1 = arith.constant 0 : i32
    return %c0_i32, %c0_i32_0 : i32, i32
  }
  func.func @transform_4(%arg0: i32) -> (i32, i32) {
    %c0_i32 = arith.constant 0 : i32
    %c0_i32_0 = arith.constant 0 : i32
    %c0_i32_1 = arith.constant 0 : i32
    return %c0_i32, %c0_i32_0 : i32, i32
  }
  func.func @transform_5(%arg0: i32) -> (i32, i32) {
    %c0_i32 = arith.constant 0 : i32
    %c0_i32_0 = arith.constant 0 : i32
    %c0_i32_1 = arith.constant 0 : i32
    return %c0_i32, %c0_i32_0 : i32, i32
  }
  func.func @transform_6(%arg0: i32) -> (i32, i32) {
    %c0_i32 = arith.constant 0 : i32
    %c0_i32_0 = arith.constant 0 : i32
    %c0_i32_1 = arith.constant 0 : i32
    return %c0_i32, %c0_i32_0 : i32, i32
  }
  func.func @transform_7(%arg0: i32) -> (i32, i32) {
    %c0_i32 = arith.constant 0 : i32
    %c0_i32_0 = arith.constant 0 : i32
    return %arg0, %c0_i32 : i32, i32
  }
}

module attributes {stable_mosaic.version = 14 : i64} {
  func.func @_msg_body(%arg0: i32, %arg1: memref<2560x128xf32, #tpu.memory_space<vmem>>, %arg2: memref<2560x128xf32, #tpu.memory_space<vmem>>, %arg3: memref<2560x16xf32, #tpu.memory_space<vmem>>, %arg4: memref<2560x1xf32, #tpu.memory_space<vmem>>, %arg5: memref<2560x64xf32, #tpu.memory_space<vmem>>, %arg6: memref<2560x8xf32, #tpu.memory_space<vmem>>, %arg7: memref<2560x8xf32, #tpu.memory_space<vmem>>, %arg8: memref<128x512xbf16, #tpu.memory_space<vmem>>, %arg9: memref<128x512xbf16, #tpu.memory_space<vmem>>, %arg10: memref<16x512xf32, #tpu.memory_space<vmem>>, %arg11: memref<1x512xf32, #tpu.memory_space<vmem>>, %arg12: memref<64x512xbf16, #tpu.memory_space<vmem>>, %arg13: memref<1x512xf32, #tpu.memory_space<vmem>>, %arg14: memref<512x16xf32, #tpu.memory_space<vmem>>, %arg15: memref<1x16xf32, #tpu.memory_space<vmem>>, %arg16: memref<16x512xf32, #tpu.memory_space<vmem>>, %arg17: memref<1x512xf32, #tpu.memory_space<vmem>>, %arg18: memref<512x8xf32, #tpu.memory_space<vmem>>, %arg19: memref<1x8xf32, #tpu.memory_space<vmem>>, %arg20: memref<2560x24xf32, #tpu.memory_space<vmem>>) attributes {dimension_semantics = [#tpu.dimension_semantics<arbitrary>], iteration_bounds = array<i64: 64>, scalar_prefetch = 0 : i64, scratch_operands = 0 : i64, tpu.core_type = #tpu.core_type<tc>, window_params = [{transform_indices = @transform_0, window_bounds = array<i64: 2560, 128>}, {transform_indices = @transform_1, window_bounds = array<i64: 2560, 128>}, {transform_indices = @transform_2, window_bounds = array<i64: 2560, 16>}, {transform_indices = @transform_3, window_bounds = array<i64: 2560, 1>}, {transform_indices = @transform_4, window_bounds = array<i64: 2560, 64>}, {transform_indices = @transform_5, window_bounds = array<i64: 2560, 8>}, {transform_indices = @transform_6, window_bounds = array<i64: 2560, 8>}, {pipeline_mode = #tpu.pipeline_mode<synchronous>, transform_indices = @transform_7, window_bounds = array<i64: 128, 512>}, {pipeline_mode = #tpu.pipeline_mode<synchronous>, transform_indices = @transform_8, window_bounds = array<i64: 128, 512>}, {pipeline_mode = #tpu.pipeline_mode<synchronous>, transform_indices = @transform_9, window_bounds = array<i64: 16, 512>}, {pipeline_mode = #tpu.pipeline_mode<synchronous>, transform_indices = @transform_10, window_bounds = array<i64: 1, 512>}, {pipeline_mode = #tpu.pipeline_mode<synchronous>, transform_indices = @transform_11, window_bounds = array<i64: 64, 512>}, {pipeline_mode = #tpu.pipeline_mode<synchronous>, transform_indices = @transform_12, window_bounds = array<i64: 1, 512>}, {pipeline_mode = #tpu.pipeline_mode<synchronous>, transform_indices = @transform_13, window_bounds = array<i64: 512, 16>}, {pipeline_mode = #tpu.pipeline_mode<synchronous>, transform_indices = @transform_14, window_bounds = array<i64: 1, 16>}, {pipeline_mode = #tpu.pipeline_mode<synchronous>, transform_indices = @transform_15, window_bounds = array<i64: 16, 512>}, {pipeline_mode = #tpu.pipeline_mode<synchronous>, transform_indices = @transform_16, window_bounds = array<i64: 1, 512>}, {pipeline_mode = #tpu.pipeline_mode<synchronous>, transform_indices = @transform_17, window_bounds = array<i64: 512, 8>}, {pipeline_mode = #tpu.pipeline_mode<synchronous>, transform_indices = @transform_18, window_bounds = array<i64: 1, 8>}, {transform_indices = @transform_19, window_bounds = array<i64: 2560, 24>}]} {
    %get3A = arith.constant 0 : index
    %get3A_0 = arith.constant 0 : index
    %get3A_1 = vector.load %arg1[%get3A, %get3A_0] : memref<2560x128xf32, #tpu.memory_space<vmem>>, vector<2560x128xf32>
    %convert_element_type3A = arith.truncf %get3A_1 : vector<2560x128xf32> to vector<2560x128xbf16>
    %get3A_2 = arith.constant 0 : index
    %get3A_3 = arith.constant 0 : index
    %get3A_4 = vector.load %arg8[%get3A_2, %get3A_3] : memref<128x512xbf16, #tpu.memory_space<vmem>>, vector<128x512xbf16>
    %dot_general3A = arith.constant dense<0.000000e+00> : vector<2560x512xf32>
    %dot_general3A_5 = tpu.matmul %convert_element_type3A, %get3A_4, %dot_general3A {dimension_numbers = #tpu.dot_dimension_numbers<[1], [0], [0], [1], [0, 0, 1, 1], [], []>, transpose_lhs_hint = false} : vector<2560x128xbf16>, vector<128x512xbf16>, vector<2560x512xf32> -> vector<2560x512xf32>
    %get3A_6 = arith.constant 0 : index
    %get3A_7 = arith.constant 0 : index
    %get3A_8 = vector.load %arg2[%get3A_6, %get3A_7] : memref<2560x128xf32, #tpu.memory_space<vmem>>, vector<2560x128xf32>
    %convert_element_type3A_9 = arith.truncf %get3A_8 : vector<2560x128xf32> to vector<2560x128xbf16>
    %get3A_10 = arith.constant 0 : index
    %get3A_11 = arith.constant 0 : index
    %get3A_12 = vector.load %arg9[%get3A_10, %get3A_11] : memref<128x512xbf16, #tpu.memory_space<vmem>>, vector<128x512xbf16>
    %dot_general3A_13 = arith.constant dense<0.000000e+00> : vector<2560x512xf32>
    %dot_general3A_14 = tpu.matmul %convert_element_type3A_9, %get3A_12, %dot_general3A_13 {dimension_numbers = #tpu.dot_dimension_numbers<[1], [0], [0], [1], [0, 0, 1, 1], [], []>, transpose_lhs_hint = false} : vector<2560x128xbf16>, vector<128x512xbf16>, vector<2560x512xf32> -> vector<2560x512xf32>
    %add3A = arith.addf %dot_general3A_5, %dot_general3A_14 : vector<2560x512xf32>
    %get3A_15 = arith.constant 0 : index
    %get3A_16 = arith.constant 0 : index
    %get3A_17 = vector.load %arg3[%get3A_15, %get3A_16] : memref<2560x16xf32, #tpu.memory_space<vmem>>, vector<2560x16xf32>
    %get3A_18 = arith.constant 0 : index
    %get3A_19 = arith.constant 0 : index
    %get3A_20 = vector.load %arg10[%get3A_18, %get3A_19] : memref<16x512xf32, #tpu.memory_space<vmem>>, vector<16x512xf32>
    %dot_general3A_21 = arith.constant dense<0.000000e+00> : vector<2560x512xf32>
    %dot_general3A_22 = tpu.matmul %get3A_17, %get3A_20, %dot_general3A_21 {dimension_numbers = #tpu.dot_dimension_numbers<[1], [0], [0], [1], [0, 0, 1, 1], [], []>, transpose_lhs_hint = false} : vector<2560x16xf32>, vector<16x512xf32>, vector<2560x512xf32> -> vector<2560x512xf32>
    %add3A_23 = arith.addf %add3A, %dot_general3A_22 : vector<2560x512xf32>
    %get3A_24 = arith.constant 0 : index
    %get3A_25 = arith.constant 0 : index
    %get3A_26 = vector.load %arg5[%get3A_24, %get3A_25] : memref<2560x64xf32, #tpu.memory_space<vmem>>, vector<2560x64xf32>
    %convert_element_type3A_27 = arith.truncf %get3A_26 : vector<2560x64xf32> to vector<2560x64xbf16>
    %get3A_28 = arith.constant 0 : index
    %get3A_29 = arith.constant 0 : index
    %get3A_30 = vector.load %arg12[%get3A_28, %get3A_29] : memref<64x512xbf16, #tpu.memory_space<vmem>>, vector<64x512xbf16>
    %dot_general3A_31 = arith.constant dense<0.000000e+00> : vector<2560x512xf32>
    %dot_general3A_32 = tpu.matmul %convert_element_type3A_27, %get3A_30, %dot_general3A_31 {dimension_numbers = #tpu.dot_dimension_numbers<[1], [0], [0], [1], [0, 0, 1, 1], [], []>, transpose_lhs_hint = false} : vector<2560x64xbf16>, vector<64x512xbf16>, vector<2560x512xf32> -> vector<2560x512xf32>
    %add3A_33 = arith.addf %add3A_23, %dot_general3A_32 : vector<2560x512xf32>
    %get3A_34 = arith.constant 0 : index
    %get3A_35 = arith.constant 0 : index
    %get3A_36 = vector.load %arg4[%get3A_34, %get3A_35] : memref<2560x1xf32, #tpu.memory_space<vmem>>, vector<2560x1xf32>
    %get3A_37 = arith.constant 0 : index
    %get3A_38 = arith.constant 0 : index
    %get3A_39 = vector.load %arg11[%get3A_37, %get3A_38] : memref<1x512xf32, #tpu.memory_space<vmem>>, vector<1x512xf32>
    %mul3A = vector.broadcast %get3A_36 : vector<2560x1xf32> to vector<2560x512xf32>
    %mul3A_40 = vector.broadcast %get3A_39 : vector<1x512xf32> to vector<2560x512xf32>
    %mul3A_41 = arith.mulf %mul3A, %mul3A_40 : vector<2560x512xf32>
    %add3A_42 = arith.addf %add3A_33, %mul3A_41 : vector<2560x512xf32>
    %get3A_43 = arith.constant 0 : index
    %get3A_44 = arith.constant 0 : index
    %get3A_45 = vector.load %arg13[%get3A_43, %get3A_44] : memref<1x512xf32, #tpu.memory_space<vmem>>, vector<1x512xf32>
    %add3A_46 = vector.broadcast %get3A_45 : vector<1x512xf32> to vector<2560x512xf32>
    %add3A_47 = arith.addf %add3A_42, %add3A_46 : vector<2560x512xf32>
    %logistic3A = arith.negf %add3A_47 : vector<2560x512xf32>
    %logistic3A_48 = math.exp %logistic3A : vector<2560x512xf32>
    %logistic3A_49 = arith.constant 1.000000e+00 : f32
    %logistic3A_50 = vector.broadcast %logistic3A_49 : f32 to vector<2560x512xf32>
    %logistic3A_51 = arith.addf %logistic3A_50, %logistic3A_48 : vector<2560x512xf32>
    %logistic3A_52 = arith.divf %logistic3A_50, %logistic3A_51 : vector<2560x512xf32>
    %mul3A_53 = arith.mulf %add3A_47, %logistic3A_52 : vector<2560x512xf32>
    %get3A_54 = arith.constant 0 : index
    %get3A_55 = arith.constant 0 : index
    %get3A_56 = vector.load %arg14[%get3A_54, %get3A_55] : memref<512x16xf32, #tpu.memory_space<vmem>>, vector<512x16xf32>
    %dot_general3A_57 = arith.constant dense<0.000000e+00> : vector<2560x16xf32>
    %dot_general3A_58 = tpu.matmul %mul3A_53, %get3A_56, %dot_general3A_57 {dimension_numbers = #tpu.dot_dimension_numbers<[1], [0], [0], [1], [0, 0, 1, 1], [], []>, transpose_lhs_hint = false} : vector<2560x512xf32>, vector<512x16xf32>, vector<2560x16xf32> -> vector<2560x16xf32>
    %get3A_59 = arith.constant 0 : index
    %get3A_60 = arith.constant 0 : index
    %get3A_61 = vector.load %arg15[%get3A_59, %get3A_60] : memref<1x16xf32, #tpu.memory_space<vmem>>, vector<1x16xf32>
    %add3A_62 = vector.broadcast %get3A_61 : vector<1x16xf32> to vector<2560x16xf32>
    %add3A_63 = arith.addf %dot_general3A_58, %add3A_62 : vector<2560x16xf32>
    %logistic3A_64 = arith.negf %add3A_63 : vector<2560x16xf32>
    %logistic3A_65 = math.exp %logistic3A_64 : vector<2560x16xf32>
    %logistic3A_66 = arith.constant 1.000000e+00 : f32
    %logistic3A_67 = vector.broadcast %logistic3A_66 : f32 to vector<2560x16xf32>
    %logistic3A_68 = arith.addf %logistic3A_67, %logistic3A_65 : vector<2560x16xf32>
    %logistic3A_69 = arith.divf %logistic3A_67, %logistic3A_68 : vector<2560x16xf32>
    %mul3A_70 = arith.mulf %add3A_63, %logistic3A_69 : vector<2560x16xf32>
    %get3A_71 = arith.constant 0 : index
    %get3A_72 = arith.constant 0 : index
    %get3A_73 = vector.load %arg16[%get3A_71, %get3A_72] : memref<16x512xf32, #tpu.memory_space<vmem>>, vector<16x512xf32>
    %dot_general3A_74 = arith.constant dense<0.000000e+00> : vector<2560x512xf32>
    %dot_general3A_75 = tpu.matmul %mul3A_70, %get3A_73, %dot_general3A_74 {dimension_numbers = #tpu.dot_dimension_numbers<[1], [0], [0], [1], [0, 0, 1, 1], [], []>, transpose_lhs_hint = false} : vector<2560x16xf32>, vector<16x512xf32>, vector<2560x512xf32> -> vector<2560x512xf32>
    %get3A_76 = arith.constant 0 : index
    %get3A_77 = arith.constant 0 : index
    %get3A_78 = vector.load %arg17[%get3A_76, %get3A_77] : memref<1x512xf32, #tpu.memory_space<vmem>>, vector<1x512xf32>
    %add3A_79 = vector.broadcast %get3A_78 : vector<1x512xf32> to vector<2560x512xf32>
    %add3A_80 = arith.addf %dot_general3A_75, %add3A_79 : vector<2560x512xf32>
    %logistic3A_81 = arith.negf %add3A_80 : vector<2560x512xf32>
    %logistic3A_82 = math.exp %logistic3A_81 : vector<2560x512xf32>
    %logistic3A_83 = arith.constant 1.000000e+00 : f32
    %logistic3A_84 = vector.broadcast %logistic3A_83 : f32 to vector<2560x512xf32>
    %logistic3A_85 = arith.addf %logistic3A_84, %logistic3A_82 : vector<2560x512xf32>
    %logistic3A_86 = arith.divf %logistic3A_84, %logistic3A_85 : vector<2560x512xf32>
    %mul3A_87 = arith.mulf %add3A_80, %logistic3A_86 : vector<2560x512xf32>
    %get3A_88 = arith.constant 0 : index
    %get3A_89 = arith.constant 0 : index
    %get3A_90 = vector.load %arg18[%get3A_88, %get3A_89] : memref<512x8xf32, #tpu.memory_space<vmem>>, vector<512x8xf32>
    %dot_general3A_91 = arith.constant dense<0.000000e+00> : vector<2560x8xf32>
    %dot_general3A_92 = tpu.matmul %mul3A_87, %get3A_90, %dot_general3A_91 {dimension_numbers = #tpu.dot_dimension_numbers<[1], [0], [0], [1], [0, 0, 1, 1], [], []>, transpose_lhs_hint = false} : vector<2560x512xf32>, vector<512x8xf32>, vector<2560x8xf32> -> vector<2560x8xf32>
    %get3A_93 = arith.constant 0 : index
    %get3A_94 = arith.constant 0 : index
    %get3A_95 = vector.load %arg19[%get3A_93, %get3A_94] : memref<1x8xf32, #tpu.memory_space<vmem>>, vector<1x8xf32>
    %add3A_96 = vector.broadcast %get3A_95 : vector<1x8xf32> to vector<2560x8xf32>
    %add3A_97 = arith.addf %dot_general3A_92, %add3A_96 : vector<2560x8xf32>
    %iota3A = tpu.iota {dimensions = array<i32: 1>} : vector<1x8xi32>
    %eq3A = arith.constant 3 : i32
    %eq3A_98 = vector.broadcast %eq3A : i32 to vector<1x8xi32>
    %eq3A_99 = arith.cmpi eq, %iota3A, %eq3A_98 : vector<1x8xi32>
    %convert_element_type3A_100 = arith.extui %eq3A_99 : vector<1x8xi1> to vector<1x8xi32>
    %convert_element_type3A_101 = arith.sitofp %convert_element_type3A_100 : vector<1x8xi32> to vector<1x8xf32>
    %get3A_102 = arith.constant 0 : index
    %get3A_103 = arith.constant 0 : index
    %get3A_104 = vector.load %arg7[%get3A_102, %get3A_103] : memref<2560x8xf32, #tpu.memory_space<vmem>>, vector<2560x8xf32>
    %get3A_105 = arith.constant 0 : index
    %get3A_106 = arith.constant 0 : index
    %get3A_107 = vector.load %arg6[%get3A_105, %get3A_106] : memref<2560x8xf32, #tpu.memory_space<vmem>>, vector<2560x8xf32>
    %sub3A = arith.subf %get3A_104, %get3A_107 : vector<2560x8xf32>
    %mul3A_108 = arith.mulf %add3A_97, %sub3A : vector<2560x8xf32>
    %add3A_109 = vector.broadcast %convert_element_type3A_101 : vector<1x8xf32> to vector<2560x8xf32>
    %add3A_110 = arith.addf %mul3A_108, %add3A_109 : vector<2560x8xf32>
    %concatenate3A = tpu.concatenate %mul3A_70, %add3A_110 in 1 : vector<2560x16xf32>, vector<2560x8xf32> -> vector<2560x24xf32>
    %swap3A = arith.constant 0 : index
    %swap3A_111 = arith.constant 0 : index
    %swap3A_112 = vector.load %arg20[%swap3A, %swap3A_111] : memref<2560x24xf32, #tpu.memory_space<vmem>>, vector<2560x24xf32>
    tpu.vector_store %arg20[%swap3A, %swap3A_111], %concatenate3A {strides = array<i32>} : memref<2560x24xf32, #tpu.memory_space<vmem>>, vector<2560x24xf32>,
    return
  }
  func.func @transform_0(%arg0: i32) -> (i32, i32) {
    %c0_i32 = arith.constant 0 : i32
    %c0_i32_0 = arith.constant 0 : i32
    return %arg0, %c0_i32 : i32, i32
  }
  func.func @transform_1(%arg0: i32) -> (i32, i32) {
    %c0_i32 = arith.constant 0 : i32
    %c0_i32_0 = arith.constant 0 : i32
    return %arg0, %c0_i32 : i32, i32
  }
  func.func @transform_2(%arg0: i32) -> (i32, i32) {
    %c0_i32 = arith.constant 0 : i32
    %c0_i32_0 = arith.constant 0 : i32
    return %arg0, %c0_i32 : i32, i32
  }
  func.func @transform_3(%arg0: i32) -> (i32, i32) {
    %c0_i32 = arith.constant 0 : i32
    %c0_i32_0 = arith.constant 0 : i32
    return %arg0, %c0_i32 : i32, i32
  }
  func.func @transform_4(%arg0: i32) -> (i32, i32) {
    %c0_i32 = arith.constant 0 : i32
    %c0_i32_0 = arith.constant 0 : i32
    return %arg0, %c0_i32 : i32, i32
  }
  func.func @transform_5(%arg0: i32) -> (i32, i32) {
    %c0_i32 = arith.constant 0 : i32
    %c0_i32_0 = arith.constant 0 : i32
    return %arg0, %c0_i32 : i32, i32
  }
  func.func @transform_6(%arg0: i32) -> (i32, i32) {
    %c0_i32 = arith.constant 0 : i32
    %c0_i32_0 = arith.constant 0 : i32
    return %arg0, %c0_i32 : i32, i32
  }
  func.func @transform_7(%arg0: i32) -> (i32, i32) {
    %c0_i32 = arith.constant 0 : i32
    %c0_i32_0 = arith.constant 0 : i32
    %c0_i32_1 = arith.constant 0 : i32
    return %c0_i32, %c0_i32_0 : i32, i32
  }
  func.func @transform_8(%arg0: i32) -> (i32, i32) {
    %c0_i32 = arith.constant 0 : i32
    %c0_i32_0 = arith.constant 0 : i32
    %c0_i32_1 = arith.constant 0 : i32
    return %c0_i32, %c0_i32_0 : i32, i32
  }
  func.func @transform_9(%arg0: i32) -> (i32, i32) {
    %c0_i32 = arith.constant 0 : i32
    %c0_i32_0 = arith.constant 0 : i32
    %c0_i32_1 = arith.constant 0 : i32
    return %c0_i32, %c0_i32_0 : i32, i32
  }
  func.func @transform_10(%arg0: i32) -> (i32, i32) {
    %c0_i32 = arith.constant 0 : i32
    %c0_i32_0 = arith.constant 0 : i32
    %c0_i32_1 = arith.constant 0 : i32
    return %c0_i32, %c0_i32_0 : i32, i32
  }
  func.func @transform_11(%arg0: i32) -> (i32, i32) {
    %c0_i32 = arith.constant 0 : i32
    %c0_i32_0 = arith.constant 0 : i32
    %c0_i32_1 = arith.constant 0 : i32
    return %c0_i32, %c0_i32_0 : i32, i32
  }
  func.func @transform_12(%arg0: i32) -> (i32, i32) {
    %c0_i32 = arith.constant 0 : i32
    %c0_i32_0 = arith.constant 0 : i32
    %c0_i32_1 = arith.constant 0 : i32
    return %c0_i32, %c0_i32_0 : i32, i32
  }
  func.func @transform_13(%arg0: i32) -> (i32, i32) {
    %c0_i32 = arith.constant 0 : i32
    %c0_i32_0 = arith.constant 0 : i32
    %c0_i32_1 = arith.constant 0 : i32
    return %c0_i32, %c0_i32_0 : i32, i32
  }
  func.func @transform_14(%arg0: i32) -> (i32, i32) {
    %c0_i32 = arith.constant 0 : i32
    %c0_i32_0 = arith.constant 0 : i32
    %c0_i32_1 = arith.constant 0 : i32
    return %c0_i32, %c0_i32_0 : i32, i32
  }
  func.func @transform_15(%arg0: i32) -> (i32, i32) {
    %c0_i32 = arith.constant 0 : i32
    %c0_i32_0 = arith.constant 0 : i32
    %c0_i32_1 = arith.constant 0 : i32
    return %c0_i32, %c0_i32_0 : i32, i32
  }
  func.func @transform_16(%arg0: i32) -> (i32, i32) {
    %c0_i32 = arith.constant 0 : i32
    %c0_i32_0 = arith.constant 0 : i32
    %c0_i32_1 = arith.constant 0 : i32
    return %c0_i32, %c0_i32_0 : i32, i32
  }
  func.func @transform_17(%arg0: i32) -> (i32, i32) {
    %c0_i32 = arith.constant 0 : i32
    %c0_i32_0 = arith.constant 0 : i32
    %c0_i32_1 = arith.constant 0 : i32
    return %c0_i32, %c0_i32_0 : i32, i32
  }
  func.func @transform_18(%arg0: i32) -> (i32, i32) {
    %c0_i32 = arith.constant 0 : i32
    %c0_i32_0 = arith.constant 0 : i32
    %c0_i32_1 = arith.constant 0 : i32
    return %c0_i32, %c0_i32_0 : i32, i32
  }
  func.func @transform_19(%arg0: i32) -> (i32, i32) {
    %c0_i32 = arith.constant 0 : i32
    %c0_i32_0 = arith.constant 0 : i32
    return %arg0, %c0_i32 : i32, i32
  }
}

module attributes {stable_mosaic.version = 14 : i64} {
  func.func @_msg_body(%arg0: i32, %arg1: memref<2560x128xf32, #tpu.memory_space<vmem>>, %arg2: memref<2560x128xf32, #tpu.memory_space<vmem>>, %arg3: memref<2560x16xf32, #tpu.memory_space<vmem>>, %arg4: memref<2560x1xf32, #tpu.memory_space<vmem>>, %arg5: memref<2560x64xf32, #tpu.memory_space<vmem>>, %arg6: memref<2560x8xf32, #tpu.memory_space<vmem>>, %arg7: memref<2560x8xf32, #tpu.memory_space<vmem>>, %arg8: memref<128x512xbf16, #tpu.memory_space<vmem>>, %arg9: memref<128x512xbf16, #tpu.memory_space<vmem>>, %arg10: memref<16x512xf32, #tpu.memory_space<vmem>>, %arg11: memref<1x512xf32, #tpu.memory_space<vmem>>, %arg12: memref<64x512xbf16, #tpu.memory_space<vmem>>, %arg13: memref<1x512xf32, #tpu.memory_space<vmem>>, %arg14: memref<512x16xf32, #tpu.memory_space<vmem>>, %arg15: memref<1x16xf32, #tpu.memory_space<vmem>>, %arg16: memref<16x512xf32, #tpu.memory_space<vmem>>, %arg17: memref<1x512xf32, #tpu.memory_space<vmem>>, %arg18: memref<512x8xf32, #tpu.memory_space<vmem>>, %arg19: memref<1x8xf32, #tpu.memory_space<vmem>>, %arg20: memref<2560x24xf32, #tpu.memory_space<vmem>>) attributes {dimension_semantics = [#tpu.dimension_semantics<arbitrary>], iteration_bounds = array<i64: 61>, scalar_prefetch = 0 : i64, scratch_operands = 0 : i64, tpu.core_type = #tpu.core_type<tc>, window_params = [{transform_indices = @transform_0, window_bounds = array<i64: 2560, 128>}, {transform_indices = @transform_1, window_bounds = array<i64: 2560, 128>}, {transform_indices = @transform_2, window_bounds = array<i64: 2560, 16>}, {transform_indices = @transform_3, window_bounds = array<i64: 2560, 1>}, {transform_indices = @transform_4, window_bounds = array<i64: 2560, 64>}, {transform_indices = @transform_5, window_bounds = array<i64: 2560, 8>}, {transform_indices = @transform_6, window_bounds = array<i64: 2560, 8>}, {pipeline_mode = #tpu.pipeline_mode<synchronous>, transform_indices = @transform_7, window_bounds = array<i64: 128, 512>}, {pipeline_mode = #tpu.pipeline_mode<synchronous>, transform_indices = @transform_8, window_bounds = array<i64: 128, 512>}, {pipeline_mode = #tpu.pipeline_mode<synchronous>, transform_indices = @transform_9, window_bounds = array<i64: 16, 512>}, {pipeline_mode = #tpu.pipeline_mode<synchronous>, transform_indices = @transform_10, window_bounds = array<i64: 1, 512>}, {pipeline_mode = #tpu.pipeline_mode<synchronous>, transform_indices = @transform_11, window_bounds = array<i64: 64, 512>}, {pipeline_mode = #tpu.pipeline_mode<synchronous>, transform_indices = @transform_12, window_bounds = array<i64: 1, 512>}, {pipeline_mode = #tpu.pipeline_mode<synchronous>, transform_indices = @transform_13, window_bounds = array<i64: 512, 16>}, {pipeline_mode = #tpu.pipeline_mode<synchronous>, transform_indices = @transform_14, window_bounds = array<i64: 1, 16>}, {pipeline_mode = #tpu.pipeline_mode<synchronous>, transform_indices = @transform_15, window_bounds = array<i64: 16, 512>}, {pipeline_mode = #tpu.pipeline_mode<synchronous>, transform_indices = @transform_16, window_bounds = array<i64: 1, 512>}, {pipeline_mode = #tpu.pipeline_mode<synchronous>, transform_indices = @transform_17, window_bounds = array<i64: 512, 8>}, {pipeline_mode = #tpu.pipeline_mode<synchronous>, transform_indices = @transform_18, window_bounds = array<i64: 1, 8>}, {transform_indices = @transform_19, window_bounds = array<i64: 2560, 24>}]} {
    %get3A = arith.constant 0 : index
    %get3A_0 = arith.constant 0 : index
    %get3A_1 = vector.load %arg1[%get3A, %get3A_0] : memref<2560x128xf32, #tpu.memory_space<vmem>>, vector<2560x128xf32>
    %convert_element_type3A = arith.truncf %get3A_1 : vector<2560x128xf32> to vector<2560x128xbf16>
    %get3A_2 = arith.constant 0 : index
    %get3A_3 = arith.constant 0 : index
    %get3A_4 = vector.load %arg8[%get3A_2, %get3A_3] : memref<128x512xbf16, #tpu.memory_space<vmem>>, vector<128x512xbf16>
    %dot_general3A = arith.constant dense<0.000000e+00> : vector<2560x512xf32>
    %dot_general3A_5 = tpu.matmul %convert_element_type3A, %get3A_4, %dot_general3A {dimension_numbers = #tpu.dot_dimension_numbers<[1], [0], [0], [1], [0, 0, 1, 1], [], []>, transpose_lhs_hint = false} : vector<2560x128xbf16>, vector<128x512xbf16>, vector<2560x512xf32> -> vector<2560x512xf32>
    %get3A_6 = arith.constant 0 : index
    %get3A_7 = arith.constant 0 : index
    %get3A_8 = vector.load %arg2[%get3A_6, %get3A_7] : memref<2560x128xf32, #tpu.memory_space<vmem>>, vector<2560x128xf32>
    %convert_element_type3A_9 = arith.truncf %get3A_8 : vector<2560x128xf32> to vector<2560x128xbf16>
    %get3A_10 = arith.constant 0 : index
    %get3A_11 = arith.constant 0 : index
    %get3A_12 = vector.load %arg9[%get3A_10, %get3A_11] : memref<128x512xbf16, #tpu.memory_space<vmem>>, vector<128x512xbf16>
    %dot_general3A_13 = arith.constant dense<0.000000e+00> : vector<2560x512xf32>
    %dot_general3A_14 = tpu.matmul %convert_element_type3A_9, %get3A_12, %dot_general3A_13 {dimension_numbers = #tpu.dot_dimension_numbers<[1], [0], [0], [1], [0, 0, 1, 1], [], []>, transpose_lhs_hint = false} : vector<2560x128xbf16>, vector<128x512xbf16>, vector<2560x512xf32> -> vector<2560x512xf32>
    %add3A = arith.addf %dot_general3A_5, %dot_general3A_14 : vector<2560x512xf32>
    %get3A_15 = arith.constant 0 : index
    %get3A_16 = arith.constant 0 : index
    %get3A_17 = vector.load %arg3[%get3A_15, %get3A_16] : memref<2560x16xf32, #tpu.memory_space<vmem>>, vector<2560x16xf32>
    %get3A_18 = arith.constant 0 : index
    %get3A_19 = arith.constant 0 : index
    %get3A_20 = vector.load %arg10[%get3A_18, %get3A_19] : memref<16x512xf32, #tpu.memory_space<vmem>>, vector<16x512xf32>
    %dot_general3A_21 = arith.constant dense<0.000000e+00> : vector<2560x512xf32>
    %dot_general3A_22 = tpu.matmul %get3A_17, %get3A_20, %dot_general3A_21 {dimension_numbers = #tpu.dot_dimension_numbers<[1], [0], [0], [1], [0, 0, 1, 1], [], []>, transpose_lhs_hint = false} : vector<2560x16xf32>, vector<16x512xf32>, vector<2560x512xf32> -> vector<2560x512xf32>
    %add3A_23 = arith.addf %add3A, %dot_general3A_22 : vector<2560x512xf32>
    %get3A_24 = arith.constant 0 : index
    %get3A_25 = arith.constant 0 : index
    %get3A_26 = vector.load %arg5[%get3A_24, %get3A_25] : memref<2560x64xf32, #tpu.memory_space<vmem>>, vector<2560x64xf32>
    %convert_element_type3A_27 = arith.truncf %get3A_26 : vector<2560x64xf32> to vector<2560x64xbf16>
    %get3A_28 = arith.constant 0 : index
    %get3A_29 = arith.constant 0 : index
    %get3A_30 = vector.load %arg12[%get3A_28, %get3A_29] : memref<64x512xbf16, #tpu.memory_space<vmem>>, vector<64x512xbf16>
    %dot_general3A_31 = arith.constant dense<0.000000e+00> : vector<2560x512xf32>
    %dot_general3A_32 = tpu.matmul %convert_element_type3A_27, %get3A_30, %dot_general3A_31 {dimension_numbers = #tpu.dot_dimension_numbers<[1], [0], [0], [1], [0, 0, 1, 1], [], []>, transpose_lhs_hint = false} : vector<2560x64xbf16>, vector<64x512xbf16>, vector<2560x512xf32> -> vector<2560x512xf32>
    %add3A_33 = arith.addf %add3A_23, %dot_general3A_32 : vector<2560x512xf32>
    %get3A_34 = arith.constant 0 : index
    %get3A_35 = arith.constant 0 : index
    %get3A_36 = vector.load %arg4[%get3A_34, %get3A_35] : memref<2560x1xf32, #tpu.memory_space<vmem>>, vector<2560x1xf32>
    %get3A_37 = arith.constant 0 : index
    %get3A_38 = arith.constant 0 : index
    %get3A_39 = vector.load %arg11[%get3A_37, %get3A_38] : memref<1x512xf32, #tpu.memory_space<vmem>>, vector<1x512xf32>
    %mul3A = vector.broadcast %get3A_36 : vector<2560x1xf32> to vector<2560x512xf32>
    %mul3A_40 = vector.broadcast %get3A_39 : vector<1x512xf32> to vector<2560x512xf32>
    %mul3A_41 = arith.mulf %mul3A, %mul3A_40 : vector<2560x512xf32>
    %add3A_42 = arith.addf %add3A_33, %mul3A_41 : vector<2560x512xf32>
    %get3A_43 = arith.constant 0 : index
    %get3A_44 = arith.constant 0 : index
    %get3A_45 = vector.load %arg13[%get3A_43, %get3A_44] : memref<1x512xf32, #tpu.memory_space<vmem>>, vector<1x512xf32>
    %add3A_46 = vector.broadcast %get3A_45 : vector<1x512xf32> to vector<2560x512xf32>
    %add3A_47 = arith.addf %add3A_42, %add3A_46 : vector<2560x512xf32>
    %logistic3A = arith.negf %add3A_47 : vector<2560x512xf32>
    %logistic3A_48 = math.exp %logistic3A : vector<2560x512xf32>
    %logistic3A_49 = arith.constant 1.000000e+00 : f32
    %logistic3A_50 = vector.broadcast %logistic3A_49 : f32 to vector<2560x512xf32>
    %logistic3A_51 = arith.addf %logistic3A_50, %logistic3A_48 : vector<2560x512xf32>
    %logistic3A_52 = arith.divf %logistic3A_50, %logistic3A_51 : vector<2560x512xf32>
    %mul3A_53 = arith.mulf %add3A_47, %logistic3A_52 : vector<2560x512xf32>
    %get3A_54 = arith.constant 0 : index
    %get3A_55 = arith.constant 0 : index
    %get3A_56 = vector.load %arg14[%get3A_54, %get3A_55] : memref<512x16xf32, #tpu.memory_space<vmem>>, vector<512x16xf32>
    %dot_general3A_57 = arith.constant dense<0.000000e+00> : vector<2560x16xf32>
    %dot_general3A_58 = tpu.matmul %mul3A_53, %get3A_56, %dot_general3A_57 {dimension_numbers = #tpu.dot_dimension_numbers<[1], [0], [0], [1], [0, 0, 1, 1], [], []>, transpose_lhs_hint = false} : vector<2560x512xf32>, vector<512x16xf32>, vector<2560x16xf32> -> vector<2560x16xf32>
    %get3A_59 = arith.constant 0 : index
    %get3A_60 = arith.constant 0 : index
    %get3A_61 = vector.load %arg15[%get3A_59, %get3A_60] : memref<1x16xf32, #tpu.memory_space<vmem>>, vector<1x16xf32>
    %add3A_62 = vector.broadcast %get3A_61 : vector<1x16xf32> to vector<2560x16xf32>
    %add3A_63 = arith.addf %dot_general3A_58, %add3A_62 : vector<2560x16xf32>
    %logistic3A_64 = arith.negf %add3A_63 : vector<2560x16xf32>
    %logistic3A_65 = math.exp %logistic3A_64 : vector<2560x16xf32>
    %logistic3A_66 = arith.constant 1.000000e+00 : f32
    %logistic3A_67 = vector.broadcast %logistic3A_66 : f32 to vector<2560x16xf32>
    %logistic3A_68 = arith.addf %logistic3A_67, %logistic3A_65 : vector<2560x16xf32>
    %logistic3A_69 = arith.divf %logistic3A_67, %logistic3A_68 : vector<2560x16xf32>
    %mul3A_70 = arith.mulf %add3A_63, %logistic3A_69 : vector<2560x16xf32>
    %get3A_71 = arith.constant 0 : index
    %get3A_72 = arith.constant 0 : index
    %get3A_73 = vector.load %arg16[%get3A_71, %get3A_72] : memref<16x512xf32, #tpu.memory_space<vmem>>, vector<16x512xf32>
    %dot_general3A_74 = arith.constant dense<0.000000e+00> : vector<2560x512xf32>
    %dot_general3A_75 = tpu.matmul %mul3A_70, %get3A_73, %dot_general3A_74 {dimension_numbers = #tpu.dot_dimension_numbers<[1], [0], [0], [1], [0, 0, 1, 1], [], []>, transpose_lhs_hint = false} : vector<2560x16xf32>, vector<16x512xf32>, vector<2560x512xf32> -> vector<2560x512xf32>
    %get3A_76 = arith.constant 0 : index
    %get3A_77 = arith.constant 0 : index
    %get3A_78 = vector.load %arg17[%get3A_76, %get3A_77] : memref<1x512xf32, #tpu.memory_space<vmem>>, vector<1x512xf32>
    %add3A_79 = vector.broadcast %get3A_78 : vector<1x512xf32> to vector<2560x512xf32>
    %add3A_80 = arith.addf %dot_general3A_75, %add3A_79 : vector<2560x512xf32>
    %logistic3A_81 = arith.negf %add3A_80 : vector<2560x512xf32>
    %logistic3A_82 = math.exp %logistic3A_81 : vector<2560x512xf32>
    %logistic3A_83 = arith.constant 1.000000e+00 : f32
    %logistic3A_84 = vector.broadcast %logistic3A_83 : f32 to vector<2560x512xf32>
    %logistic3A_85 = arith.addf %logistic3A_84, %logistic3A_82 : vector<2560x512xf32>
    %logistic3A_86 = arith.divf %logistic3A_84, %logistic3A_85 : vector<2560x512xf32>
    %mul3A_87 = arith.mulf %add3A_80, %logistic3A_86 : vector<2560x512xf32>
    %get3A_88 = arith.constant 0 : index
    %get3A_89 = arith.constant 0 : index
    %get3A_90 = vector.load %arg18[%get3A_88, %get3A_89] : memref<512x8xf32, #tpu.memory_space<vmem>>, vector<512x8xf32>
    %dot_general3A_91 = arith.constant dense<0.000000e+00> : vector<2560x8xf32>
    %dot_general3A_92 = tpu.matmul %mul3A_87, %get3A_90, %dot_general3A_91 {dimension_numbers = #tpu.dot_dimension_numbers<[1], [0], [0], [1], [0, 0, 1, 1], [], []>, transpose_lhs_hint = false} : vector<2560x512xf32>, vector<512x8xf32>, vector<2560x8xf32> -> vector<2560x8xf32>
    %get3A_93 = arith.constant 0 : index
    %get3A_94 = arith.constant 0 : index
    %get3A_95 = vector.load %arg19[%get3A_93, %get3A_94] : memref<1x8xf32, #tpu.memory_space<vmem>>, vector<1x8xf32>
    %add3A_96 = vector.broadcast %get3A_95 : vector<1x8xf32> to vector<2560x8xf32>
    %add3A_97 = arith.addf %dot_general3A_92, %add3A_96 : vector<2560x8xf32>
    %iota3A = tpu.iota {dimensions = array<i32: 1>} : vector<1x8xi32>
    %eq3A = arith.constant 3 : i32
    %eq3A_98 = vector.broadcast %eq3A : i32 to vector<1x8xi32>
    %eq3A_99 = arith.cmpi eq, %iota3A, %eq3A_98 : vector<1x8xi32>
    %convert_element_type3A_100 = arith.extui %eq3A_99 : vector<1x8xi1> to vector<1x8xi32>
    %convert_element_type3A_101 = arith.sitofp %convert_element_type3A_100 : vector<1x8xi32> to vector<1x8xf32>
    %get3A_102 = arith.constant 0 : index
    %get3A_103 = arith.constant 0 : index
    %get3A_104 = vector.load %arg7[%get3A_102, %get3A_103] : memref<2560x8xf32, #tpu.memory_space<vmem>>, vector<2560x8xf32>
    %get3A_105 = arith.constant 0 : index
    %get3A_106 = arith.constant 0 : index
    %get3A_107 = vector.load %arg6[%get3A_105, %get3A_106] : memref<2560x8xf32, #tpu.memory_space<vmem>>, vector<2560x8xf32>
    %sub3A = arith.subf %get3A_104, %get3A_107 : vector<2560x8xf32>
    %mul3A_108 = arith.mulf %add3A_97, %sub3A : vector<2560x8xf32>
    %add3A_109 = vector.broadcast %convert_element_type3A_101 : vector<1x8xf32> to vector<2560x8xf32>
    %add3A_110 = arith.addf %mul3A_108, %add3A_109 : vector<2560x8xf32>
    %concatenate3A = tpu.concatenate %mul3A_70, %add3A_110 in 1 : vector<2560x16xf32>, vector<2560x8xf32> -> vector<2560x24xf32>
    %swap3A = arith.constant 0 : index
    %swap3A_111 = arith.constant 0 : index
    %swap3A_112 = vector.load %arg20[%swap3A, %swap3A_111] : memref<2560x24xf32, #tpu.memory_space<vmem>>, vector<2560x24xf32>
    tpu.vector_store %arg20[%swap3A, %swap3A_111], %concatenate3A {strides = array<i32>} : memref<2560x24xf32, #tpu.memory_space<vmem>>, vector<2560x24xf32>,
    return
  }
  func.func @transform_0(%arg0: i32) -> (i32, i32) {
    %c0_i32 = arith.constant 0 : i32
    %c0_i32_0 = arith.constant 0 : i32
    return %arg0, %c0_i32 : i32, i32
  }
  func.func @transform_1(%arg0: i32) -> (i32, i32) {
    %c0_i32 = arith.constant 0 : i32
    %c0_i32_0 = arith.constant 0 : i32
    return %arg0, %c0_i32 : i32, i32
  }
  func.func @transform_2(%arg0: i32) -> (i32, i32) {
    %c0_i32 = arith.constant 0 : i32
    %c0_i32_0 = arith.constant 0 : i32
    return %arg0, %c0_i32 : i32, i32
  }
  func.func @transform_3(%arg0: i32) -> (i32, i32) {
    %c0_i32 = arith.constant 0 : i32
    %c0_i32_0 = arith.constant 0 : i32
    return %arg0, %c0_i32 : i32, i32
  }
  func.func @transform_4(%arg0: i32) -> (i32, i32) {
    %c0_i32 = arith.constant 0 : i32
    %c0_i32_0 = arith.constant 0 : i32
    return %arg0, %c0_i32 : i32, i32
  }
  func.func @transform_5(%arg0: i32) -> (i32, i32) {
    %c0_i32 = arith.constant 0 : i32
    %c0_i32_0 = arith.constant 0 : i32
    return %arg0, %c0_i32 : i32, i32
  }
  func.func @transform_6(%arg0: i32) -> (i32, i32) {
    %c0_i32 = arith.constant 0 : i32
    %c0_i32_0 = arith.constant 0 : i32
    return %arg0, %c0_i32 : i32, i32
  }
  func.func @transform_7(%arg0: i32) -> (i32, i32) {
    %c0_i32 = arith.constant 0 : i32
    %c0_i32_0 = arith.constant 0 : i32
    %c0_i32_1 = arith.constant 0 : i32
    return %c0_i32, %c0_i32_0 : i32, i32
  }
  func.func @transform_8(%arg0: i32) -> (i32, i32) {
    %c0_i32 = arith.constant 0 : i32
    %c0_i32_0 = arith.constant 0 : i32
    %c0_i32_1 = arith.constant 0 : i32
    return %c0_i32, %c0_i32_0 : i32, i32
  }
  func.func @transform_9(%arg0: i32) -> (i32, i32) {
    %c0_i32 = arith.constant 0 : i32
    %c0_i32_0 = arith.constant 0 : i32
    %c0_i32_1 = arith.constant 0 : i32
    return %c0_i32, %c0_i32_0 : i32, i32
  }
  func.func @transform_10(%arg0: i32) -> (i32, i32) {
    %c0_i32 = arith.constant 0 : i32
    %c0_i32_0 = arith.constant 0 : i32
    %c0_i32_1 = arith.constant 0 : i32
    return %c0_i32, %c0_i32_0 : i32, i32
  }
  func.func @transform_11(%arg0: i32) -> (i32, i32) {
    %c0_i32 = arith.constant 0 : i32
    %c0_i32_0 = arith.constant 0 : i32
    %c0_i32_1 = arith.constant 0 : i32
    return %c0_i32, %c0_i32_0 : i32, i32
  }
  func.func @transform_12(%arg0: i32) -> (i32, i32) {
    %c0_i32 = arith.constant 0 : i32
    %c0_i32_0 = arith.constant 0 : i32
    %c0_i32_1 = arith.constant 0 : i32
    return %c0_i32, %c0_i32_0 : i32, i32
  }
  func.func @transform_13(%arg0: i32) -> (i32, i32) {
    %c0_i32 = arith.constant 0 : i32
    %c0_i32_0 = arith.constant 0 : i32
    %c0_i32_1 = arith.constant 0 : i32
    return %c0_i32, %c0_i32_0 : i32, i32
  }
  func.func @transform_14(%arg0: i32) -> (i32, i32) {
    %c0_i32 = arith.constant 0 : i32
    %c0_i32_0 = arith.constant 0 : i32
    %c0_i32_1 = arith.constant 0 : i32
    return %c0_i32, %c0_i32_0 : i32, i32
  }
  func.func @transform_15(%arg0: i32) -> (i32, i32) {
    %c0_i32 = arith.constant 0 : i32
    %c0_i32_0 = arith.constant 0 : i32
    %c0_i32_1 = arith.constant 0 : i32
    return %c0_i32, %c0_i32_0 : i32, i32
  }
  func.func @transform_16(%arg0: i32) -> (i32, i32) {
    %c0_i32 = arith.constant 0 : i32
    %c0_i32_0 = arith.constant 0 : i32
    %c0_i32_1 = arith.constant 0 : i32
    return %c0_i32, %c0_i32_0 : i32, i32
  }
  func.func @transform_17(%arg0: i32) -> (i32, i32) {
    %c0_i32 = arith.constant 0 : i32
    %c0_i32_0 = arith.constant 0 : i32
    %c0_i32_1 = arith.constant 0 : i32
    return %c0_i32, %c0_i32_0 : i32, i32
  }
  func.func @transform_18(%arg0: i32) -> (i32, i32) {
    %c0_i32 = arith.constant 0 : i32
    %c0_i32_0 = arith.constant 0 : i32
    %c0_i32_1 = arith.constant 0 : i32
    return %c0_i32, %c0_i32_0 : i32, i32
  }
  func.func @transform_19(%arg0: i32) -> (i32, i32) {
    %c0_i32 = arith.constant 0 : i32
    %c0_i32_0 = arith.constant 0 : i32
    return %arg0, %c0_i32 : i32, i32
  }
}

module attributes {stable_mosaic.version = 14 : i64} {
  func.func @_node_body(%arg0: i32, %arg1: memref<2000x128xf32, #tpu.memory_space<vmem>>, %arg2: memref<2000x24xf32, #tpu.memory_space<vmem>>, %arg3: memref<2000x24xf32, #tpu.memory_space<vmem>>, %arg4: memref<2000x24xf32, #tpu.memory_space<vmem>>, %arg5: memref<2000x24xf32, #tpu.memory_space<vmem>>, %arg6: memref<2000x64xf32, #tpu.memory_space<vmem>>, %arg7: memref<128x512xf32, #tpu.memory_space<vmem>>, %arg8: memref<16x512xf32, #tpu.memory_space<vmem>>, %arg9: memref<32x512xf32, #tpu.memory_space<vmem>>, %arg10: memref<1x512xf32, #tpu.memory_space<vmem>>, %arg11: memref<512x128xf32, #tpu.memory_space<vmem>>, %arg12: memref<1x128xf32, #tpu.memory_space<vmem>>, %arg13: memref<1x128xf32, #tpu.memory_space<vmem>>, %arg14: memref<1x128xf32, #tpu.memory_space<vmem>>, %arg15: memref<2000x128xf32, #tpu.memory_space<vmem>>, %arg16: memref<2000x3xf32, #tpu.memory_space<vmem>>) attributes {dimension_semantics = [#tpu.dimension_semantics<arbitrary>], iteration_bounds = array<i64: 5>, scalar_prefetch = 0 : i64, scratch_operands = 0 : i64, tpu.core_type = #tpu.core_type<tc>, window_params = [{transform_indices = @transform_0, window_bounds = array<i64: 2000, 128>}, {transform_indices = @transform_1, window_bounds = array<i64: 2000, 24>}, {transform_indices = @transform_2, window_bounds = array<i64: 2000, 24>}, {transform_indices = @transform_3, window_bounds = array<i64: 2000, 24>}, {transform_indices = @transform_4, window_bounds = array<i64: 2000, 24>}, {transform_indices = @transform_5, window_bounds = array<i64: 2000, 64>}, {pipeline_mode = #tpu.pipeline_mode<synchronous>, transform_indices = @transform_6, window_bounds = array<i64: 128, 512>}, {pipeline_mode = #tpu.pipeline_mode<synchronous>, transform_indices = @transform_7, window_bounds = array<i64: 16, 512>}, {pipeline_mode = #tpu.pipeline_mode<synchronous>, transform_indices = @transform_8, window_bounds = array<i64: 32, 512>}, {pipeline_mode = #tpu.pipeline_mode<synchronous>, transform_indices = @transform_9, window_bounds = array<i64: 1, 512>}, {pipeline_mode = #tpu.pipeline_mode<synchronous>, transform_indices = @transform_10, window_bounds = array<i64: 512, 128>}, {pipeline_mode = #tpu.pipeline_mode<synchronous>, transform_indices = @transform_11, window_bounds = array<i64: 1, 128>}, {pipeline_mode = #tpu.pipeline_mode<synchronous>, transform_indices = @transform_12, window_bounds = array<i64: 1, 128>}, {pipeline_mode = #tpu.pipeline_mode<synchronous>, transform_indices = @transform_13, window_bounds = array<i64: 1, 128>}, {transform_indices = @transform_14, window_bounds = array<i64: 2000, 128>}, {transform_indices = @transform_15, window_bounds = array<i64: 2000, 3>}]} {
    %get3A = arith.constant 0 : index
    %get3A_0 = arith.constant 0 : index
    %get3A_1 = vector.load %arg2[%get3A, %get3A_0] : memref<2000x24xf32, #tpu.memory_space<vmem>>, vector<2000x24xf32>
    %get3A_2 = arith.constant 0 : index
    %get3A_3 = arith.constant 0 : index
    %get3A_4 = vector.load %arg3[%get3A_2, %get3A_3] : memref<2000x24xf32, #tpu.memory_space<vmem>>, vector<2000x24xf32>
    %add3A = arith.addf %get3A_1, %get3A_4 : vector<2000x24xf32>
    %get3A_5 = arith.constant 0 : index
    %get3A_6 = arith.constant 0 : index
    %get3A_7 = vector.load %arg4[%get3A_5, %get3A_6] : memref<2000x24xf32, #tpu.memory_space<vmem>>, vector<2000x24xf32>
    %get3A_8 = arith.constant 0 : index
    %get3A_9 = arith.constant 0 : index
    %get3A_10 = vector.load %arg5[%get3A_8, %get3A_9] : memref<2000x24xf32, #tpu.memory_space<vmem>>, vector<2000x24xf32>
    %add3A_11 = arith.addf %get3A_7, %get3A_10 : vector<2000x24xf32>
    %add3A_12 = arith.addf %add3A, %add3A_11 : vector<2000x24xf32>
    %slice3A = vector.extract_strided_slice %add3A_12 {offsets = [0, 0], sizes = [2000, 16], strides = [1, 1]} : vector<2000x24xf32> to vector<2000x16xf32>
    %slice3A_13 = vector.extract_strided_slice %add3A_12 {offsets = [0, 16], sizes = [2000, 3], strides = [1, 1]} : vector<2000x24xf32> to vector<2000x3xf32>
    %slice3A_14 = vector.extract_strided_slice %add3A_12 {offsets = [0, 19], sizes = [2000, 1], strides = [1, 1]} : vector<2000x24xf32> to vector<2000x1xf32>
    %max3A = arith.constant 1.000000e+00 : f32
    %max3A_15 = vector.broadcast %max3A : f32 to vector<2000x1xf32>
    %max3A_16 = arith.maximumf %slice3A_14, %max3A_15 : vector<2000x1xf32>
    %div3A = vector.broadcast %max3A_16 : vector<2000x1xf32> to vector<2000x3xf32>
    %div3A_17 = arith.divf %slice3A_13, %div3A : vector<2000x3xf32>
    %swap3A = arith.constant 0 : index
    %swap3A_18 = arith.constant 0 : index
    %swap3A_19 = vector.load %arg16[%swap3A, %swap3A_18] : memref<2000x3xf32, #tpu.memory_space<vmem>>, vector<2000x3xf32>
    tpu.vector_store %arg16[%swap3A, %swap3A_18], %div3A_17 {strides = array<i32>} : memref<2000x3xf32, #tpu.memory_space<vmem>>, vector<2000x3xf32>,
    %get3A_20 = arith.constant 0 : index
    %get3A_21 = arith.constant 0 : index
    %get3A_22 = vector.load %arg1[%get3A_20, %get3A_21] : memref<2000x128xf32, #tpu.memory_space<vmem>>, vector<2000x128xf32>
    %get3A_23 = arith.constant 0 : index
    %get3A_24 = arith.constant 0 : index
    %get3A_25 = vector.load %arg7[%get3A_23, %get3A_24] : memref<128x512xf32, #tpu.memory_space<vmem>>, vector<128x512xf32>
    %dot_general3A = arith.constant dense<0.000000e+00> : vector<2000x512xf32>
    %dot_general3A_26 = tpu.matmul %get3A_22, %get3A_25, %dot_general3A {dimension_numbers = #tpu.dot_dimension_numbers<[1], [0], [0], [1], [0, 0, 1, 1], [], []>, transpose_lhs_hint = false} : vector<2000x128xf32>, vector<128x512xf32>, vector<2000x512xf32> -> vector<2000x512xf32>
    %get3A_27 = arith.constant 0 : index
    %get3A_28 = arith.constant 0 : index
    %get3A_29 = vector.load %arg8[%get3A_27, %get3A_28] : memref<16x512xf32, #tpu.memory_space<vmem>>, vector<16x512xf32>
    %dot_general3A_30 = arith.constant dense<0.000000e+00> : vector<2000x512xf32>
    %dot_general3A_31 = tpu.matmul %slice3A, %get3A_29, %dot_general3A_30 {dimension_numbers = #tpu.dot_dimension_numbers<[1], [0], [0], [1], [0, 0, 1, 1], [], []>, transpose_lhs_hint = false} : vector<2000x16xf32>, vector<16x512xf32>, vector<2000x512xf32> -> vector<2000x512xf32>
    %add3A_32 = arith.addf %dot_general3A_26, %dot_general3A_31 : vector<2000x512xf32>
    %get3A_33 = arith.constant 0 : index
    %get3A_34 = arith.constant 0 : index
    %get3A_35 = vector.load %arg6[%get3A_33, %get3A_34] : memref<2000x64xf32, #tpu.memory_space<vmem>>, vector<2000x64xf32>
    %slice3A_36 = vector.extract_strided_slice %get3A_35 {offsets = [0, 0], sizes = [2000, 32], strides = [1, 1]} : vector<2000x64xf32> to vector<2000x32xf32>
    %get3A_37 = arith.constant 0 : index
    %get3A_38 = arith.constant 0 : index
    %get3A_39 = vector.load %arg9[%get3A_37, %get3A_38] : memref<32x512xf32, #tpu.memory_space<vmem>>, vector<32x512xf32>
    %dot_general3A_40 = arith.constant dense<0.000000e+00> : vector<2000x512xf32>
    %dot_general3A_41 = tpu.matmul %slice3A_36, %get3A_39, %dot_general3A_40 {dimension_numbers = #tpu.dot_dimension_numbers<[1], [0], [0], [1], [0, 0, 1, 1], [], []>, transpose_lhs_hint = false} : vector<2000x32xf32>, vector<32x512xf32>, vector<2000x512xf32> -> vector<2000x512xf32>
    %add3A_42 = arith.addf %add3A_32, %dot_general3A_41 : vector<2000x512xf32>
    %get3A_43 = arith.constant 0 : index
    %get3A_44 = arith.constant 0 : index
    %get3A_45 = vector.load %arg10[%get3A_43, %get3A_44] : memref<1x512xf32, #tpu.memory_space<vmem>>, vector<1x512xf32>
    %add3A_46 = vector.broadcast %get3A_45 : vector<1x512xf32> to vector<2000x512xf32>
    %add3A_47 = arith.addf %add3A_42, %add3A_46 : vector<2000x512xf32>
    %logistic3A = arith.negf %add3A_47 : vector<2000x512xf32>
    %logistic3A_48 = math.exp %logistic3A : vector<2000x512xf32>
    %logistic3A_49 = arith.constant 1.000000e+00 : f32
    %logistic3A_50 = vector.broadcast %logistic3A_49 : f32 to vector<2000x512xf32>
    %logistic3A_51 = arith.addf %logistic3A_50, %logistic3A_48 : vector<2000x512xf32>
    %logistic3A_52 = arith.divf %logistic3A_50, %logistic3A_51 : vector<2000x512xf32>
    %mul3A = arith.mulf %add3A_47, %logistic3A_52 : vector<2000x512xf32>
    %get3A_53 = arith.constant 0 : index
    %get3A_54 = arith.constant 0 : index
    %get3A_55 = vector.load %arg11[%get3A_53, %get3A_54] : memref<512x128xf32, #tpu.memory_space<vmem>>, vector<512x128xf32>
    %dot_general3A_56 = arith.constant dense<0.000000e+00> : vector<2000x128xf32>
    %dot_general3A_57 = tpu.matmul %mul3A, %get3A_55, %dot_general3A_56 {dimension_numbers = #tpu.dot_dimension_numbers<[1], [0], [0], [1], [0, 0, 1, 1], [], []>, transpose_lhs_hint = false} : vector<2000x512xf32>, vector<512x128xf32>, vector<2000x128xf32> -> vector<2000x128xf32>
    %get3A_58 = arith.constant 0 : index
    %get3A_59 = arith.constant 0 : index
    %get3A_60 = vector.load %arg12[%get3A_58, %get3A_59] : memref<1x128xf32, #tpu.memory_space<vmem>>, vector<1x128xf32>
    %add3A_61 = vector.broadcast %get3A_60 : vector<1x128xf32> to vector<2000x128xf32>
    %add3A_62 = arith.addf %dot_general3A_57, %add3A_61 : vector<2000x128xf32>
    %add3A_63 = arith.addf %add3A_62, %get3A_22 : vector<2000x128xf32>
    %reduce_sum3A = arith.constant dense<0.000000e+00> : vector<2000xf32>
    %reduce_sum3A_64 = vector.multi_reduction <add>, %add3A_63, %reduce_sum3A [1] : vector<2000x128xf32> to vector<2000xf32>
    %broadcast_in_dim3A = vector.shape_cast %reduce_sum3A_64 : vector<2000xf32> to vector<2000x1xf32>
    %div3A_65 = arith.constant 1.280000e+02 : f32
    %div3A_66 = vector.broadcast %div3A_65 : f32 to vector<2000x1xf32>
    %div3A_67 = arith.divf %broadcast_in_dim3A, %div3A_66 : vector<2000x1xf32>
    %sub3A = vector.broadcast %div3A_67 : vector<2000x1xf32> to vector<2000x128xf32>
    %sub3A_68 = arith.subf %add3A_63, %sub3A : vector<2000x128xf32>
    %integer_pow3A = arith.mulf %sub3A_68, %sub3A_68 : vector<2000x128xf32>
    %reduce_sum3A_69 = arith.constant dense<0.000000e+00> : vector<2000xf32>
    %reduce_sum3A_70 = vector.multi_reduction <add>, %integer_pow3A, %reduce_sum3A_69 [1] : vector<2000x128xf32> to vector<2000xf32>
    %broadcast_in_dim3A_71 = vector.shape_cast %reduce_sum3A_70 : vector<2000xf32> to vector<2000x1xf32>
    %div3A_72 = arith.constant 1.280000e+02 : f32
    %div3A_73 = vector.broadcast %div3A_72 : f32 to vector<2000x1xf32>
    %div3A_74 = arith.divf %broadcast_in_dim3A_71, %div3A_73 : vector<2000x1xf32>
    %sub3A_75 = vector.broadcast %div3A_67 : vector<2000x1xf32> to vector<2000x128xf32>
    %sub3A_76 = arith.subf %add3A_63, %sub3A_75 : vector<2000x128xf32>
    %add3A_77 = arith.constant 9.99999974E-6 : f32
    %add3A_78 = vector.broadcast %add3A_77 : f32 to vector<2000x1xf32>
    %add3A_79 = arith.addf %div3A_74, %add3A_78 : vector<2000x1xf32>
    %rsqrt3A = math.rsqrt %add3A_79 : vector<2000x1xf32>
    %mul3A_80 = vector.broadcast %rsqrt3A : vector<2000x1xf32> to vector<2000x128xf32>
    %mul3A_81 = arith.mulf %sub3A_76, %mul3A_80 : vector<2000x128xf32>
    %get3A_82 = arith.constant 0 : index
    %get3A_83 = arith.constant 0 : index
    %get3A_84 = vector.load %arg13[%get3A_82, %get3A_83] : memref<1x128xf32, #tpu.memory_space<vmem>>, vector<1x128xf32>
    %mul3A_85 = vector.broadcast %get3A_84 : vector<1x128xf32> to vector<2000x128xf32>
    %mul3A_86 = arith.mulf %mul3A_81, %mul3A_85 : vector<2000x128xf32>
    %get3A_87 = arith.constant 0 : index
    %get3A_88 = arith.constant 0 : index
    %get3A_89 = vector.load %arg14[%get3A_87, %get3A_88] : memref<1x128xf32, #tpu.memory_space<vmem>>, vector<1x128xf32>
    %add3A_90 = vector.broadcast %get3A_89 : vector<1x128xf32> to vector<2000x128xf32>
    %add3A_91 = arith.addf %mul3A_86, %add3A_90 : vector<2000x128xf32>
    %swap3A_92 = arith.constant 0 : index
    %swap3A_93 = arith.constant 0 : index
    %swap3A_94 = vector.load %arg15[%swap3A_92, %swap3A_93] : memref<2000x128xf32, #tpu.memory_space<vmem>>, vector<2000x128xf32>
    tpu.vector_store %arg15[%swap3A_92, %swap3A_93], %add3A_91 {strides = array<i32>} : memref<2000x128xf32, #tpu.memory_space<vmem>>, vector<2000x128xf32>,
    return
  }
  func.func @transform_0(%arg0: i32) -> (i32, i32) {
    %c0_i32 = arith.constant 0 : i32
    %c0_i32_0 = arith.constant 0 : i32
    return %arg0, %c0_i32 : i32, i32
  }
  func.func @transform_1(%arg0: i32) -> (i32, i32) {
    %c0_i32 = arith.constant 0 : i32
    %c0_i32_0 = arith.constant 0 : i32
    return %arg0, %c0_i32 : i32, i32
  }
  func.func @transform_2(%arg0: i32) -> (i32, i32) {
    %c0_i32 = arith.constant 0 : i32
    %c0_i32_0 = arith.constant 0 : i32
    return %arg0, %c0_i32 : i32, i32
  }
  func.func @transform_3(%arg0: i32) -> (i32, i32) {
    %c0_i32 = arith.constant 0 : i32
    %c0_i32_0 = arith.constant 0 : i32
    return %arg0, %c0_i32 : i32, i32
  }
  func.func @transform_4(%arg0: i32) -> (i32, i32) {
    %c0_i32 = arith.constant 0 : i32
    %c0_i32_0 = arith.constant 0 : i32
    return %arg0, %c0_i32 : i32, i32
  }
  func.func @transform_5(%arg0: i32) -> (i32, i32) {
    %c0_i32 = arith.constant 0 : i32
    %c0_i32_0 = arith.constant 0 : i32
    return %arg0, %c0_i32 : i32, i32
  }
  func.func @transform_6(%arg0: i32) -> (i32, i32) {
    %c0_i32 = arith.constant 0 : i32
    %c0_i32_0 = arith.constant 0 : i32
    %c0_i32_1 = arith.constant 0 : i32
    return %c0_i32, %c0_i32_0 : i32, i32
  }
  func.func @transform_7(%arg0: i32) -> (i32, i32) {
    %c0_i32 = arith.constant 0 : i32
    %c0_i32_0 = arith.constant 0 : i32
    %c0_i32_1 = arith.constant 0 : i32
    return %c0_i32, %c0_i32_0 : i32, i32
  }
  func.func @transform_8(%arg0: i32) -> (i32, i32) {
    %c0_i32 = arith.constant 0 : i32
    %c0_i32_0 = arith.constant 0 : i32
    %c0_i32_1 = arith.constant 0 : i32
    return %c0_i32, %c0_i32_0 : i32, i32
  }
  func.func @transform_9(%arg0: i32) -> (i32, i32) {
    %c0_i32 = arith.constant 0 : i32
    %c0_i32_0 = arith.constant 0 : i32
    %c0_i32_1 = arith.constant 0 : i32
    return %c0_i32, %c0_i32_0 : i32, i32
  }
  func.func @transform_10(%arg0: i32) -> (i32, i32) {
    %c0_i32 = arith.constant 0 : i32
    %c0_i32_0 = arith.constant 0 : i32
    %c0_i32_1 = arith.constant 0 : i32
    return %c0_i32, %c0_i32_0 : i32, i32
  }
  func.func @transform_11(%arg0: i32) -> (i32, i32) {
    %c0_i32 = arith.constant 0 : i32
    %c0_i32_0 = arith.constant 0 : i32
    %c0_i32_1 = arith.constant 0 : i32
    return %c0_i32, %c0_i32_0 : i32, i32
  }
  func.func @transform_12(%arg0: i32) -> (i32, i32) {
    %c0_i32 = arith.constant 0 : i32
    %c0_i32_0 = arith.constant 0 : i32
    %c0_i32_1 = arith.constant 0 : i32
    return %c0_i32, %c0_i32_0 : i32, i32
  }
  func.func @transform_13(%arg0: i32) -> (i32, i32) {
    %c0_i32 = arith.constant 0 : i32
    %c0_i32_0 = arith.constant 0 : i32
    %c0_i32_1 = arith.constant 0 : i32
    return %c0_i32, %c0_i32_0 : i32, i32
  }
  func.func @transform_14(%arg0: i32) -> (i32, i32) {
    %c0_i32 = arith.constant 0 : i32
    %c0_i32_0 = arith.constant 0 : i32
    return %arg0, %c0_i32 : i32, i32
  }
  func.func @transform_15(%arg0: i32) -> (i32, i32) {
    %c0_i32 = arith.constant 0 : i32
    %c0_i32_0 = arith.constant 0 : i32
    return %arg0, %c0_i32 : i32, i32
  }
}

module attributes {stable_mosaic.version = 14 : i64} {
  func.func @_edge_body(%arg0: i32, %arg1: memref<2560x128xf32, #tpu.memory_space<vmem>>, %arg2: memref<2560x128xf32, #tpu.memory_space<vmem>>, %arg3: memref<2560x1xf32, #tpu.memory_space<vmem>>, %arg4: memref<2560x64xf32, #tpu.memory_space<vmem>>, %arg5: memref<2560x16xf32, #tpu.memory_space<vmem>>, %arg6: memref<128x512xbf16, #tpu.memory_space<vmem>>, %arg7: memref<128x512xbf16, #tpu.memory_space<vmem>>, %arg8: memref<1x512xf32, #tpu.memory_space<vmem>>, %arg9: memref<32x512xbf16, #tpu.memory_space<vmem>>, %arg10: memref<1x512xf32, #tpu.memory_space<vmem>>, %arg11: memref<512x16xf32, #tpu.memory_space<vmem>>, %arg12: memref<1x16xf32, #tpu.memory_space<vmem>>, %arg13: memref<1x16xf32, #tpu.memory_space<vmem>>, %arg14: memref<1x16xf32, #tpu.memory_space<vmem>>, %arg15: memref<2560x16xf32, #tpu.memory_space<vmem>>) attributes {dimension_semantics = [#tpu.dimension_semantics<arbitrary>], iteration_bounds = array<i64: 64>, scalar_prefetch = 0 : i64, scratch_operands = 0 : i64, tpu.core_type = #tpu.core_type<tc>, window_params = [{transform_indices = @transform_0, window_bounds = array<i64: 2560, 128>}, {transform_indices = @transform_1, window_bounds = array<i64: 2560, 128>}, {transform_indices = @transform_2, window_bounds = array<i64: 2560, 1>}, {transform_indices = @transform_3, window_bounds = array<i64: 2560, 64>}, {transform_indices = @transform_4, window_bounds = array<i64: 2560, 16>}, {pipeline_mode = #tpu.pipeline_mode<synchronous>, transform_indices = @transform_5, window_bounds = array<i64: 128, 512>}, {pipeline_mode = #tpu.pipeline_mode<synchronous>, transform_indices = @transform_6, window_bounds = array<i64: 128, 512>}, {pipeline_mode = #tpu.pipeline_mode<synchronous>, transform_indices = @transform_7, window_bounds = array<i64: 1, 512>}, {pipeline_mode = #tpu.pipeline_mode<synchronous>, transform_indices = @transform_8, window_bounds = array<i64: 32, 512>}, {pipeline_mode = #tpu.pipeline_mode<synchronous>, transform_indices = @transform_9, window_bounds = array<i64: 1, 512>}, {pipeline_mode = #tpu.pipeline_mode<synchronous>, transform_indices = @transform_10, window_bounds = array<i64: 512, 16>}, {pipeline_mode = #tpu.pipeline_mode<synchronous>, transform_indices = @transform_11, window_bounds = array<i64: 1, 16>}, {pipeline_mode = #tpu.pipeline_mode<synchronous>, transform_indices = @transform_12, window_bounds = array<i64: 1, 16>}, {pipeline_mode = #tpu.pipeline_mode<synchronous>, transform_indices = @transform_13, window_bounds = array<i64: 1, 16>}, {transform_indices = @transform_14, window_bounds = array<i64: 2560, 16>}]} {
    %get3A = arith.constant 0 : index
    %get3A_0 = arith.constant 0 : index
    %get3A_1 = vector.load %arg1[%get3A, %get3A_0] : memref<2560x128xf32, #tpu.memory_space<vmem>>, vector<2560x128xf32>
    %convert_element_type3A = arith.truncf %get3A_1 : vector<2560x128xf32> to vector<2560x128xbf16>
    %get3A_2 = arith.constant 0 : index
    %get3A_3 = arith.constant 0 : index
    %get3A_4 = vector.load %arg6[%get3A_2, %get3A_3] : memref<128x512xbf16, #tpu.memory_space<vmem>>, vector<128x512xbf16>
    %dot_general3A = arith.constant dense<0.000000e+00> : vector<2560x512xf32>
    %dot_general3A_5 = tpu.matmul %convert_element_type3A, %get3A_4, %dot_general3A {dimension_numbers = #tpu.dot_dimension_numbers<[1], [0], [0], [1], [0, 0, 1, 1], [], []>, transpose_lhs_hint = false} : vector<2560x128xbf16>, vector<128x512xbf16>, vector<2560x512xf32> -> vector<2560x512xf32>
    %get3A_6 = arith.constant 0 : index
    %get3A_7 = arith.constant 0 : index
    %get3A_8 = vector.load %arg2[%get3A_6, %get3A_7] : memref<2560x128xf32, #tpu.memory_space<vmem>>, vector<2560x128xf32>
    %convert_element_type3A_9 = arith.truncf %get3A_8 : vector<2560x128xf32> to vector<2560x128xbf16>
    %get3A_10 = arith.constant 0 : index
    %get3A_11 = arith.constant 0 : index
    %get3A_12 = vector.load %arg7[%get3A_10, %get3A_11] : memref<128x512xbf16, #tpu.memory_space<vmem>>, vector<128x512xbf16>
    %dot_general3A_13 = arith.constant dense<0.000000e+00> : vector<2560x512xf32>
    %dot_general3A_14 = tpu.matmul %convert_element_type3A_9, %get3A_12, %dot_general3A_13 {dimension_numbers = #tpu.dot_dimension_numbers<[1], [0], [0], [1], [0, 0, 1, 1], [], []>, transpose_lhs_hint = false} : vector<2560x128xbf16>, vector<128x512xbf16>, vector<2560x512xf32> -> vector<2560x512xf32>
    %add3A = arith.addf %dot_general3A_5, %dot_general3A_14 : vector<2560x512xf32>
    %get3A_15 = arith.constant 0 : index
    %get3A_16 = arith.constant 0 : index
    %get3A_17 = vector.load %arg4[%get3A_15, %get3A_16] : memref<2560x64xf32, #tpu.memory_space<vmem>>, vector<2560x64xf32>
    %slice3A = vector.extract_strided_slice %get3A_17 {offsets = [0, 0], sizes = [2560, 32], strides = [1, 1]} : vector<2560x64xf32> to vector<2560x32xf32>
    %convert_element_type3A_18 = arith.truncf %slice3A : vector<2560x32xf32> to vector<2560x32xbf16>
    %get3A_19 = arith.constant 0 : index
    %get3A_20 = arith.constant 0 : index
    %get3A_21 = vector.load %arg9[%get3A_19, %get3A_20] : memref<32x512xbf16, #tpu.memory_space<vmem>>, vector<32x512xbf16>
    %dot_general3A_22 = arith.constant dense<0.000000e+00> : vector<2560x512xf32>
    %dot_general3A_23 = tpu.matmul %convert_element_type3A_18, %get3A_21, %dot_general3A_22 {dimension_numbers = #tpu.dot_dimension_numbers<[1], [0], [0], [1], [0, 0, 1, 1], [], []>, transpose_lhs_hint = false} : vector<2560x32xbf16>, vector<32x512xbf16>, vector<2560x512xf32> -> vector<2560x512xf32>
    %add3A_24 = arith.addf %add3A, %dot_general3A_23 : vector<2560x512xf32>
    %get3A_25 = arith.constant 0 : index
    %get3A_26 = arith.constant 0 : index
    %get3A_27 = vector.load %arg3[%get3A_25, %get3A_26] : memref<2560x1xf32, #tpu.memory_space<vmem>>, vector<2560x1xf32>
    %get3A_28 = arith.constant 0 : index
    %get3A_29 = arith.constant 0 : index
    %get3A_30 = vector.load %arg8[%get3A_28, %get3A_29] : memref<1x512xf32, #tpu.memory_space<vmem>>, vector<1x512xf32>
    %mul3A = vector.broadcast %get3A_27 : vector<2560x1xf32> to vector<2560x512xf32>
    %mul3A_31 = vector.broadcast %get3A_30 : vector<1x512xf32> to vector<2560x512xf32>
    %mul3A_32 = arith.mulf %mul3A, %mul3A_31 : vector<2560x512xf32>
    %add3A_33 = arith.addf %add3A_24, %mul3A_32 : vector<2560x512xf32>
    %get3A_34 = arith.constant 0 : index
    %get3A_35 = arith.constant 0 : index
    %get3A_36 = vector.load %arg10[%get3A_34, %get3A_35] : memref<1x512xf32, #tpu.memory_space<vmem>>, vector<1x512xf32>
    %add3A_37 = vector.broadcast %get3A_36 : vector<1x512xf32> to vector<2560x512xf32>
    %add3A_38 = arith.addf %add3A_33, %add3A_37 : vector<2560x512xf32>
    %logistic3A = arith.negf %add3A_38 : vector<2560x512xf32>
    %logistic3A_39 = math.exp %logistic3A : vector<2560x512xf32>
    %logistic3A_40 = arith.constant 1.000000e+00 : f32
    %logistic3A_41 = vector.broadcast %logistic3A_40 : f32 to vector<2560x512xf32>
    %logistic3A_42 = arith.addf %logistic3A_41, %logistic3A_39 : vector<2560x512xf32>
    %logistic3A_43 = arith.divf %logistic3A_41, %logistic3A_42 : vector<2560x512xf32>
    %mul3A_44 = arith.mulf %add3A_38, %logistic3A_43 : vector<2560x512xf32>
    %get3A_45 = arith.constant 0 : index
    %get3A_46 = arith.constant 0 : index
    %get3A_47 = vector.load %arg11[%get3A_45, %get3A_46] : memref<512x16xf32, #tpu.memory_space<vmem>>, vector<512x16xf32>
    %dot_general3A_48 = arith.constant dense<0.000000e+00> : vector<2560x16xf32>
    %dot_general3A_49 = tpu.matmul %mul3A_44, %get3A_47, %dot_general3A_48 {dimension_numbers = #tpu.dot_dimension_numbers<[1], [0], [0], [1], [0, 0, 1, 1], [], []>, transpose_lhs_hint = false} : vector<2560x512xf32>, vector<512x16xf32>, vector<2560x16xf32> -> vector<2560x16xf32>
    %get3A_50 = arith.constant 0 : index
    %get3A_51 = arith.constant 0 : index
    %get3A_52 = vector.load %arg12[%get3A_50, %get3A_51] : memref<1x16xf32, #tpu.memory_space<vmem>>, vector<1x16xf32>
    %add3A_53 = vector.broadcast %get3A_52 : vector<1x16xf32> to vector<2560x16xf32>
    %add3A_54 = arith.addf %dot_general3A_49, %add3A_53 : vector<2560x16xf32>
    %get3A_55 = arith.constant 0 : index
    %get3A_56 = arith.constant 0 : index
    %get3A_57 = vector.load %arg5[%get3A_55, %get3A_56] : memref<2560x16xf32, #tpu.memory_space<vmem>>, vector<2560x16xf32>
    %add3A_58 = arith.addf %add3A_54, %get3A_57 : vector<2560x16xf32>
    %reduce_sum3A = arith.constant dense<0.000000e+00> : vector<2560xf32>
    %reduce_sum3A_59 = vector.multi_reduction <add>, %add3A_58, %reduce_sum3A [1] : vector<2560x16xf32> to vector<2560xf32>
    %broadcast_in_dim3A = vector.shape_cast %reduce_sum3A_59 : vector<2560xf32> to vector<2560x1xf32>
    %div3A = arith.constant 1.600000e+01 : f32
    %div3A_60 = vector.broadcast %div3A : f32 to vector<2560x1xf32>
    %div3A_61 = arith.divf %broadcast_in_dim3A, %div3A_60 : vector<2560x1xf32>
    %sub3A = vector.broadcast %div3A_61 : vector<2560x1xf32> to vector<2560x16xf32>
    %sub3A_62 = arith.subf %add3A_58, %sub3A : vector<2560x16xf32>
    %integer_pow3A = arith.mulf %sub3A_62, %sub3A_62 : vector<2560x16xf32>
    %reduce_sum3A_63 = arith.constant dense<0.000000e+00> : vector<2560xf32>
    %reduce_sum3A_64 = vector.multi_reduction <add>, %integer_pow3A, %reduce_sum3A_63 [1] : vector<2560x16xf32> to vector<2560xf32>
    %broadcast_in_dim3A_65 = vector.shape_cast %reduce_sum3A_64 : vector<2560xf32> to vector<2560x1xf32>
    %div3A_66 = arith.constant 1.600000e+01 : f32
    %div3A_67 = vector.broadcast %div3A_66 : f32 to vector<2560x1xf32>
    %div3A_68 = arith.divf %broadcast_in_dim3A_65, %div3A_67 : vector<2560x1xf32>
    %sub3A_69 = vector.broadcast %div3A_61 : vector<2560x1xf32> to vector<2560x16xf32>
    %sub3A_70 = arith.subf %add3A_58, %sub3A_69 : vector<2560x16xf32>
    %add3A_71 = arith.constant 9.99999974E-6 : f32
    %add3A_72 = vector.broadcast %add3A_71 : f32 to vector<2560x1xf32>
    %add3A_73 = arith.addf %div3A_68, %add3A_72 : vector<2560x1xf32>
    %rsqrt3A = math.rsqrt %add3A_73 : vector<2560x1xf32>
    %mul3A_74 = vector.broadcast %rsqrt3A : vector<2560x1xf32> to vector<2560x16xf32>
    %mul3A_75 = arith.mulf %sub3A_70, %mul3A_74 : vector<2560x16xf32>
    %get3A_76 = arith.constant 0 : index
    %get3A_77 = arith.constant 0 : index
    %get3A_78 = vector.load %arg13[%get3A_76, %get3A_77] : memref<1x16xf32, #tpu.memory_space<vmem>>, vector<1x16xf32>
    %mul3A_79 = vector.broadcast %get3A_78 : vector<1x16xf32> to vector<2560x16xf32>
    %mul3A_80 = arith.mulf %mul3A_75, %mul3A_79 : vector<2560x16xf32>
    %get3A_81 = arith.constant 0 : index
    %get3A_82 = arith.constant 0 : index
    %get3A_83 = vector.load %arg14[%get3A_81, %get3A_82] : memref<1x16xf32, #tpu.memory_space<vmem>>, vector<1x16xf32>
    %add3A_84 = vector.broadcast %get3A_83 : vector<1x16xf32> to vector<2560x16xf32>
    %add3A_85 = arith.addf %mul3A_80, %add3A_84 : vector<2560x16xf32>
    %swap3A = arith.constant 0 : index
    %swap3A_86 = arith.constant 0 : index
    %swap3A_87 = vector.load %arg15[%swap3A, %swap3A_86] : memref<2560x16xf32, #tpu.memory_space<vmem>>, vector<2560x16xf32>
    tpu.vector_store %arg15[%swap3A, %swap3A_86], %add3A_85 {strides = array<i32>} : memref<2560x16xf32, #tpu.memory_space<vmem>>, vector<2560x16xf32>,
    return
  }
  func.func @transform_0(%arg0: i32) -> (i32, i32) {
    %c0_i32 = arith.constant 0 : i32
    %c0_i32_0 = arith.constant 0 : i32
    return %arg0, %c0_i32 : i32, i32
  }
  func.func @transform_1(%arg0: i32) -> (i32, i32) {
    %c0_i32 = arith.constant 0 : i32
    %c0_i32_0 = arith.constant 0 : i32
    return %arg0, %c0_i32 : i32, i32
  }
  func.func @transform_2(%arg0: i32) -> (i32, i32) {
    %c0_i32 = arith.constant 0 : i32
    %c0_i32_0 = arith.constant 0 : i32
    return %arg0, %c0_i32 : i32, i32
  }
  func.func @transform_3(%arg0: i32) -> (i32, i32) {
    %c0_i32 = arith.constant 0 : i32
    %c0_i32_0 = arith.constant 0 : i32
    return %arg0, %c0_i32 : i32, i32
  }
  func.func @transform_4(%arg0: i32) -> (i32, i32) {
    %c0_i32 = arith.constant 0 : i32
    %c0_i32_0 = arith.constant 0 : i32
    return %arg0, %c0_i32 : i32, i32
  }
  func.func @transform_5(%arg0: i32) -> (i32, i32) {
    %c0_i32 = arith.constant 0 : i32
    %c0_i32_0 = arith.constant 0 : i32
    %c0_i32_1 = arith.constant 0 : i32
    return %c0_i32, %c0_i32_0 : i32, i32
  }
  func.func @transform_6(%arg0: i32) -> (i32, i32) {
    %c0_i32 = arith.constant 0 : i32
    %c0_i32_0 = arith.constant 0 : i32
    %c0_i32_1 = arith.constant 0 : i32
    return %c0_i32, %c0_i32_0 : i32, i32
  }
  func.func @transform_7(%arg0: i32) -> (i32, i32) {
    %c0_i32 = arith.constant 0 : i32
    %c0_i32_0 = arith.constant 0 : i32
    %c0_i32_1 = arith.constant 0 : i32
    return %c0_i32, %c0_i32_0 : i32, i32
  }
  func.func @transform_8(%arg0: i32) -> (i32, i32) {
    %c0_i32 = arith.constant 0 : i32
    %c0_i32_0 = arith.constant 0 : i32
    %c0_i32_1 = arith.constant 0 : i32
    return %c0_i32, %c0_i32_0 : i32, i32
  }
  func.func @transform_9(%arg0: i32) -> (i32, i32) {
    %c0_i32 = arith.constant 0 : i32
    %c0_i32_0 = arith.constant 0 : i32
    %c0_i32_1 = arith.constant 0 : i32
    return %c0_i32, %c0_i32_0 : i32, i32
  }
  func.func @transform_10(%arg0: i32) -> (i32, i32) {
    %c0_i32 = arith.constant 0 : i32
    %c0_i32_0 = arith.constant 0 : i32
    %c0_i32_1 = arith.constant 0 : i32
    return %c0_i32, %c0_i32_0 : i32, i32
  }
  func.func @transform_11(%arg0: i32) -> (i32, i32) {
    %c0_i32 = arith.constant 0 : i32
    %c0_i32_0 = arith.constant 0 : i32
    %c0_i32_1 = arith.constant 0 : i32
    return %c0_i32, %c0_i32_0 : i32, i32
  }
  func.func @transform_12(%arg0: i32) -> (i32, i32) {
    %c0_i32 = arith.constant 0 : i32
    %c0_i32_0 = arith.constant 0 : i32
    %c0_i32_1 = arith.constant 0 : i32
    return %c0_i32, %c0_i32_0 : i32, i32
  }
  func.func @transform_13(%arg0: i32) -> (i32, i32) {
    %c0_i32 = arith.constant 0 : i32
    %c0_i32_0 = arith.constant 0 : i32
    %c0_i32_1 = arith.constant 0 : i32
    return %c0_i32, %c0_i32_0 : i32, i32
  }
  func.func @transform_14(%arg0: i32) -> (i32, i32) {
    %c0_i32 = arith.constant 0 : i32
    %c0_i32_0 = arith.constant 0 : i32
    return %arg0, %c0_i32 : i32, i32
  }
}

module attributes {stable_mosaic.version = 14 : i64} {
  func.func @_edge_body(%arg0: i32, %arg1: memref<2560x128xf32, #tpu.memory_space<vmem>>, %arg2: memref<2560x128xf32, #tpu.memory_space<vmem>>, %arg3: memref<2560x1xf32, #tpu.memory_space<vmem>>, %arg4: memref<2560x64xf32, #tpu.memory_space<vmem>>, %arg5: memref<2560x16xf32, #tpu.memory_space<vmem>>, %arg6: memref<128x512xbf16, #tpu.memory_space<vmem>>, %arg7: memref<128x512xbf16, #tpu.memory_space<vmem>>, %arg8: memref<1x512xf32, #tpu.memory_space<vmem>>, %arg9: memref<32x512xbf16, #tpu.memory_space<vmem>>, %arg10: memref<1x512xf32, #tpu.memory_space<vmem>>, %arg11: memref<512x16xf32, #tpu.memory_space<vmem>>, %arg12: memref<1x16xf32, #tpu.memory_space<vmem>>, %arg13: memref<1x16xf32, #tpu.memory_space<vmem>>, %arg14: memref<1x16xf32, #tpu.memory_space<vmem>>, %arg15: memref<2560x16xf32, #tpu.memory_space<vmem>>) attributes {dimension_semantics = [#tpu.dimension_semantics<arbitrary>], iteration_bounds = array<i64: 61>, scalar_prefetch = 0 : i64, scratch_operands = 0 : i64, tpu.core_type = #tpu.core_type<tc>, window_params = [{transform_indices = @transform_0, window_bounds = array<i64: 2560, 128>}, {transform_indices = @transform_1, window_bounds = array<i64: 2560, 128>}, {transform_indices = @transform_2, window_bounds = array<i64: 2560, 1>}, {transform_indices = @transform_3, window_bounds = array<i64: 2560, 64>}, {transform_indices = @transform_4, window_bounds = array<i64: 2560, 16>}, {pipeline_mode = #tpu.pipeline_mode<synchronous>, transform_indices = @transform_5, window_bounds = array<i64: 128, 512>}, {pipeline_mode = #tpu.pipeline_mode<synchronous>, transform_indices = @transform_6, window_bounds = array<i64: 128, 512>}, {pipeline_mode = #tpu.pipeline_mode<synchronous>, transform_indices = @transform_7, window_bounds = array<i64: 1, 512>}, {pipeline_mode = #tpu.pipeline_mode<synchronous>, transform_indices = @transform_8, window_bounds = array<i64: 32, 512>}, {pipeline_mode = #tpu.pipeline_mode<synchronous>, transform_indices = @transform_9, window_bounds = array<i64: 1, 512>}, {pipeline_mode = #tpu.pipeline_mode<synchronous>, transform_indices = @transform_10, window_bounds = array<i64: 512, 16>}, {pipeline_mode = #tpu.pipeline_mode<synchronous>, transform_indices = @transform_11, window_bounds = array<i64: 1, 16>}, {pipeline_mode = #tpu.pipeline_mode<synchronous>, transform_indices = @transform_12, window_bounds = array<i64: 1, 16>}, {pipeline_mode = #tpu.pipeline_mode<synchronous>, transform_indices = @transform_13, window_bounds = array<i64: 1, 16>}, {transform_indices = @transform_14, window_bounds = array<i64: 2560, 16>}]} {
    %get3A = arith.constant 0 : index
    %get3A_0 = arith.constant 0 : index
    %get3A_1 = vector.load %arg1[%get3A, %get3A_0] : memref<2560x128xf32, #tpu.memory_space<vmem>>, vector<2560x128xf32>
    %convert_element_type3A = arith.truncf %get3A_1 : vector<2560x128xf32> to vector<2560x128xbf16>
    %get3A_2 = arith.constant 0 : index
    %get3A_3 = arith.constant 0 : index
    %get3A_4 = vector.load %arg6[%get3A_2, %get3A_3] : memref<128x512xbf16, #tpu.memory_space<vmem>>, vector<128x512xbf16>
    %dot_general3A = arith.constant dense<0.000000e+00> : vector<2560x512xf32>
    %dot_general3A_5 = tpu.matmul %convert_element_type3A, %get3A_4, %dot_general3A {dimension_numbers = #tpu.dot_dimension_numbers<[1], [0], [0], [1], [0, 0, 1, 1], [], []>, transpose_lhs_hint = false} : vector<2560x128xbf16>, vector<128x512xbf16>, vector<2560x512xf32> -> vector<2560x512xf32>
    %get3A_6 = arith.constant 0 : index
    %get3A_7 = arith.constant 0 : index
    %get3A_8 = vector.load %arg2[%get3A_6, %get3A_7] : memref<2560x128xf32, #tpu.memory_space<vmem>>, vector<2560x128xf32>
    %convert_element_type3A_9 = arith.truncf %get3A_8 : vector<2560x128xf32> to vector<2560x128xbf16>
    %get3A_10 = arith.constant 0 : index
    %get3A_11 = arith.constant 0 : index
    %get3A_12 = vector.load %arg7[%get3A_10, %get3A_11] : memref<128x512xbf16, #tpu.memory_space<vmem>>, vector<128x512xbf16>
    %dot_general3A_13 = arith.constant dense<0.000000e+00> : vector<2560x512xf32>
    %dot_general3A_14 = tpu.matmul %convert_element_type3A_9, %get3A_12, %dot_general3A_13 {dimension_numbers = #tpu.dot_dimension_numbers<[1], [0], [0], [1], [0, 0, 1, 1], [], []>, transpose_lhs_hint = false} : vector<2560x128xbf16>, vector<128x512xbf16>, vector<2560x512xf32> -> vector<2560x512xf32>
    %add3A = arith.addf %dot_general3A_5, %dot_general3A_14 : vector<2560x512xf32>
    %get3A_15 = arith.constant 0 : index
    %get3A_16 = arith.constant 0 : index
    %get3A_17 = vector.load %arg4[%get3A_15, %get3A_16] : memref<2560x64xf32, #tpu.memory_space<vmem>>, vector<2560x64xf32>
    %slice3A = vector.extract_strided_slice %get3A_17 {offsets = [0, 0], sizes = [2560, 32], strides = [1, 1]} : vector<2560x64xf32> to vector<2560x32xf32>
    %convert_element_type3A_18 = arith.truncf %slice3A : vector<2560x32xf32> to vector<2560x32xbf16>
    %get3A_19 = arith.constant 0 : index
    %get3A_20 = arith.constant 0 : index
    %get3A_21 = vector.load %arg9[%get3A_19, %get3A_20] : memref<32x512xbf16, #tpu.memory_space<vmem>>, vector<32x512xbf16>
    %dot_general3A_22 = arith.constant dense<0.000000e+00> : vector<2560x512xf32>
    %dot_general3A_23 = tpu.matmul %convert_element_type3A_18, %get3A_21, %dot_general3A_22 {dimension_numbers = #tpu.dot_dimension_numbers<[1], [0], [0], [1], [0, 0, 1, 1], [], []>, transpose_lhs_hint = false} : vector<2560x32xbf16>, vector<32x512xbf16>, vector<2560x512xf32> -> vector<2560x512xf32>
    %add3A_24 = arith.addf %add3A, %dot_general3A_23 : vector<2560x512xf32>
    %get3A_25 = arith.constant 0 : index
    %get3A_26 = arith.constant 0 : index
    %get3A_27 = vector.load %arg3[%get3A_25, %get3A_26] : memref<2560x1xf32, #tpu.memory_space<vmem>>, vector<2560x1xf32>
    %get3A_28 = arith.constant 0 : index
    %get3A_29 = arith.constant 0 : index
    %get3A_30 = vector.load %arg8[%get3A_28, %get3A_29] : memref<1x512xf32, #tpu.memory_space<vmem>>, vector<1x512xf32>
    %mul3A = vector.broadcast %get3A_27 : vector<2560x1xf32> to vector<2560x512xf32>
    %mul3A_31 = vector.broadcast %get3A_30 : vector<1x512xf32> to vector<2560x512xf32>
    %mul3A_32 = arith.mulf %mul3A, %mul3A_31 : vector<2560x512xf32>
    %add3A_33 = arith.addf %add3A_24, %mul3A_32 : vector<2560x512xf32>
    %get3A_34 = arith.constant 0 : index
    %get3A_35 = arith.constant 0 : index
    %get3A_36 = vector.load %arg10[%get3A_34, %get3A_35] : memref<1x512xf32, #tpu.memory_space<vmem>>, vector<1x512xf32>
    %add3A_37 = vector.broadcast %get3A_36 : vector<1x512xf32> to vector<2560x512xf32>
    %add3A_38 = arith.addf %add3A_33, %add3A_37 : vector<2560x512xf32>
    %logistic3A = arith.negf %add3A_38 : vector<2560x512xf32>
    %logistic3A_39 = math.exp %logistic3A : vector<2560x512xf32>
    %logistic3A_40 = arith.constant 1.000000e+00 : f32
    %logistic3A_41 = vector.broadcast %logistic3A_40 : f32 to vector<2560x512xf32>
    %logistic3A_42 = arith.addf %logistic3A_41, %logistic3A_39 : vector<2560x512xf32>
    %logistic3A_43 = arith.divf %logistic3A_41, %logistic3A_42 : vector<2560x512xf32>
    %mul3A_44 = arith.mulf %add3A_38, %logistic3A_43 : vector<2560x512xf32>
    %get3A_45 = arith.constant 0 : index
    %get3A_46 = arith.constant 0 : index
    %get3A_47 = vector.load %arg11[%get3A_45, %get3A_46] : memref<512x16xf32, #tpu.memory_space<vmem>>, vector<512x16xf32>
    %dot_general3A_48 = arith.constant dense<0.000000e+00> : vector<2560x16xf32>
    %dot_general3A_49 = tpu.matmul %mul3A_44, %get3A_47, %dot_general3A_48 {dimension_numbers = #tpu.dot_dimension_numbers<[1], [0], [0], [1], [0, 0, 1, 1], [], []>, transpose_lhs_hint = false} : vector<2560x512xf32>, vector<512x16xf32>, vector<2560x16xf32> -> vector<2560x16xf32>
    %get3A_50 = arith.constant 0 : index
    %get3A_51 = arith.constant 0 : index
    %get3A_52 = vector.load %arg12[%get3A_50, %get3A_51] : memref<1x16xf32, #tpu.memory_space<vmem>>, vector<1x16xf32>
    %add3A_53 = vector.broadcast %get3A_52 : vector<1x16xf32> to vector<2560x16xf32>
    %add3A_54 = arith.addf %dot_general3A_49, %add3A_53 : vector<2560x16xf32>
    %get3A_55 = arith.constant 0 : index
    %get3A_56 = arith.constant 0 : index
    %get3A_57 = vector.load %arg5[%get3A_55, %get3A_56] : memref<2560x16xf32, #tpu.memory_space<vmem>>, vector<2560x16xf32>
    %add3A_58 = arith.addf %add3A_54, %get3A_57 : vector<2560x16xf32>
    %reduce_sum3A = arith.constant dense<0.000000e+00> : vector<2560xf32>
    %reduce_sum3A_59 = vector.multi_reduction <add>, %add3A_58, %reduce_sum3A [1] : vector<2560x16xf32> to vector<2560xf32>
    %broadcast_in_dim3A = vector.shape_cast %reduce_sum3A_59 : vector<2560xf32> to vector<2560x1xf32>
    %div3A = arith.constant 1.600000e+01 : f32
    %div3A_60 = vector.broadcast %div3A : f32 to vector<2560x1xf32>
    %div3A_61 = arith.divf %broadcast_in_dim3A, %div3A_60 : vector<2560x1xf32>
    %sub3A = vector.broadcast %div3A_61 : vector<2560x1xf32> to vector<2560x16xf32>
    %sub3A_62 = arith.subf %add3A_58, %sub3A : vector<2560x16xf32>
    %integer_pow3A = arith.mulf %sub3A_62, %sub3A_62 : vector<2560x16xf32>
    %reduce_sum3A_63 = arith.constant dense<0.000000e+00> : vector<2560xf32>
    %reduce_sum3A_64 = vector.multi_reduction <add>, %integer_pow3A, %reduce_sum3A_63 [1] : vector<2560x16xf32> to vector<2560xf32>
    %broadcast_in_dim3A_65 = vector.shape_cast %reduce_sum3A_64 : vector<2560xf32> to vector<2560x1xf32>
    %div3A_66 = arith.constant 1.600000e+01 : f32
    %div3A_67 = vector.broadcast %div3A_66 : f32 to vector<2560x1xf32>
    %div3A_68 = arith.divf %broadcast_in_dim3A_65, %div3A_67 : vector<2560x1xf32>
    %sub3A_69 = vector.broadcast %div3A_61 : vector<2560x1xf32> to vector<2560x16xf32>
    %sub3A_70 = arith.subf %add3A_58, %sub3A_69 : vector<2560x16xf32>
    %add3A_71 = arith.constant 9.99999974E-6 : f32
    %add3A_72 = vector.broadcast %add3A_71 : f32 to vector<2560x1xf32>
    %add3A_73 = arith.addf %div3A_68, %add3A_72 : vector<2560x1xf32>
    %rsqrt3A = math.rsqrt %add3A_73 : vector<2560x1xf32>
    %mul3A_74 = vector.broadcast %rsqrt3A : vector<2560x1xf32> to vector<2560x16xf32>
    %mul3A_75 = arith.mulf %sub3A_70, %mul3A_74 : vector<2560x16xf32>
    %get3A_76 = arith.constant 0 : index
    %get3A_77 = arith.constant 0 : index
    %get3A_78 = vector.load %arg13[%get3A_76, %get3A_77] : memref<1x16xf32, #tpu.memory_space<vmem>>, vector<1x16xf32>
    %mul3A_79 = vector.broadcast %get3A_78 : vector<1x16xf32> to vector<2560x16xf32>
    %mul3A_80 = arith.mulf %mul3A_75, %mul3A_79 : vector<2560x16xf32>
    %get3A_81 = arith.constant 0 : index
    %get3A_82 = arith.constant 0 : index
    %get3A_83 = vector.load %arg14[%get3A_81, %get3A_82] : memref<1x16xf32, #tpu.memory_space<vmem>>, vector<1x16xf32>
    %add3A_84 = vector.broadcast %get3A_83 : vector<1x16xf32> to vector<2560x16xf32>
    %add3A_85 = arith.addf %mul3A_80, %add3A_84 : vector<2560x16xf32>
    %swap3A = arith.constant 0 : index
    %swap3A_86 = arith.constant 0 : index
    %swap3A_87 = vector.load %arg15[%swap3A, %swap3A_86] : memref<2560x16xf32, #tpu.memory_space<vmem>>, vector<2560x16xf32>
    tpu.vector_store %arg15[%swap3A, %swap3A_86], %add3A_85 {strides = array<i32>} : memref<2560x16xf32, #tpu.memory_space<vmem>>, vector<2560x16xf32>,
    return
  }
  func.func @transform_0(%arg0: i32) -> (i32, i32) {
    %c0_i32 = arith.constant 0 : i32
    %c0_i32_0 = arith.constant 0 : i32
    return %arg0, %c0_i32 : i32, i32
  }
  func.func @transform_1(%arg0: i32) -> (i32, i32) {
    %c0_i32 = arith.constant 0 : i32
    %c0_i32_0 = arith.constant 0 : i32
    return %arg0, %c0_i32 : i32, i32
  }
  func.func @transform_2(%arg0: i32) -> (i32, i32) {
    %c0_i32 = arith.constant 0 : i32
    %c0_i32_0 = arith.constant 0 : i32
    return %arg0, %c0_i32 : i32, i32
  }
  func.func @transform_3(%arg0: i32) -> (i32, i32) {
    %c0_i32 = arith.constant 0 : i32
    %c0_i32_0 = arith.constant 0 : i32
    return %arg0, %c0_i32 : i32, i32
  }
  func.func @transform_4(%arg0: i32) -> (i32, i32) {
    %c0_i32 = arith.constant 0 : i32
    %c0_i32_0 = arith.constant 0 : i32
    return %arg0, %c0_i32 : i32, i32
  }
  func.func @transform_5(%arg0: i32) -> (i32, i32) {
    %c0_i32 = arith.constant 0 : i32
    %c0_i32_0 = arith.constant 0 : i32
    %c0_i32_1 = arith.constant 0 : i32
    return %c0_i32, %c0_i32_0 : i32, i32
  }
  func.func @transform_6(%arg0: i32) -> (i32, i32) {
    %c0_i32 = arith.constant 0 : i32
    %c0_i32_0 = arith.constant 0 : i32
    %c0_i32_1 = arith.constant 0 : i32
    return %c0_i32, %c0_i32_0 : i32, i32
  }
  func.func @transform_7(%arg0: i32) -> (i32, i32) {
    %c0_i32 = arith.constant 0 : i32
    %c0_i32_0 = arith.constant 0 : i32
    %c0_i32_1 = arith.constant 0 : i32
    return %c0_i32, %c0_i32_0 : i32, i32
  }
  func.func @transform_8(%arg0: i32) -> (i32, i32) {
    %c0_i32 = arith.constant 0 : i32
    %c0_i32_0 = arith.constant 0 : i32
    %c0_i32_1 = arith.constant 0 : i32
    return %c0_i32, %c0_i32_0 : i32, i32
  }
  func.func @transform_9(%arg0: i32) -> (i32, i32) {
    %c0_i32 = arith.constant 0 : i32
    %c0_i32_0 = arith.constant 0 : i32
    %c0_i32_1 = arith.constant 0 : i32
    return %c0_i32, %c0_i32_0 : i32, i32
  }
  func.func @transform_10(%arg0: i32) -> (i32, i32) {
    %c0_i32 = arith.constant 0 : i32
    %c0_i32_0 = arith.constant 0 : i32
    %c0_i32_1 = arith.constant 0 : i32
    return %c0_i32, %c0_i32_0 : i32, i32
  }
  func.func @transform_11(%arg0: i32) -> (i32, i32) {
    %c0_i32 = arith.constant 0 : i32
    %c0_i32_0 = arith.constant 0 : i32
    %c0_i32_1 = arith.constant 0 : i32
    return %c0_i32, %c0_i32_0 : i32, i32
  }
  func.func @transform_12(%arg0: i32) -> (i32, i32) {
    %c0_i32 = arith.constant 0 : i32
    %c0_i32_0 = arith.constant 0 : i32
    %c0_i32_1 = arith.constant 0 : i32
    return %c0_i32, %c0_i32_0 : i32, i32
  }
  func.func @transform_13(%arg0: i32) -> (i32, i32) {
    %c0_i32 = arith.constant 0 : i32
    %c0_i32_0 = arith.constant 0 : i32
    %c0_i32_1 = arith.constant 0 : i32
    return %c0_i32, %c0_i32_0 : i32, i32
  }
  func.func @transform_14(%arg0: i32) -> (i32, i32) {
    %c0_i32 = arith.constant 0 : i32
    %c0_i32_0 = arith.constant 0 : i32
    return %arg0, %c0_i32 : i32, i32
  }
}

</mosaic_0001>

<sc_bundles>
// kernel: kernel.14.cloned.1.call-start
scs
__scs_entry_jumppad:
0x0: {  	(pc) =	sbr.rel $0x88, $3  }
0x1: {  	(tag) =	ssettag $0x0;
	lr =	simm.s32 $0x1  }
0x2: {  	[smem:$0x3F81] =	sst lr;
	_ =	strace $0xD0000000  }
0x3: {  	_ = 	snop  }
0x4: {  	_ = 	snop  }
0x5: {  	_ = 	snop  }
0x6: {  	_ = 	snop  }
0x7: {  	_ = 	snop  }
__scs_overlays_trampoline_lowered:
0x8: {  	[smem:$0x3F90] =	sst s0  }
0x9: {  	[smem:$0x3F91] =	sst s1  }
0xa: {  	[smem:$0x3F92] =	sst s2  }
0xb: {  	[smem:$0x3F93] =	sst s3  }
0xc: {  	[smem:$0x3F94] =	sst s4  }
0xd: {  	[smem:$0x3F95] =	sst s5  }
0xe: {  	[smem:$0x3F96] =	sst s6  }
0xf: {  	[smem:$0x3F97] =	sst s7  }
0x10: {  	[smem:$0x3F98] =	sst s8  }
0x11: {  	[smem:$0x3F99] =	sst s9;
	s0 =	simm.s32 @!p0 $0x0  }
0x12: {  	s1 =	sld [smem:$0x3F7F];
	s0 =	simm.s32 @p0 $0x1  }
0x13: {  	[smem:$0x3F9A] =	sst s0;
	s0 =	simm.s32 @!p1 $0x0  }
0x14: {  	s2 =	sld [smem:$0x3F7E];
	s0 =	simm.s32 @p1 $0x1  }
0x15: {  	[smem:$0x3F9B] =	sst s0;
	s0 =	simm.s32 @!p2 $0x0  }
0x16: {  	s3 =	sld [smem:$0x3FDB];
	s0 =	simm.s32 @p2 $0x1  }
0x17: {  	s4 =	simm.s32 $0x1BF5;
	[smem:$0x3F9D] =	sst s0  }
0x18: {  	s0 =	sld [smem:$0x3F80];
	_ =	swait.ge [sflag:s4], $0x0  }
0x19: {  	s7 =	sld [smem:$0x3F81]  }
0x1a: {  	s8 =	sadd.s32 $0xFFFFE003, lr  }
0x1b: {  	s9 =	sadd.s32 $0xFFFFFEF7, lr;
	s5 =	simm.s32 $0xFFFFFFFF;
	p2 =	slt.u32 s8, $0xFFFFF086  }
0x1c: {  	p1 =	slt.u32 s9, $0xF7A;
	s5 =	simm.s32 @!p2 $0x0  }
0x1d: {  	s5 =	simm.s32 @p1 $0x1;
	p0 =	seq.s32 s7, s2  }
0x1e: {  	s7 =	smul.u32 @!p0 $0xF7A, s2;
	p2 =	seq.s32 @!p0 s5, $0x0  }
0x1f: {  	s9 =	smul.u32 $0xF7A, s1;
	s8 =	simm.s32 @!p0 $0x1BF5;
	p2 =	por !p2, p0  }
0x20: {  	[sflag:s8] =	ssyncset.s32 @!p0 $0xFFFFF086;
	s6 =	sadd.s32 @!p0 s3, s7;
	s7 =	simm.s32 @!p0 $0x108  }
0x21: {  	s3 =	sadd.s32 s3, s9;
	s6 =	sadd.s32 @!p0 $0x88, s6;
	s7 =	simm.s32 @p2 $0x1082  }
0x22: {  	[simem:s7], [sflag:s8] =	dma.local @!p0 [hbm:s6], $0xF7A  }
0x23: {  	s9 =	sor.u32 $0xD0000000, s2;
	s6 =	simm.s32 $0x108;
	_ =	swait.ge @!p0 [sflag:s8], $0x0  }
0x24: {  	s3 =	sadd.s32 $0x88, s3;
	s6 =	simm.s32 @!p1 $0x1082;
	[sflag:s4] =	ssyncset.s32 $0xFFFFF086  }
0x25: {  	[simem:s6], [sflag:s4] =	dma.local [hbm:s3], $0xF7A  }
0x26: {  	[smem:$0x3F81] =	sst s1;
	(tag) =	ssettag s2;
	_ =	strace s9  }
0x27: {  	s1 =	sld [smem:$0x3F91]  }
0x28: {  	s2 =	sld [smem:$0x3F92]  }
0x29: {  	s4 =	sld [smem:$0x3F94]  }
0x2a: {  	p0 =	seq.s32 s5, $0x0;
	s5 =	sld [smem:$0x3F95]  }
0x2b: {  	s6 =	sld [smem:$0x3F96]  }
0x2c: {  	s7 =	sld [smem:$0x3F97]  }
0x2d: {  	s3 =	simm.s32 $0x108;
	s8 =	sld [smem:$0x3F98]  }
0x2e: {  	s3 =	simm.s32 @!p0 $0x1082;
	s9 =	sld [smem:$0x3F99]  }
0x2f: {  	lr =	sadd.s32 s0, s3;
	s0 =	sld [smem:$0x3F90]  }
0x30: {  	s3 =	sld [smem:$0x3F93]  }
0x31: {  	[smem:$0x3F9C] =	sst s10  }
0x32: {  	s10 =	sld [smem:$0x3F9A];
	_ =	sdelay $0x3  }
0x33: {  	p0 =	seq.s32 s10, $0x1;
	s10 =	sld [smem:$0x3F9C];
	_ =	sdelay $0x3  }
0x34: {  	[smem:$0x3F9C] =	sst s10  }
0x35: {  	s10 =	sld [smem:$0x3F9B];
	_ =	sdelay $0x3  }
0x36: {  	p1 =	seq.s32 s10, $0x1;
	s10 =	sld [smem:$0x3F9C];
	_ =	sdelay $0x3  }
0x37: {  	[smem:$0x3F9C] =	sst s10  }
0x38: {  	s10 =	sld [smem:$0x3F9D]  }
0x39: {  	_ = 	snop;
	(pc) =	sbr.ind lr, $3  }
0x3a: {  	_ = 	snop  }
0x3b: {  	_ = 	snop  }
0x3c: {  	p2 =	seq.s32 s10, $0x1;
	s10 =	sld [smem:$0x3F9C]  }
0x3d: {  	_ =	shalt  }
0x3e: {  	_ =	shalt  }
0x3f: {  	_ =	shalt  }
0x40: {  	_ =	shalt  }
0x41: {  	_ =	shalt  }
0x42: {  	_ =	shalt  }
0x43: {  	_ =	shalt  }
0x44: {  	_ =	shalt  }
0x45: {  	_ =	shalt  }
0x46: {  	_ =	shalt  }
0x47: {  	_ =	shalt  }
0x48: {  	_ =	shalt  }
0x49: {  	_ =	shalt  }
0x4a: {  	_ =	shalt  }
0x4b: {  	_ =	shalt  }
0x4c: {  	_ =	shalt  }
0x4d: {  	_ =	shalt  }
0x4e: {  	_ =	shalt  }
0x4f: {  	_ =	shalt  }
0x50: {  	_ =	shalt  }
0x51: {  	_ =	shalt  }
0x52: {  	_ =	shalt  }
0x53: {  	_ =	shalt  }
0x54: {  	_ =	shalt  }
0x55: {  	_ =	shalt  }
0x56: {  	_ =	shalt  }
0x57: {  	_ =	shalt  }
0x58: {  	_ =	shalt  }
0x59: {  	_ =	shalt  }
0x5a: {  	_ =	shalt  }
0x5b: {  	_ =	shalt  }
0x5c: {  	_ =	shalt  }
0x5d: {  	_ =	shalt  }
0x5e: {  	_ =	shalt  }
0x5f: {  	_ =	shalt  }
0x60: {  	_ =	shalt  }
0x61: {  	_ =	shalt  }
0x62: {  	_ =	shalt  }
0x63: {  	_ =	shalt  }
0x64: {  	_ =	shalt  }
0x65: {  	_ =	shalt  }
0x66: {  	_ =	shalt  }
0x67: {  	_ =	shalt  }
0x68: {  	_ =	shalt  }
0x69: {  	_ =	shalt  }
0x6a: {  	_ =	shalt  }
0x6b: {  	_ =	shalt  }
0x6c: {  	_ =	shalt  }
0x6d: {  	_ =	shalt  }
0x6e: {  	_ =	shalt  }
0x6f: {  	_ =	shalt  }
0x70: {  	_ =	shalt  }
0x71: {  	_ =	shalt  }
0x72: {  	_ =	shalt  }
0x73: {  	_ =	shalt  }
0x74: {  	_ =	shalt  }
0x75: {  	_ =	shalt  }
0x76: {  	_ =	shalt  }
0x77: {  	_ =	shalt  }
0x78: {  	_ =	shalt  }
0x79: {  	_ =	shalt  }
0x7a: {  	_ =	shalt  }
0x7b: {  	_ =	shalt  }
0x7c: {  	_ =	shalt  }
0x7d: {  	_ =	shalt  }
0x7e: {  	_ =	shalt  }
0x7f: {  	_ =	shalt  }
0x80: {  	_ =	shalt  }
0x81: {  	_ =	shalt  }
0x82: {  	_ =	shalt  }
0x83: {  	_ =	shalt  }
0x84: {  	_ =	shalt  }
0x85: {  	_ =	shalt  }
0x86: {  	_ =	shalt  }
0x87: {  	_ =	shalt  }
.Lfunc_end0:
.L_simem_size_0:
called_computation_lowered:
.L_overlay_start_0:
0x88: {  	s2 =	sld [smem:$0x3FD9]  }
0x89: {  	s3 =	sld [smem:$0x3FFE];
	_ =	sdelay $0x1  }
0x8a: {  	s1 =	srdreg.scid  }
0x8b: {  	s0 =	sand.u32 $0x1, s1  }
0x8c: {  	s14 =	sshll.u32 s0, $0xA;
	s2 =	sadd.s32 s3, s2  }
0x8d: {  	s2 =	sadd.s32 s2, s14  }
0x8e: {  	[smem:$0x3FA8] =	sst s2  }
0x8f: {  	_ = 	snop  }
0x90: {  	s2 =	sld [smem:$0x3FD0];
	_ =	sdelay $0x2  }
0x91: {  	s4 =	simm.s32 $0xB;
	s5 =	simm.s32 $0x10;
	s15 =	sld [smem:$0x3FC9]  }
0x92: {  	[smem:s5], [sflag:s4] =	dma.local [hbm:s2], $0x1  }
0x93: {  	_ =	swait.eq [sflag:s4], $0x1  }
0x94: {  	[sflag:s4] =	ssyncset.done $0x0  }
0x95: {  	[sflag:s4] =	ssyncadd.s32 $0xFFFFFFFF  }
0x96: {  	s16 =	sld [smem:$0x12];
	(tm) =	ssettm $0x1  }
0x97: {  	s17 =	sld [smem:$0x3FFB];
	_ =	sdelay $0x3  }
0x98: {  	_ =	strace s17  }
0x99: {  	s4 =	sld [smem:$0x3FFC];
	_ =	sdelay $0x3  }
0x9a: {  	_ =	strace s4  }
0x9b: {  	s4 =	sld [smem:$0x3FFD];
	_ =	sdelay $0x3  }
0x9c: {  	_ =	strace s4  }
0x9d: {  	_ =	strace $0x8FFFFFFF  }
0x9e: {  	s18 =	sld [smem:$0x3FDB];
	_ =	sdelay $0x1  }
0x9f: {  	s19 =	simm.s32 $_scs_section_size  }
0xa0: {  	s6 =	simm.s32 $_size__tile_overlayer_lowered;
	s7 =	simm.s32 $_tile_overlayer_lowered  }
0xa1: {  	s22 =	simm.s32 $0x1BFF;
	s21 =	sshll.u32 s7, $0x1;
	s4 =	sadd.s32 s19, s18  }
0xa2: {  	s8 =	simm.s32 $0x0;
	s20 =	sshll.u32 s6, $0x1;
	s6 =	sadd.s32 s21, s4  }
0xa3: {  	[timem:s8], [sflag:s22] =	dma.local [hbm:s6], s20  }
0xa4: {  	_ =	swait.ge [sflag:s22], s20  }
0xa5: {  	s5 =	ssub.s32 $0x0, s20;
	[sflag:s22] =	ssyncset.done $0x0  }
0xa6: {  	[sflag:s22] =	ssyncadd.s32 s5;
	_ =	sdelay $0x1  }
0xa7: {  	s23 =	simm.s32 $0x1B8B  }
0xa8: {  	_ =	swait.ge [sflag:s23], $0x1  }
0xa9: {  	[sflag:s23] =	ssyncset.done $0x0  }
0xaa: {  	s25 =	simm.s32 $0x1B8E;
	s24 =	sld [smem:$0x3FFE];
	[sflag:s23] =	ssyncadd.s32 $0xFFFFFFFF  }
0xab: {  	s26 =	simm.s32 $execute0_lowered;
	[smem:$0x3FD2] =	sst s25  }
0xac: {  	s6 =	sshll.u32 s26, $0x1;
	_ =	strace $0x80000046;
	[dreg:$0x1] =	wrdreg $0xFFFFFFFF  }
0xad: {  	s28 =	simm.s32 $_size_execute0_lowered;
	s4 =	sadd.s32 s4, s6;
	[dreg:$0x0] =	wrdreg $0x0  }
0xae: {  	s6 =	sshll.u32 s28, $0x1;
	[dreg:$0x2] =	wrdreg s4  }
0xaf: {  	[dreg:$0x3] =	wrdreg s6  }
0xb0: {  	[dreg:$0x4] =	wrdreg $0xC0  }
0xb1: {  	_ =	task [dreg:s8], $0x5FFFF  }
0xb2: {  	[dreg:$0x1] =	wrdreg $0xFFFFFFFF  }
0xb3: {  	[dreg:$0x0] =	wrdreg $0x60  }
0xb4: {  	[dreg:$0x2] =	wrdreg s24  }
0xb5: {  	[dreg:$0x3] =	wrdreg s15  }
0xb6: {  	[dreg:$0x4] =	wrdreg s16  }
0xb7: {  	[dreg:$0x5] =	wrdreg $0x9  }
0xb8: {  	_ =	task.clear_ibuf [dreg:s8], $0x6FFFF;
	_ =	strace $0x90000046  }
0xb9: {  	s29 =	simm.s32 $0x9;
	_ =	strace $0x80000048  }
0xba: {  	_ =	swait.ge [sflag:s29], $0x1  }
0xbb: {  	[sflag:s29] =	ssyncadd.s32 $0xFFFFFFFF  }
0xbc: {  	_ =	strace $0x90000048  }
0xbd: {  	_ =	sfence  }
0xbe: {  	s30 =	sld [smem:$0x0];
	_ =	sdelay $0x2  }
0xbf: {  	s31 =	sshll.u32 s1, $0xD;
	s1 =	sshrl.u32 s1, $0x2  }
0xc0: {  	s3 =	sand.u32 $0x4000, s31;
	s1 =	sadd.s32 s1, s30  }
0xc1: {  	s0 =	sor.u32 s3, s0;
	s1 =	sshll.u32 s1, $0x11  }
0xc2: {  	s0 =	sor.u32 s1, s0  }
0xc3: {  	s0 =	sadd.s32 $0x8F2B, s0  }
0xc4: {  	[sflag:s0] =	ssyncadd.remote.s32 $0x1  }
0xc5: {  	_ =	sfence.sel $0xFFFF  }
0xc6: {  	[dreg:$0x0] =	wrdreg $0xFFFFFFFF;
	(pc) =	sbr.abs _section_cstart, $3  }
0xc7: {  	[dreg:$0x1] =	wrdreg $0xFFFFFFFF  }
0xc8: {  	_ =	task.clear_ibuf [dreg:s8], $0x2FFFF;
	_ =	strace $0x9FFFFFFF  }
0xc9: {  	(tm) =	ssettm $0x7FFFFFFF  }
tec
execute0_lowered:
.L_overlay_start_1:
0x0: {  	(tag) =	ssettag $0x1  }
0x1: {  	s1 =	srdreg.scid;
	s6 =	rddreg [dreg:$0x0]  }
0x2: {  	s0 =	stileid.u32;
	s2 =	rddreg [dreg:$0x1]  }
0x3: {  	s8 =	rddreg [dreg:$0x2];
	s3 =	simm.s32 $0x0;
	s16 =	simm.s32 $0xA0  }
0x4: {  	s17 =	simm.s32 $0x28A0;
	s18 =	simm.s32 $0x50A0;
	s4 =	smul.u32 $0x2800, s0  }
0x5: {  	s19 =	simm.s32 $0x64A0;
	s20 =	simm.s32 $0x6720;
	s10 =	smul.u32 $0x28000, s0  }
0x6: {  	s21 =	simm.s32 $0x1;
	s7 =	sand.u32 $0x1, s1;
	s11 =	smul.u32 $0x14000, s0  }
0x7: {  	s22 =	simm.s32 $0x0;
	s1 =	rddreg [dreg:$0x3];
	s5 =	smul.u32 $0x1400, s7  }
0x8: {  	[smem:$0x7FF] =	sst s3;
	s12 =	ssub.s32 $0x2, s7;
	s15 =	smul.u32 $0xA000, s7  }
0x9: {  	_ =	strace $0x80000047;
	s29 =	smul.u32 $0x14000, s7;
	s14 =	sshrl.u32 s12, $0x1  }
0xa: {  	s10 =	sadd.s32 s10, s6;
	s11 =	sadd.s32 s11, s6;
	s9 =	sadd.s32 s5, s4  }
0xb: {  	s5 =	sadd.s32 $0x4F800, s6;
	s12 =	ssub.s32 s12, s14;
	s11 =	sadd.s32 s15, s11  }
0xc: {  	s31 =	sadd.s32 s29, s10;
	s14 =	simm.s32 $0x2;
	s15 =	simm.s32 $0x50  }
0xd: {  	s4 =	sshrl.u32 s9, $0x3;
	s30 =	sadd.s32 s9, s6;
	s8 =	sadd.s32 s8, s9  }
0xe: {  	s9 =	sadd.s32 $0x52000, s11;
	s10 =	sadd.s32 $0x43A000, s31;
	s11 =	sadd.s32 $0x1BA000, s31  }
0xf: {  	s13 =	sadd.s32 s4, s6;
	s4 =	sadd.s32 $0x3BE00, s6;
	s6 =	smax.u32 s12, $0x1  }
0x10: {  	s7 =	sadd.s32 $0x192000, s30;
	s12 =	sadd.s32 $0xFC00, s13;
	s13 =	sadd.s32 $0xAC00, s13  }
.LBB2_1:
0x11: {  	[tilespmem:s3], [sflag:$0x2] =	stream.linear.gather [hbm4b:s13+s3], $0x50, $0x38;
	[tilespmem:$0x69A0] =	vst v63  }
0x12: {  	_ =	swait.ge [sflag:s14], $0x50  }
0x13: {  	[sflag:s14] =	ssyncset.done $0x0  }
0x14: {  	[sflag:s14] =	ssyncadd.s32 $0xFFFFFFB0  }
0x15: {  	[tilespmem:s15], [sflag:$0x2] =	stream.linear.gather [hbm4b:s12+s3], $0x50, $0x38;
	[tilespmem:$0x69A0] =	vst v63  }
0x16: {  	_ =	swait.ge [sflag:s14], $0x50  }
0x17: {  	[sflag:s14] =	ssyncset.done $0x0  }
0x18: {  	[sflag:s14] =	ssyncadd.s32 $0xFFFFFFB0  }
0x19: {  	[tilespmem:s16], [sflag:$0x1] =	stream.indirect.gather [hbm4b:s2+s15], $0x80, s3, s15, $0xb8;
	[tilespmem:$0x69A0] =	vst v63  }
0x1a: {  	_ = 	snop  }
0x1b: {  	[tilespmem:s17], [sflag:$0x1] =	stream.indirect.gather [hbm4b:s2+s15], $0x80, s15, s15, $0xb8;
	[tilespmem:$0x69A0] =	vst v63  }
0x1c: {  	_ = 	snop  }
0x1d: {  	[tilespmem:s18], [sflag:$0x1] =	stream.indirect.gather [hbm4b:s4+s15], $0x40, s3, s15, $0xb8;
	[tilespmem:$0x69A0] =	vst v63  }
0x1e: {  	_ = 	snop  }
0x1f: {  	[tilespmem:s19], [sflag:$0x1] =	stream.indirect.gather [hbm4b:s5+s15], $0x8, s3, s15, $0xb8;
	[tilespmem:$0x69A0] =	vst v63  }
0x20: {  	_ = 	snop  }
0x21: {  	[tilespmem:s20], [sflag:$0x1] =	stream.indirect.gather [hbm4b:s5+s15], $0x8, s15, s15, $0xb8;
	[tilespmem:$0x69A0] =	vst v63  }
0x22: {  	_ =	swait.ge [sflag:s21], $0x2800  }
0x23: {  	[sflag:s21] =	ssyncset.done $0x0  }
0x24: {  	[sflag:s21] =	ssyncadd.s32 $0xFFFFD800  }
0x25: {  	_ =	swait.ge [sflag:s21], $0x2800  }
0x26: {  	[sflag:s21] =	ssyncset.done $0x0  }
0x27: {  	[sflag:s21] =	ssyncadd.s32 $0xFFFFD800  }
0x28: {  	_ =	swait.ge [sflag:s21], $0x1400  }
0x29: {  	[sflag:s21] =	ssyncset.done $0x0  }
0x2a: {  	[sflag:s21] =	ssyncadd.s32 $0xFFFFEC00  }
0x2b: {  	_ =	swait.ge [sflag:s21], $0x280  }
0x2c: {  	[sflag:s21] =	ssyncset.done $0x0  }
0x2d: {  	[sflag:s21] =	ssyncadd.s32 $0xFFFFFD80  }
0x2e: {  	_ =	swait.ge [sflag:s21], $0x280  }
0x2f: {  	[sflag:s21] =	ssyncset.done $0x0  }
0x30: {  	[sflag:s21] =	ssyncadd.s32 $0xFFFFFD80  }
0x31: {  	[hbm4b:s11+s3] =	stream.linear.scatter [tilespmem:s16], [sflag:$0x2], $0x2800, $0x38;
	[tilespmem:$0x69A0] =	vst v63  }
0x32: {  	_ =	swait.ge [sflag:s14], $0x2800  }
0x33: {  	[sflag:s14] =	ssyncset.done $0x0  }
0x34: {  	[sflag:s14] =	ssyncadd.s32 $0xFFFFD800  }
0x35: {  	[hbm4b:s10+s3] =	stream.linear.scatter [tilespmem:s17], [sflag:$0x2], $0x2800, $0x38;
	[tilespmem:$0x69A0] =	vst v63  }
0x36: {  	_ =	swait.ge [sflag:s14], $0x2800  }
0x37: {  	[sflag:s14] =	ssyncset.done $0x0  }
0x38: {  	[sflag:s14] =	ssyncadd.s32 $0xFFFFD800  }
0x39: {  	[hbm4b:s9+s3] =	stream.linear.scatter [tilespmem:s18], [sflag:$0x2], $0x1400, $0x38;
	[tilespmem:$0x69A0] =	vst v63  }
0x3a: {  	_ =	swait.ge [sflag:s14], $0x1400  }
0x3b: {  	[sflag:s14] =	ssyncset.done $0x0  }
0x3c: {  	s23 =	sadd.s32 $0x0, s8;
	[sflag:s14] =	ssyncadd.s32 $0xFFFFEC00  }
0x3d: {  	[hbm4b:s23+s3] =	stream.linear.scatter [tilespmem:s19], [sflag:$0x2], $0x280, $0x38;
	[tilespmem:$0x69A0] =	vst v63  }
0x3e: {  	_ =	swait.ge [sflag:s14], $0x280  }
0x3f: {  	s31 =	sadd.s32 $0x0, s7;
	[sflag:s14] =	ssyncset.done $0x0  }
0x40: {  	s24 =	sadd.s32 $0xA, s13;
	s25 =	sadd.s32 $0x500, s11;
	[sflag:s14] =	ssyncadd.s32 $0xFFFFFD80  }
0x41: {  	[hbm4b:s31+s3] =	stream.linear.scatter [tilespmem:s20], [sflag:$0x2], $0x280, $0x38;
	[tilespmem:$0x69A0] =	vst v63  }
0x42: {  	s26 =	sadd.s32 $0xA, s12;
	s28 =	smov.u32 s9;
	_ =	swait.ge [sflag:s14], $0x280  }
0x43: {  	s29 =	smov.u32 s10;
	s23 =	simm.s32 $0x50;
	[sflag:s14] =	ssyncset.done $0x0  }
.LBB2_2:
0x44: {  	[sflag:s14] =	ssyncadd.s32 $0xFFFFFD80  }
0x45: {  	s28 =	sadd.s32 $0x280, s28;
	s29 =	sadd.s32 $0x500, s29;
	s30 =	smov.u32 s23  }
0x46: {  	[tilespmem:s3], [sflag:$0x2] =	stream.linear.gather [hbm4b:s24+s3], $0x50, $0x38;
	[tilespmem:$0x69A0] =	vst v63  }
0x47: {  	p0 =	sne.s32 s23, $0x13B0;
	s23 =	sadd.s32 $0x50, s23;
	_ =	swait.ge [sflag:s14], $0x50  }
0x48: {  	[sflag:s14] =	ssyncset.done $0x0  }
0x49: {  	[sflag:s14] =	ssyncadd.s32 $0xFFFFFFB0  }
0x4a: {  	[tilespmem:s15], [sflag:$0x2] =	stream.linear.gather [hbm4b:s26+s3], $0x50, $0x38;
	[tilespmem:$0x69A0] =	vst v63  }
0x4b: {  	_ =	swait.ge [sflag:s14], $0x50  }
0x4c: {  	[sflag:s14] =	ssyncset.done $0x0  }
0x4d: {  	[sflag:s14] =	ssyncadd.s32 $0xFFFFFFB0  }
0x4e: {  	[tilespmem:s16], [sflag:$0x1] =	stream.indirect.gather [hbm4b:s2+s15], $0x80, s3, s15, $0xb8;
	[tilespmem:$0x69A0] =	vst v63  }
0x4f: {  	_ = 	snop  }
0x50: {  	[tilespmem:s17], [sflag:$0x1] =	stream.indirect.gather [hbm4b:s2+s15], $0x80, s15, s15, $0xb8;
	[tilespmem:$0x69A0] =	vst v63  }
0x51: {  	_ = 	snop  }
0x52: {  	[tilespmem:s18], [sflag:$0x1] =	stream.indirect.gather [hbm4b:s4+s15], $0x40, s3, s15, $0xb8;
	[tilespmem:$0x69A0] =	vst v63  }
0x53: {  	_ = 	snop  }
0x54: {  	[tilespmem:s19], [sflag:$0x1] =	stream.indirect.gather [hbm4b:s5+s15], $0x8, s3, s15, $0xb8;
	[tilespmem:$0x69A0] =	vst v63  }
0x55: {  	_ = 	snop  }
0x56: {  	[tilespmem:s20], [sflag:$0x1] =	stream.indirect.gather [hbm4b:s5+s15], $0x8, s15, s15, $0xb8;
	[tilespmem:$0x69A0] =	vst v63  }
0x57: {  	_ =	swait.ge [sflag:s21], $0x2800  }
0x58: {  	[sflag:s21] =	ssyncset.done $0x0  }
0x59: {  	[sflag:s21] =	ssyncadd.s32 $0xFFFFD800  }
0x5a: {  	_ =	swait.ge [sflag:s21], $0x2800  }
0x5b: {  	[sflag:s21] =	ssyncset.done $0x0  }
0x5c: {  	[sflag:s21] =	ssyncadd.s32 $0xFFFFD800  }
0x5d: {  	_ =	swait.ge [sflag:s21], $0x1400  }
0x5e: {  	[sflag:s21] =	ssyncset.done $0x0  }
0x5f: {  	[sflag:s21] =	ssyncadd.s32 $0xFFFFEC00  }
0x60: {  	_ =	swait.ge [sflag:s21], $0x280  }
0x61: {  	[sflag:s21] =	ssyncset.done $0x0  }
0x62: {  	[sflag:s21] =	ssyncadd.s32 $0xFFFFFD80  }
0x63: {  	_ =	swait.ge [sflag:s21], $0x280  }
0x64: {  	[sflag:s21] =	ssyncset.done $0x0  }
0x65: {  	[sflag:s21] =	ssyncadd.s32 $0xFFFFFD80  }
0x66: {  	[hbm4b:s25+s3] =	stream.linear.scatter [tilespmem:s16], [sflag:$0x2], $0x2800, $0x38;
	[tilespmem:$0x69A0] =	vst v63  }
0x67: {  	_ =	swait.ge [sflag:s14], $0x2800  }
0x68: {  	[sflag:s14] =	ssyncset.done $0x0  }
0x69: {  	[sflag:s14] =	ssyncadd.s32 $0xFFFFD800  }
0x6a: {  	[hbm4b:s29+s3] =	stream.linear.scatter [tilespmem:s17], [sflag:$0x2], $0x2800, $0x38;
	[tilespmem:$0x69A0] =	vst v63  }
0x6b: {  	_ =	swait.ge [sflag:s14], $0x2800  }
0x6c: {  	[sflag:s14] =	ssyncset.done $0x0  }
0x6d: {  	[sflag:s14] =	ssyncadd.s32 $0xFFFFD800  }
0x6e: {  	[hbm4b:s28+s3] =	stream.linear.scatter [tilespmem:s18], [sflag:$0x2], $0x1400, $0x38;
	[tilespmem:$0x69A0] =	vst v63  }
0x6f: {  	_ =	swait.ge [sflag:s14], $0x1400  }
0x70: {  	[sflag:s14] =	ssyncset.done $0x0  }
0x71: {  	s31 =	sadd.s32 s30, s8;
	[sflag:s14] =	ssyncadd.s32 $0xFFFFEC00  }
0x72: {  	[hbm4b:s31+s3] =	stream.linear.scatter [tilespmem:s19], [sflag:$0x2], $0x280, $0x38;
	[tilespmem:$0x69A0] =	vst v63  }
0x73: {  	_ =	swait.ge [sflag:s14], $0x280  }
.Ltmp0:
0x74: {  	[sflag:s14] =	ssyncset.done $0x0;
	(pc) =	sbr.rel @p0 .LBB2_2-.Ltmp0, $4  }
0x75: {  	s30 =	sadd.s32 s30, s7;
	[sflag:s14] =	ssyncadd.s32 $0xFFFFFD80  }
0x76: {  	[hbm4b:s30+s3] =	stream.linear.scatter [tilespmem:s20], [sflag:$0x2], $0x280, $0x38;
	[tilespmem:$0x69A0] =	vst v63  }
0x77: {  	s24 =	sadd.s32 $0xA, s24;
	_ =	swait.ge [sflag:s14], $0x280  }
0x78: {  	s26 =	sadd.s32 $0xA, s26;
	s25 =	sadd.s32 $0x500, s25;
	[sflag:s14] =	ssyncset.done $0x0  }
0x79: {  	s22 =	sadd.s32 $0x1, s22  }
0x7a: {  	p0 =	sne.s32 s22, s6  }
.Ltmp1:
0x7b: {  	_ = 	snop;
	(pc) =	sbr.rel @p0 .LBB2_1-.Ltmp1, $2  }
0x7c: {  	_ =	sdelay $0x2  }
0x7d: {  	[sflag:s14] =	ssyncadd.s32 $0xFFFFFD80  }
0x7e: {  	_ =	sfence.sel $0x180000  }
0x7f: {  	[bflag:$0x0] =	sbarrier.arrive $0xFFFF  }
0x80: {  	p0 =	sne.s32 s0, $0x0;
	_ =	strace $0x90000047  }
0x81: {  	s0 =	sadd.s32 @!p0 $0x100000, s1;
	[bflag:$0x2] =	sbarrier.arrive $0xFFFF  }
0x82: {  	[sflag:s0] =	ssyncadd.tile.s32 @!p0 $0x1;
	_ =	shalt  }
.Lfunc_end2:
_tile_overlayer_lowered:
.L_overlay_start_2:
0x83: {  	(tag) =	ssettag $0x2  }
0x84: {  	s0 =	rddreg [dreg:$0x0];
	s2 =	stileid.u32  }
0x85: {  	s1 =	rddreg [dreg:$0x1];
	p0 =	sne.s32 s2, $0x0  }
0x86: {  	s3 =	rddreg [dreg:$0x2];
	[bflag:$0x3] =	sbarrier.arrive $0xFFFF;
	s2 =	simm.s32 @!p0 $0x1C02  }
0x87: {  	[timem:s3], [sflag:s2] =	dma.local @!p0 [hbm:s0], s1  }
0x88: {  	s0 =	simm.s32 @!p0 $0x2  }
0x89: {  	_ =	swait.ge @!p0 [sflag:s0], s1  }
0x8a: {  	s1 =	ssub.s32 @!p0 $0x0, s1;
	[sflag:s0] =	ssyncset.done @!p0 $0x0  }
0x8b: {  	[sflag:s0] =	ssyncadd.s32 @!p0 s1  }
0x8c: {  	[bflag:$0x3] =	sbarrier.arrive $0xFFFF  }
0x8d: {  	_ =	shalt  }

// kernel: kernel.17.cloned.1.call-start
scs
__scs_entry_jumppad:
0x0: {  	(pc) =	sbr.rel $0x88, $3  }
0x1: {  	(tag) =	ssettag $0x0;
	lr =	simm.s32 $0x1  }
0x2: {  	[smem:$0x3F81] =	sst lr;
	_ =	strace $0xD0000000  }
0x3: {  	_ = 	snop  }
0x4: {  	_ = 	snop  }
0x5: {  	_ = 	snop  }
0x6: {  	_ = 	snop  }
0x7: {  	_ = 	snop  }
__scs_overlays_trampoline_lowered:
0x8: {  	[smem:$0x3F90] =	sst s0  }
0x9: {  	[smem:$0x3F91] =	sst s1  }
0xa: {  	[smem:$0x3F92] =	sst s2  }
0xb: {  	[smem:$0x3F93] =	sst s3  }
0xc: {  	[smem:$0x3F94] =	sst s4  }
0xd: {  	[smem:$0x3F95] =	sst s5  }
0xe: {  	[smem:$0x3F96] =	sst s6  }
0xf: {  	[smem:$0x3F97] =	sst s7  }
0x10: {  	[smem:$0x3F98] =	sst s8  }
0x11: {  	[smem:$0x3F99] =	sst s9;
	s0 =	simm.s32 @!p0 $0x0  }
0x12: {  	s1 =	sld [smem:$0x3F7F];
	s0 =	simm.s32 @p0 $0x1  }
0x13: {  	[smem:$0x3F9A] =	sst s0;
	s0 =	simm.s32 @!p1 $0x0  }
0x14: {  	s2 =	sld [smem:$0x3F7E];
	s0 =	simm.s32 @p1 $0x1  }
0x15: {  	[smem:$0x3F9B] =	sst s0;
	s0 =	simm.s32 @!p2 $0x0  }
0x16: {  	s3 =	sld [smem:$0x3FDB];
	s0 =	simm.s32 @p2 $0x1  }
0x17: {  	s4 =	simm.s32 $0x1BF5;
	[smem:$0x3F9D] =	sst s0  }
0x18: {  	s0 =	sld [smem:$0x3F80];
	_ =	swait.ge [sflag:s4], $0x0  }
0x19: {  	s7 =	sld [smem:$0x3F81]  }
0x1a: {  	s8 =	sadd.s32 $0xFFFFE003, lr  }
0x1b: {  	s9 =	sadd.s32 $0xFFFFFEF7, lr;
	s5 =	simm.s32 $0xFFFFFFFF;
	p2 =	slt.u32 s8, $0xFFFFF086  }
0x1c: {  	p1 =	slt.u32 s9, $0xF7A;
	s5 =	simm.s32 @!p2 $0x0  }
0x1d: {  	s5 =	simm.s32 @p1 $0x1;
	p0 =	seq.s32 s7, s2  }
0x1e: {  	s7 =	smul.u32 @!p0 $0xF7A, s2;
	p2 =	seq.s32 @!p0 s5, $0x0  }
0x1f: {  	s9 =	smul.u32 $0xF7A, s1;
	s8 =	simm.s32 @!p0 $0x1BF5;
	p2 =	por !p2, p0  }
0x20: {  	[sflag:s8] =	ssyncset.s32 @!p0 $0xFFFFF086;
	s6 =	sadd.s32 @!p0 s3, s7;
	s7 =	simm.s32 @!p0 $0x108  }
0x21: {  	s3 =	sadd.s32 s3, s9;
	s6 =	sadd.s32 @!p0 $0x88, s6;
	s7 =	simm.s32 @p2 $0x1082  }
0x22: {  	[simem:s7], [sflag:s8] =	dma.local @!p0 [hbm:s6], $0xF7A  }
0x23: {  	s9 =	sor.u32 $0xD0000000, s2;
	s6 =	simm.s32 $0x108;
	_ =	swait.ge @!p0 [sflag:s8], $0x0  }
0x24: {  	s3 =	sadd.s32 $0x88, s3;
	s6 =	simm.s32 @!p1 $0x1082;
	[sflag:s4] =	ssyncset.s32 $0xFFFFF086  }
0x25: {  	[simem:s6], [sflag:s4] =	dma.local [hbm:s3], $0xF7A  }
0x26: {  	[smem:$0x3F81] =	sst s1;
	(tag) =	ssettag s2;
	_ =	strace s9  }
0x27: {  	s1 =	sld [smem:$0x3F91]  }
0x28: {  	s2 =	sld [smem:$0x3F92]  }
0x29: {  	s4 =	sld [smem:$0x3F94]  }
0x2a: {  	p0 =	seq.s32 s5, $0x0;
	s5 =	sld [smem:$0x3F95]  }
0x2b: {  	s6 =	sld [smem:$0x3F96]  }
0x2c: {  	s7 =	sld [smem:$0x3F97]  }
0x2d: {  	s3 =	simm.s32 $0x108;
	s8 =	sld [smem:$0x3F98]  }
0x2e: {  	s3 =	simm.s32 @!p0 $0x1082;
	s9 =	sld [smem:$0x3F99]  }
0x2f: {  	lr =	sadd.s32 s0, s3;
	s0 =	sld [smem:$0x3F90]  }
0x30: {  	s3 =	sld [smem:$0x3F93]  }
0x31: {  	[smem:$0x3F9C] =	sst s10  }
0x32: {  	s10 =	sld [smem:$0x3F9A];
	_ =	sdelay $0x3  }
0x33: {  	p0 =	seq.s32 s10, $0x1;
	s10 =	sld [smem:$0x3F9C];
	_ =	sdelay $0x3  }
0x34: {  	[smem:$0x3F9C] =	sst s10  }
0x35: {  	s10 =	sld [smem:$0x3F9B];
	_ =	sdelay $0x3  }
0x36: {  	p1 =	seq.s32 s10, $0x1;
	s10 =	sld [smem:$0x3F9C];
	_ =	sdelay $0x3  }
0x37: {  	[smem:$0x3F9C] =	sst s10  }
0x38: {  	s10 =	sld [smem:$0x3F9D]  }
0x39: {  	_ = 	snop;
	(pc) =	sbr.ind lr, $3  }
0x3a: {  	_ = 	snop  }
0x3b: {  	_ = 	snop  }
0x3c: {  	p2 =	seq.s32 s10, $0x1;
	s10 =	sld [smem:$0x3F9C]  }
0x3d: {  	_ =	shalt  }
0x3e: {  	_ =	shalt  }
0x3f: {  	_ =	shalt  }
0x40: {  	_ =	shalt  }
0x41: {  	_ =	shalt  }
0x42: {  	_ =	shalt  }
0x43: {  	_ =	shalt  }
0x44: {  	_ =	shalt  }
0x45: {  	_ =	shalt  }
0x46: {  	_ =	shalt  }
0x47: {  	_ =	shalt  }
0x48: {  	_ =	shalt  }
0x49: {  	_ =	shalt  }
0x4a: {  	_ =	shalt  }
0x4b: {  	_ =	shalt  }
0x4c: {  	_ =	shalt  }
0x4d: {  	_ =	shalt  }
0x4e: {  	_ =	shalt  }
0x4f: {  	_ =	shalt  }
0x50: {  	_ =	shalt  }
0x51: {  	_ =	shalt  }
0x52: {  	_ =	shalt  }
0x53: {  	_ =	shalt  }
0x54: {  	_ =	shalt  }
0x55: {  	_ =	shalt  }
0x56: {  	_ =	shalt  }
0x57: {  	_ =	shalt  }
0x58: {  	_ =	shalt  }
0x59: {  	_ =	shalt  }
0x5a: {  	_ =	shalt  }
0x5b: {  	_ =	shalt  }
0x5c: {  	_ =	shalt  }
0x5d: {  	_ =	shalt  }
0x5e: {  	_ =	shalt  }
0x5f: {  	_ =	shalt  }
0x60: {  	_ =	shalt  }
0x61: {  	_ =	shalt  }
0x62: {  	_ =	shalt  }
0x63: {  	_ =	shalt  }
0x64: {  	_ =	shalt  }
0x65: {  	_ =	shalt  }
0x66: {  	_ =	shalt  }
0x67: {  	_ =	shalt  }
0x68: {  	_ =	shalt  }
0x69: {  	_ =	shalt  }
0x6a: {  	_ =	shalt  }
0x6b: {  	_ =	shalt  }
0x6c: {  	_ =	shalt  }
0x6d: {  	_ =	shalt  }
0x6e: {  	_ =	shalt  }
0x6f: {  	_ =	shalt  }
0x70: {  	_ =	shalt  }
0x71: {  	_ =	shalt  }
0x72: {  	_ =	shalt  }
0x73: {  	_ =	shalt  }
0x74: {  	_ =	shalt  }
0x75: {  	_ =	shalt  }
0x76: {  	_ =	shalt  }
0x77: {  	_ =	shalt  }
0x78: {  	_ =	shalt  }
0x79: {  	_ =	shalt  }
0x7a: {  	_ =	shalt  }
0x7b: {  	_ =	shalt  }
0x7c: {  	_ =	shalt  }
0x7d: {  	_ =	shalt  }
0x7e: {  	_ =	shalt  }
0x7f: {  	_ =	shalt  }
0x80: {  	_ =	shalt  }
0x81: {  	_ =	shalt  }
0x82: {  	_ =	shalt  }
0x83: {  	_ =	shalt  }
0x84: {  	_ =	shalt  }
0x85: {  	_ =	shalt  }
0x86: {  	_ =	shalt  }
0x87: {  	_ =	shalt  }
.Lfunc_end0:
.L_simem_size_0:
called_computation.1_lowered:
.L_overlay_start_0:
0x88: {  	s2 =	sld [smem:$0x3FD9]  }
0x89: {  	s3 =	sld [smem:$0x3FFE];
	_ =	sdelay $0x1  }
0x8a: {  	s1 =	srdreg.scid  }
0x8b: {  	s0 =	sand.u32 $0x1, s1  }
0x8c: {  	s15 =	sshll.u32 s0, $0xA;
	s2 =	sadd.s32 s3, s2  }
0x8d: {  	s2 =	sadd.s32 s2, s15  }
0x8e: {  	[smem:$0x3FA8] =	sst s2  }
0x8f: {  	_ = 	snop  }
0x90: {  	s2 =	sld [smem:$0x3FD0];
	_ =	sdelay $0x2  }
0x91: {  	s16 =	simm.s32 $0xB;
	s4 =	simm.s32 $0x10  }
0x92: {  	[smem:s4], [sflag:s16] =	dma.local [hbm:s2], $0x1  }
0x93: {  	_ =	swait.eq [sflag:s16], $0x1  }
0x94: {  	[sflag:s16] =	ssyncset.done $0x0  }
0x95: {  	[sflag:s16] =	ssyncadd.s32 $0xFFFFFFFF  }
0x96: {  	s17 =	sld [smem:$0x12];
	(tm) =	ssettm $0x1  }
0x97: {  	s18 =	sld [smem:$0x3FFB];
	_ =	sdelay $0x3  }
0x98: {  	_ =	strace s18  }
0x99: {  	s2 =	sld [smem:$0x3FFC];
	_ =	sdelay $0x3  }
0x9a: {  	_ =	strace s2  }
0x9b: {  	s2 =	sld [smem:$0x3FFD];
	_ =	sdelay $0x3  }
0x9c: {  	_ =	strace s2  }
0x9d: {  	_ =	strace $0x8FFFFFFF  }
0x9e: {  	s19 =	sld [smem:$0x3FDB];
	_ =	sdelay $0x1  }
0x9f: {  	s20 =	simm.s32 $_scs_section_size  }
0xa0: {  	s5 =	simm.s32 $_size__tile_overlayer_lowered;
	s6 =	simm.s32 $_tile_overlayer_lowered  }
0xa1: {  	s7 =	simm.s32 $0x1BFF;
	s21 =	sshll.u32 s6, $0x1;
	s4 =	sadd.s32 s20, s19  }
0xa2: {  	s22 =	simm.s32 $0x0;
	s5 =	sshll.u32 s5, $0x1;
	s6 =	sadd.s32 s21, s4  }
0xa3: {  	[timem:s22], [sflag:s7] =	dma.local [hbm:s6], s5  }
0xa4: {  	_ =	swait.ge [sflag:s7], s5  }
0xa5: {  	s5 =	ssub.s32 $0x0, s5;
	[sflag:s7] =	ssyncset.done $0x0  }
0xa6: {  	[sflag:s7] =	ssyncadd.s32 s5;
	_ =	sdelay $0x1  }
0xa7: {  	s23 =	simm.s32 $0x1B8B  }
0xa8: {  	_ =	swait.ge [sflag:s23], $0x1  }
0xa9: {  	[sflag:s23] =	ssyncset.done $0x0  }
0xaa: {  	[sflag:s23] =	ssyncadd.s32 $0xFFFFFFFF  }
0xab: {  	s5 =	sld [smem:$0x0]  }
0xac: {  	s6 =	sand.u32 $0xFFFFFFFE, s1  }
0xad: {  	p0 =	sne.s32 s1, s6  }
0xae: {  	s6 =	sshll.u32 @p0 s6, $0xE  }
0xaf: {  	s6 =	sadd.s32 @p0 $0x11B8D, s6;
	s7 =	sshll.u32 @p0 s5, $0x11  }
0xb0: {  	s6 =	sor.u32 @p0 s7, s6  }
0xb1: {  	[sflag:s6] =	ssyncadd.remote.s32 @p0 $0x1;
	_ =	sdelay $0x1  }
0xb2: {  	s6 =	simm.s32 @p0 $0x1B8D  }
0xb3: {  	_ =	swait.eq @p0 [sflag:s6], $0x1  }
0xb4: {  	[sflag:s6] =	ssyncadd.s32 @p0 $0xFFFFFFFF  }
0xb5: {  	s7 =	sshll.u32 @!p0 s1, $0xE  }
0xb6: {  	s7 =	sor.u32 @!p0 $0x4000, s7;
	s6 =	simm.s32 @!p0 $0x1B8D  }
0xb7: {  	s5 =	sshll.u32 @!p0 s5, $0x11;
	s7 =	sadd.s32 @!p0 $0x11B8D, s7;
	_ =	swait.eq @!p0 [sflag:s6], $0x1  }
0xb8: {  	s5 =	sor.u32 @!p0 s5, s7;
	[sflag:s6] =	ssyncadd.s32 @!p0 $0xFFFFFFFF  }
0xb9: {  	s25 =	simm.s32 $0x1B8E;
	s24 =	sld [smem:$0x3FFE];
	[sflag:s5] =	ssyncadd.remote.s32 @!p0 $0x1  }
0xba: {  	s26 =	simm.s32 $execute0_lowered;
	[smem:$0x3FD2] =	sst s25  }
0xbb: {  	s6 =	sshll.u32 s26, $0x1;
	_ =	strace $0x8000004C;
	[dreg:$0x1] =	wrdreg $0xFFFFFFFF  }
0xbc: {  	s28 =	simm.s32 $_size_execute0_lowered;
	s4 =	sadd.s32 s4, s6;
	[dreg:$0x0] =	wrdreg $0x0  }
0xbd: {  	s6 =	sshll.u32 s28, $0x1;
	[dreg:$0x2] =	wrdreg s4  }
0xbe: {  	[dreg:$0x3] =	wrdreg s6  }
0xbf: {  	[dreg:$0x4] =	wrdreg $0xC0  }
0xc0: {  	_ =	task [dreg:s22], $0x5FFFF  }
0xc1: {  	[dreg:$0x1] =	wrdreg $0xFFFFFFFF  }
0xc2: {  	[dreg:$0x0] =	wrdreg $0x60  }
0xc3: {  	[dreg:$0x2] =	wrdreg s24  }
0xc4: {  	[dreg:$0x3] =	wrdreg s17  }
0xc5: {  	[dreg:$0x4] =	wrdreg $0x7D00  }
0xc6: {  	[dreg:$0x5] =	wrdreg $0x9  }
0xc7: {  	_ =	task.clear_ibuf [dreg:s22], $0x6FFFF;
	_ =	strace $0x9000004C  }
0xc8: {  	s29 =	simm.s32 $0x9;
	_ =	strace $0x8000004E  }
0xc9: {  	_ =	swait.ge [sflag:s29], $0x1  }
0xca: {  	[sflag:s29] =	ssyncadd.s32 $0xFFFFFFFF  }
0xcb: {  	_ =	strace $0x9000004E  }
0xcc: {  	_ =	sfence  }
0xcd: {  	s30 =	sld [smem:$0x0];
	_ =	sdelay $0x2  }
0xce: {  	s31 =	sshll.u32 s1, $0xD;
	s1 =	sshrl.u32 s1, $0x2  }
0xcf: {  	s4 =	sand.u32 $0x4000, s31;
	s1 =	sadd.s32 s1, s30  }
0xd0: {  	s0 =	sor.u32 s4, s0;
	s1 =	sshll.u32 s1, $0x11  }
0xd1: {  	s0 =	sor.u32 s1, s0  }
0xd2: {  	s0 =	sadd.s32 $0x8F2B, s0  }
0xd3: {  	[sflag:s0] =	ssyncadd.remote.s32 $0x1  }
0xd4: {  	_ =	sfence.sel $0xFFFF  }
0xd5: {  	[dreg:$0x0] =	wrdreg $0xFFFFFFFF;
	(pc) =	sbr.abs _section_cstart, $3  }
0xd6: {  	[dreg:$0x1] =	wrdreg $0xFFFFFFFF  }
0xd7: {  	_ =	task.clear_ibuf [dreg:s22], $0x2FFFF;
	_ =	strace $0x9FFFFFFF  }
0xd8: {  	(tm) =	ssettm $0x7FFFFFFF  }
0xd9: {  	_ =	shalt  }
tec
execute0_lowered:
.L_overlay_start_1:
0x0: {  	(tag) =	ssettag $0x1  }
0x1: {  	s0 =	stileid.u32  }
0x2: {  	s4 =	rddreg [dreg:$0x0];
	s5 =	smul.u32 $0x2800, s0  }
0x3: {  	s1 =	srdreg.scid;
	s9 =	smul.u32 $0x3A98, s0  }
0x4: {  	s8 =	rddreg [dreg:$0x1];
	s25 =	smul.u32 $0x753, s0  }
0x5: {  	s2 =	rddreg [dreg:$0x2];
	s6 =	sand.u32 $0x1, s1;
	s30 =	smul.u32 $0x7800, s0  }
0x6: {  	s3 =	simm.s32 $0x0;
	s1 =	rddreg [dreg:$0x3];
	s7 =	smul.u32 $0x1400, s6  }
0x7: {  	[smem:$0x7FF] =	sst s3;
	s29 =	sshll.u32 s0, $0x6;
	s10 =	smul.u32 $0x7530, s6  }
0x8: {  	_ =	strace $0x8000004D;
	s26 =	ssub.s32 $0x2, s6;
	s31 =	smul.u32 $0x3C00, s6  }
0x9: {  	s12 =	sshrl.u32 s9, $0x3;
	s28 =	sshrl.u32 s26, $0x1;
	s13 =	sadd.s32 s9, s2  }
0xa: {  	s8 =	sadd.s32 s30, s8;
	s5 =	sadd.s32 s7, s5;
	s7 =	sadd.s32 s25, s10  }
0xb: {  	s12 =	sadd.s32 s12, s4;
	s10 =	ssub.s32 s26, s28;
	s5 =	sshrl.u32 s5, $0x3  }
0xc: {  	s8 =	sadd.s32 s31, s8;
	s7 =	sadd.s32 s7, s4;
	s11 =	sadd.s32 s5, s4  }
0xd: {  	s4 =	sadd.s32 $0x52000, s12;
	s5 =	sor.u32 $0x1C01, s29;
	s6 =	sadd.s32 $0x59600, s7  }
0xe: {  	s7 =	smax.u32 s10, $0x1;
	s10 =	sshrl.u32 s13, $0x3;
	s12 =	simm.s32 $0x50  }
0xf: {  	s13 =	simm.s32 $0x0;
	s9 =	sadd.s32 $0xFC00, s11;
	s11 =	simm.s32 $0x1  }
.LBB2_1:
0x10: {  	[spmem:s10], [sflag:s5] =	dma.local [hbm:s4], $0x753  }
0x11: {  	_ =	swait.ge [sflag:s11], $0x753  }
0x12: {  	[sflag:s11] =	ssyncset.done $0x0  }
0x13: {  	[sflag:s11] =	ssyncadd.s32 $0xFFFFF8AD  }
0x14: {  	s14 =	sadd.s32 $0x0, s9;
	[bflag:$0x0] =	sbarrier.arrive $0xFFFF  }
0x15: {  	[tilespmem:s3], [sflag:$0x1] =	stream.linear.gather [hbm4b:s14+s3], $0x50, $0x38;
	[tilespmem:$0x4268] =	vst v63  }
0x16: {  	_ =	swait.ge [sflag:s11], $0x50  }
0x17: {  	[sflag:s11] =	ssyncset.done $0x0  }
0x18: {  	[sflag:s11] =	ssyncadd.s32 $0xFFFFFFB0  }
0x19: {  	[tilespmem:s12], [sflag:$0x1] =	stream.linear.gather [hbm4b:s8+s3], $0x780, $0x38;
	[tilespmem:$0x4268] =	vst v63  }
0x1a: {  	_ =	swait.ge [sflag:s11], $0x780  }
0x1b: {  	[sflag:s11] =	ssyncset.done $0x0  }
0x1c: {  	[sflag:s11] =	ssyncadd.s32 $0xFFFFF880  }
0x1d: {  	[spmem:s2] =	stream.indirect.scatter.add.f32 [tilespmem:s12], [sflag:$0x1], $0x18, s3, s12, $0xb8;
	[tilespmem:$0x4268] =	vst v63  }
0x1e: {  	s15 =	simm.s32 $0xA;
	_ =	swait.ge [sflag:s11], $0x780  }
0x1f: {  	s16 =	simm.s32 $0x14;
	s14 =	sadd.s32 $0xF0, s8;
	[sflag:s11] =	ssyncset.done $0x0  }
.LBB2_2:
0x20: {  	s17 =	sadd.s32 s15, s9  }
0x21: {  	[sflag:s11] =	ssyncadd.s32 $0xFFFFF880;
	s15 =	smov.u32 s16;
	s18 =	sadd.s32 $0xA, s16  }
0x22: {  	[tilespmem:s3], [sflag:$0x1] =	stream.linear.gather [hbm4b:s17+s3], $0x50, $0x38;
	[tilespmem:$0x4268] =	vst v63  }
0x23: {  	p0 =	sne.s32 s16, $0x276;
	_ =	swait.ge [sflag:s11], $0x50  }
0x24: {  	[sflag:s11] =	ssyncset.done $0x0  }
0x25: {  	[sflag:s11] =	ssyncadd.s32 $0xFFFFFFB0  }
0x26: {  	[tilespmem:s12], [sflag:$0x1] =	stream.linear.gather [hbm4b:s14+s3], $0x780, $0x38;
	[tilespmem:$0x4268] =	vst v63  }
0x27: {  	_ =	swait.ge [sflag:s11], $0x780  }
.Ltmp0:
0x28: {  	[sflag:s11] =	ssyncset.done $0x0;
	(pc) =	sbr.rel @p0 .LBB2_2-.Ltmp0, $4  }
0x29: {  	[sflag:s11] =	ssyncadd.s32 $0xFFFFF880  }
0x2a: {  	[spmem:s2] =	stream.indirect.scatter.add.f32 [tilespmem:s12], [sflag:$0x1], $0x18, s3, s12, $0xb8;
	[tilespmem:$0x4268] =	vst v63  }
0x2b: {  	_ =	swait.ge [sflag:s11], $0x780  }
0x2c: {  	s16 =	smov.u32 s18;
	s14 =	sadd.s32 $0xF0, s14;
	[sflag:s11] =	ssyncset.done $0x0  }
0x2d: {  	s15 =	sadd.s32 s15, s9;
	[sflag:s11] =	ssyncadd.s32 $0xFFFFF880  }
0x2e: {  	[tilespmem:s3], [sflag:$0x1] =	stream.linear.gather [hbm4b:s15+s3], $0x50, $0x38;
	[tilespmem:$0x4268] =	vst v63  }
0x2f: {  	_ =	swait.ge [sflag:s11], $0x50  }
0x30: {  	[sflag:s11] =	ssyncset.done $0x0  }
0x31: {  	[sflag:s11] =	ssyncadd.s32 $0xFFFFFFB0  }
0x32: {  	[tilespmem:s12], [sflag:$0x1] =	stream.linear.gather [hbm4b:s14+s3], $0x780, $0x38;
	[tilespmem:$0x4268] =	vst v63  }
0x33: {  	_ =	swait.ge [sflag:s11], $0x780  }
0x34: {  	[sflag:s11] =	ssyncset.done $0x0  }
0x35: {  	[sflag:s11] =	ssyncadd.s32 $0xFFFFF880  }
0x36: {  	[spmem:s2] =	stream.indirect.scatter.add.f32 [tilespmem:s12], [sflag:$0x1], $0x18, s3, s12, $0xb8;
	[tilespmem:$0x4268] =	vst v63  }
0x37: {  	_ =	swait.ge [sflag:s11], $0x780  }
0x38: {  	s13 =	sadd.s32 $0x1, s13;
	[sflag:s11] =	ssyncset.done $0x0  }
0x39: {  	p0 =	sne.s32 s13, s7;
	[sflag:s11] =	ssyncadd.s32 $0xFFFFF880  }
.Ltmp1:
0x3a: {  	[bflag:$0x0] =	sbarrier.arrive $0xFFFF;
	(pc) =	sbr.rel @p0 .LBB2_1-.Ltmp1, $4  }
0x3b: {  	[hbm:s6], [sflag:s5] =	dma.local [spmem:s10], $0x753  }
0x3c: {  	_ =	swait.ge [sflag:s11], $0x753  }
0x3d: {  	[sflag:s11] =	ssyncset.done $0x0  }
0x3e: {  	[sflag:s11] =	ssyncadd.s32 $0xFFFFF8AD  }
0x3f: {  	_ =	sfence.sel $0x180000  }
0x40: {  	[bflag:$0x0] =	sbarrier.arrive $0xFFFF  }
0x41: {  	p0 =	sne.s32 s0, $0x0;
	_ =	strace $0x9000004D  }
0x42: {  	s0 =	sadd.s32 @!p0 $0x100000, s1;
	[bflag:$0x2] =	sbarrier.arrive $0xFFFF  }
0x43: {  	[sflag:s0] =	ssyncadd.tile.s32 @!p0 $0x1;
	_ =	shalt  }
.Lfunc_end2:
_tile_overlayer_lowered:
.L_overlay_start_2:
0x44: {  	(tag) =	ssettag $0x2  }
0x45: {  	s0 =	rddreg [dreg:$0x0];
	s2 =	stileid.u32  }
0x46: {  	s1 =	rddreg [dreg:$0x1];
	p0 =	sne.s32 s2, $0x0  }
0x47: {  	s3 =	rddreg [dreg:$0x2];
	[bflag:$0x3] =	sbarrier.arrive $0xFFFF;
	s2 =	simm.s32 @!p0 $0x1C01  }
0x48: {  	[timem:s3], [sflag:s2] =	dma.local @!p0 [hbm:s0], s1  }
0x49: {  	s0 =	simm.s32 @!p0 $0x1  }
0x4a: {  	_ =	swait.ge @!p0 [sflag:s0], s1  }
0x4b: {  	s1 =	ssub.s32 @!p0 $0x0, s1;
	[sflag:s0] =	ssyncset.done @!p0 $0x0  }
0x4c: {  	[sflag:s0] =	ssyncadd.s32 @!p0 s1  }
0x4d: {  	[bflag:$0x3] =	sbarrier.arrive $0xFFFF  }
0x4e: {  	_ =	shalt  }

// kernel: kernel.20.cloned.1.call-start
scs
__scs_entry_jumppad:
0x0: {  	(pc) =	sbr.rel $0x88, $3  }
0x1: {  	(tag) =	ssettag $0x0;
	lr =	simm.s32 $0x1  }
0x2: {  	[smem:$0x3F81] =	sst lr;
	_ =	strace $0xD0000000  }
0x3: {  	_ = 	snop  }
0x4: {  	_ = 	snop  }
0x5: {  	_ = 	snop  }
0x6: {  	_ = 	snop  }
0x7: {  	_ = 	snop  }
__scs_overlays_trampoline_lowered:
0x8: {  	[smem:$0x3F90] =	sst s0  }
0x9: {  	[smem:$0x3F91] =	sst s1  }
0xa: {  	[smem:$0x3F92] =	sst s2  }
0xb: {  	[smem:$0x3F93] =	sst s3  }
0xc: {  	[smem:$0x3F94] =	sst s4  }
0xd: {  	[smem:$0x3F95] =	sst s5  }
0xe: {  	[smem:$0x3F96] =	sst s6  }
0xf: {  	[smem:$0x3F97] =	sst s7  }
0x10: {  	[smem:$0x3F98] =	sst s8  }
0x11: {  	[smem:$0x3F99] =	sst s9;
	s0 =	simm.s32 @!p0 $0x0  }
0x12: {  	s1 =	sld [smem:$0x3F7F];
	s0 =	simm.s32 @p0 $0x1  }
0x13: {  	[smem:$0x3F9A] =	sst s0;
	s0 =	simm.s32 @!p1 $0x0  }
0x14: {  	s2 =	sld [smem:$0x3F7E];
	s0 =	simm.s32 @p1 $0x1  }
0x15: {  	[smem:$0x3F9B] =	sst s0;
	s0 =	simm.s32 @!p2 $0x0  }
0x16: {  	s3 =	sld [smem:$0x3FDB];
	s0 =	simm.s32 @p2 $0x1  }
0x17: {  	s4 =	simm.s32 $0x1BF5;
	[smem:$0x3F9D] =	sst s0  }
0x18: {  	s0 =	sld [smem:$0x3F80];
	_ =	swait.ge [sflag:s4], $0x0  }
0x19: {  	s7 =	sld [smem:$0x3F81]  }
0x1a: {  	s8 =	sadd.s32 $0xFFFFE003, lr  }
0x1b: {  	s9 =	sadd.s32 $0xFFFFFEF7, lr;
	s5 =	simm.s32 $0xFFFFFFFF;
	p2 =	slt.u32 s8, $0xFFFFF086  }
0x1c: {  	p1 =	slt.u32 s9, $0xF7A;
	s5 =	simm.s32 @!p2 $0x0  }
0x1d: {  	s5 =	simm.s32 @p1 $0x1;
	p0 =	seq.s32 s7, s2  }
0x1e: {  	s7 =	smul.u32 @!p0 $0xF7A, s2;
	p2 =	seq.s32 @!p0 s5, $0x0  }
0x1f: {  	s9 =	smul.u32 $0xF7A, s1;
	s8 =	simm.s32 @!p0 $0x1BF5;
	p2 =	por !p2, p0  }
0x20: {  	[sflag:s8] =	ssyncset.s32 @!p0 $0xFFFFF086;
	s6 =	sadd.s32 @!p0 s3, s7;
	s7 =	simm.s32 @!p0 $0x108  }
0x21: {  	s3 =	sadd.s32 s3, s9;
	s6 =	sadd.s32 @!p0 $0x88, s6;
	s7 =	simm.s32 @p2 $0x1082  }
0x22: {  	[simem:s7], [sflag:s8] =	dma.local @!p0 [hbm:s6], $0xF7A  }
0x23: {  	s9 =	sor.u32 $0xD0000000, s2;
	s6 =	simm.s32 $0x108;
	_ =	swait.ge @!p0 [sflag:s8], $0x0  }
0x24: {  	s3 =	sadd.s32 $0x88, s3;
	s6 =	simm.s32 @!p1 $0x1082;
	[sflag:s4] =	ssyncset.s32 $0xFFFFF086  }
0x25: {  	[simem:s6], [sflag:s4] =	dma.local [hbm:s3], $0xF7A  }
0x26: {  	[smem:$0x3F81] =	sst s1;
	(tag) =	ssettag s2;
	_ =	strace s9  }
0x27: {  	s1 =	sld [smem:$0x3F91]  }
0x28: {  	s2 =	sld [smem:$0x3F92]  }
0x29: {  	s4 =	sld [smem:$0x3F94]  }
0x2a: {  	p0 =	seq.s32 s5, $0x0;
	s5 =	sld [smem:$0x3F95]  }
0x2b: {  	s6 =	sld [smem:$0x3F96]  }
0x2c: {  	s7 =	sld [smem:$0x3F97]  }
0x2d: {  	s3 =	simm.s32 $0x108;
	s8 =	sld [smem:$0x3F98]  }
0x2e: {  	s3 =	simm.s32 @!p0 $0x1082;
	s9 =	sld [smem:$0x3F99]  }
0x2f: {  	lr =	sadd.s32 s0, s3;
	s0 =	sld [smem:$0x3F90]  }
0x30: {  	s3 =	sld [smem:$0x3F93]  }
0x31: {  	[smem:$0x3F9C] =	sst s10  }
0x32: {  	s10 =	sld [smem:$0x3F9A];
	_ =	sdelay $0x3  }
0x33: {  	p0 =	seq.s32 s10, $0x1;
	s10 =	sld [smem:$0x3F9C];
	_ =	sdelay $0x3  }
0x34: {  	[smem:$0x3F9C] =	sst s10  }
0x35: {  	s10 =	sld [smem:$0x3F9B];
	_ =	sdelay $0x3  }
0x36: {  	p1 =	seq.s32 s10, $0x1;
	s10 =	sld [smem:$0x3F9C];
	_ =	sdelay $0x3  }
0x37: {  	[smem:$0x3F9C] =	sst s10  }
0x38: {  	s10 =	sld [smem:$0x3F9D]  }
0x39: {  	_ = 	snop;
	(pc) =	sbr.ind lr, $3  }
0x3a: {  	_ = 	snop  }
0x3b: {  	_ = 	snop  }
0x3c: {  	p2 =	seq.s32 s10, $0x1;
	s10 =	sld [smem:$0x3F9C]  }
0x3d: {  	_ =	shalt  }
0x3e: {  	_ =	shalt  }
0x3f: {  	_ =	shalt  }
0x40: {  	_ =	shalt  }
0x41: {  	_ =	shalt  }
0x42: {  	_ =	shalt  }
0x43: {  	_ =	shalt  }
0x44: {  	_ =	shalt  }
0x45: {  	_ =	shalt  }
0x46: {  	_ =	shalt  }
0x47: {  	_ =	shalt  }
0x48: {  	_ =	shalt  }
0x49: {  	_ =	shalt  }
0x4a: {  	_ =	shalt  }
0x4b: {  	_ =	shalt  }
0x4c: {  	_ =	shalt  }
0x4d: {  	_ =	shalt  }
0x4e: {  	_ =	shalt  }
0x4f: {  	_ =	shalt  }
0x50: {  	_ =	shalt  }
0x51: {  	_ =	shalt  }
0x52: {  	_ =	shalt  }
0x53: {  	_ =	shalt  }
0x54: {  	_ =	shalt  }
0x55: {  	_ =	shalt  }
0x56: {  	_ =	shalt  }
0x57: {  	_ =	shalt  }
0x58: {  	_ =	shalt  }
0x59: {  	_ =	shalt  }
0x5a: {  	_ =	shalt  }
0x5b: {  	_ =	shalt  }
0x5c: {  	_ =	shalt  }
0x5d: {  	_ =	shalt  }
0x5e: {  	_ =	shalt  }
0x5f: {  	_ =	shalt  }
0x60: {  	_ =	shalt  }
0x61: {  	_ =	shalt  }
0x62: {  	_ =	shalt  }
0x63: {  	_ =	shalt  }
0x64: {  	_ =	shalt  }
0x65: {  	_ =	shalt  }
0x66: {  	_ =	shalt  }
0x67: {  	_ =	shalt  }
0x68: {  	_ =	shalt  }
0x69: {  	_ =	shalt  }
0x6a: {  	_ =	shalt  }
0x6b: {  	_ =	shalt  }
0x6c: {  	_ =	shalt  }
0x6d: {  	_ =	shalt  }
0x6e: {  	_ =	shalt  }
0x6f: {  	_ =	shalt  }
0x70: {  	_ =	shalt  }
0x71: {  	_ =	shalt  }
0x72: {  	_ =	shalt  }
0x73: {  	_ =	shalt  }
0x74: {  	_ =	shalt  }
0x75: {  	_ =	shalt  }
0x76: {  	_ =	shalt  }
0x77: {  	_ =	shalt  }
0x78: {  	_ =	shalt  }
0x79: {  	_ =	shalt  }
0x7a: {  	_ =	shalt  }
0x7b: {  	_ =	shalt  }
0x7c: {  	_ =	shalt  }
0x7d: {  	_ =	shalt  }
0x7e: {  	_ =	shalt  }
0x7f: {  	_ =	shalt  }
0x80: {  	_ =	shalt  }
0x81: {  	_ =	shalt  }
0x82: {  	_ =	shalt  }
0x83: {  	_ =	shalt  }
0x84: {  	_ =	shalt  }
0x85: {  	_ =	shalt  }
0x86: {  	_ =	shalt  }
0x87: {  	_ =	shalt  }
.Lfunc_end0:
.L_simem_size_0:
called_computation.2_lowered:
.L_overlay_start_0:
0x88: {  	s2 =	sld [smem:$0x3FD9]  }
0x89: {  	s3 =	sld [smem:$0x3FFE];
	_ =	sdelay $0x1  }
0x8a: {  	s1 =	srdreg.scid  }
0x8b: {  	s0 =	sand.u32 $0x1, s1  }
0x8c: {  	s15 =	sshll.u32 s0, $0xA;
	s2 =	sadd.s32 s3, s2  }
0x8d: {  	s2 =	sadd.s32 s2, s15  }
0x8e: {  	[smem:$0x3FA8] =	sst s2  }
0x8f: {  	_ = 	snop  }
0x90: {  	s16 =	sld [smem:$0x3FD0];
	_ =	sdelay $0x2  }
0x91: {  	s4 =	simm.s32 $0xB;
	s5 =	simm.s32 $0x10;
	s2 =	sld [smem:$0x3FC9]  }
0x92: {  	[smem:s5], [sflag:s4] =	dma.local [hbm:s16], $0x1  }
0x93: {  	_ =	swait.eq [sflag:s4], $0x1  }
0x94: {  	[sflag:s4] =	ssyncset.done $0x0  }
0x95: {  	[sflag:s4] =	ssyncadd.s32 $0xFFFFFFFF  }
0x96: {  	s17 =	sld [smem:$0x11];
	(tm) =	ssettm $0x1  }
0x97: {  	s18 =	sld [smem:$0x3FFB];
	_ =	sdelay $0x3  }
0x98: {  	_ =	strace s18  }
0x99: {  	s3 =	sld [smem:$0x3FFC];
	_ =	sdelay $0x3  }
0x9a: {  	_ =	strace s3  }
0x9b: {  	s3 =	sld [smem:$0x3FFD];
	_ =	sdelay $0x3  }
0x9c: {  	_ =	strace s3  }
0x9d: {  	_ =	strace $0x8FFFFFFF  }
0x9e: {  	s19 =	sld [smem:$0x3FDB];
	_ =	sdelay $0x1  }
0x9f: {  	s20 =	simm.s32 $_scs_section_size  }
0xa0: {  	s6 =	simm.s32 $_size__tile_overlayer_lowered;
	s7 =	simm.s32 $_tile_overlayer_lowered  }
0xa1: {  	s8 =	simm.s32 $0x1BFF;
	s21 =	sshll.u32 s7, $0x1;
	s5 =	sadd.s32 s20, s19  }
0xa2: {  	s22 =	simm.s32 $0x0;
	s6 =	sshll.u32 s6, $0x1;
	s7 =	sadd.s32 s21, s5  }
0xa3: {  	[timem:s22], [sflag:s8] =	dma.local [hbm:s7], s6  }
0xa4: {  	_ =	swait.ge [sflag:s8], s6  }
0xa5: {  	s6 =	ssub.s32 $0x0, s6;
	[sflag:s8] =	ssyncset.done $0x0  }
0xa6: {  	[sflag:s8] =	ssyncadd.s32 s6;
	_ =	sdelay $0x1  }
0xa7: {  	s23 =	simm.s32 $0x1B8B  }
0xa8: {  	_ =	swait.ge [sflag:s23], $0x1  }
0xa9: {  	[sflag:s23] =	ssyncset.done $0x0  }
0xaa: {  	[sflag:s23] =	ssyncadd.s32 $0xFFFFFFFF  }
0xab: {  	s6 =	sld [smem:$0x0]  }
0xac: {  	s7 =	sand.u32 $0xFFFFFFFE, s1  }
0xad: {  	p0 =	sne.s32 s1, s7  }
0xae: {  	s7 =	sshll.u32 @p0 s7, $0xE  }
0xaf: {  	s7 =	sadd.s32 @p0 $0x11B8D, s7;
	s8 =	sshll.u32 @p0 s6, $0x11  }
0xb0: {  	s7 =	sor.u32 @p0 s8, s7  }
0xb1: {  	[sflag:s7] =	ssyncadd.remote.s32 @p0 $0x1;
	_ =	sdelay $0x1  }
0xb2: {  	s7 =	simm.s32 @p0 $0x1B8D  }
0xb3: {  	_ =	swait.eq @p0 [sflag:s7], $0x1  }
0xb4: {  	[sflag:s7] =	ssyncadd.s32 @p0 $0xFFFFFFFF  }
0xb5: {  	s8 =	sshll.u32 @!p0 s1, $0xE  }
0xb6: {  	s8 =	sor.u32 @!p0 $0x4000, s8;
	s7 =	simm.s32 @!p0 $0x1B8D  }
0xb7: {  	s6 =	sshll.u32 @!p0 s6, $0x11;
	s8 =	sadd.s32 @!p0 $0x11B8D, s8;
	_ =	swait.eq @!p0 [sflag:s7], $0x1  }
0xb8: {  	s6 =	sor.u32 @!p0 s6, s8;
	[sflag:s7] =	ssyncadd.s32 @!p0 $0xFFFFFFFF  }
0xb9: {  	s25 =	simm.s32 $0x1B8E;
	s24 =	sld [smem:$0x3FFE];
	[sflag:s6] =	ssyncadd.remote.s32 @!p0 $0x1  }
0xba: {  	s26 =	simm.s32 $execute0_lowered;
	[smem:$0x3FD2] =	sst s25  }
0xbb: {  	s7 =	sshll.u32 s26, $0x1;
	_ =	strace $0x80000049;
	[dreg:$0x1] =	wrdreg $0xFFFFFFFF  }
0xbc: {  	s28 =	simm.s32 $_size_execute0_lowered;
	s5 =	sadd.s32 s5, s7;
	[dreg:$0x0] =	wrdreg $0x0  }
0xbd: {  	s7 =	sshll.u32 s28, $0x1;
	[dreg:$0x2] =	wrdreg s5  }
0xbe: {  	[dreg:$0x3] =	wrdreg s7  }
0xbf: {  	[dreg:$0x4] =	wrdreg $0xC0  }
0xc0: {  	_ =	task [dreg:s22], $0x5FFFF  }
0xc1: {  	[dreg:$0x1] =	wrdreg $0xFFFFFFFF  }
0xc2: {  	[dreg:$0x0] =	wrdreg $0x60  }
0xc3: {  	[dreg:$0x2] =	wrdreg s24  }
0xc4: {  	[dreg:$0x3] =	wrdreg s2  }
0xc5: {  	[dreg:$0x4] =	wrdreg s17  }
0xc6: {  	[dreg:$0x5] =	wrdreg $0xA  }
0xc7: {  	_ =	task.clear_ibuf [dreg:s22], $0x6FFFF;
	_ =	strace $0x90000049  }
0xc8: {  	s29 =	simm.s32 $0xA;
	_ =	strace $0x8000004B  }
0xc9: {  	_ =	swait.ge [sflag:s29], $0x1  }
0xca: {  	[sflag:s29] =	ssyncadd.s32 $0xFFFFFFFF  }
0xcb: {  	_ =	strace $0x9000004B  }
0xcc: {  	_ =	sfence  }
0xcd: {  	s30 =	sld [smem:$0x0];
	_ =	sdelay $0x2  }
0xce: {  	s31 =	sshll.u32 s1, $0xD;
	s1 =	sshrl.u32 s1, $0x2  }
0xcf: {  	s4 =	sand.u32 $0x4000, s31;
	s1 =	sadd.s32 s1, s30  }
0xd0: {  	s0 =	sor.u32 s4, s0;
	s1 =	sshll.u32 s1, $0x11  }
0xd1: {  	s0 =	sor.u32 s1, s0  }
0xd2: {  	s0 =	sadd.s32 $0x8F2B, s0  }
0xd3: {  	[sflag:s0] =	ssyncadd.remote.s32 $0x1  }
0xd4: {  	_ =	sfence.sel $0xFFFF  }
0xd5: {  	[dreg:$0x0] =	wrdreg $0xFFFFFFFF;
	(pc) =	sbr.abs _section_cstart, $3  }
0xd6: {  	[dreg:$0x1] =	wrdreg $0xFFFFFFFF  }
0xd7: {  	_ =	task.clear_ibuf [dreg:s22], $0x2FFFF;
	_ =	strace $0x9FFFFFFF  }
0xd8: {  	(tm) =	ssettm $0x7FFFFFFF  }
0xd9: {  	_ =	shalt  }
tec
execute0_lowered:
.L_overlay_start_1:
0x0: {  	(tag) =	ssettag $0x1  }
0x1: {  	s1 =	srdreg.scid;
	s6 =	rddreg [dreg:$0x0]  }
0x2: {  	s0 =	stileid.u32;
	s2 =	rddreg [dreg:$0x1]  }
0x3: {  	s11 =	rddreg [dreg:$0x2];
	s3 =	simm.s32 $0x0;
	s17 =	simm.s32 $0x28A0  }
0x4: {  	s18 =	simm.s32 $0x50A0;
	s19 =	simm.s32 $0x64A0;
	s4 =	smul.u32 $0x2620, s0  }
0x5: {  	s20 =	simm.s32 $0x6720;
	s21 =	simm.s32 $0x1;
	s8 =	smul.u32 $0x26200, s0  }
0x6: {  	s7 =	sand.u32 $0x1, s1;
	s1 =	rddreg [dreg:$0x3];
	s9 =	smul.u32 $0x13100, s0  }
0x7: {  	s22 =	simm.s32 $0x0;
	[smem:$0x7FF] =	sst s3;
	s5 =	smul.u32 $0x1310, s7  }
0x8: {  	_ =	strace $0x8000004A;
	s10 =	ssub.s32 $0x2, s7;
	s14 =	smul.u32 $0x9880, s7  }
0x9: {  	s16 =	smul.u32 $0x13100, s7;
	s8 =	sadd.s32 s8, s6;
	s9 =	sadd.s32 s9, s6  }
0xa: {  	s15 =	sshrl.u32 s10, $0x1;
	s12 =	sadd.s32 s5, s4;
	s5 =	sadd.s32 $0x4F800, s6  }
0xb: {  	s10 =	ssub.s32 s10, s15;
	s30 =	sadd.s32 s14, s9;
	s31 =	sadd.s32 s16, s8  }
0xc: {  	s14 =	simm.s32 $0x2;
	s15 =	simm.s32 $0x50;
	s16 =	simm.s32 $0xA0  }
0xd: {  	s4 =	sshrl.u32 s12, $0x3;
	s7 =	sadd.s32 $0x6C3C00, s30;
	s9 =	sadd.s32 $0xA7CE00, s31  }
0xe: {  	s13 =	sadd.s32 s4, s6;
	s4 =	sadd.s32 $0x3BE00, s6;
	s6 =	sadd.s32 s12, s6  }
0xf: {  	s8 =	smax.u32 s10, $0x1;
	s10 =	sadd.s32 $0x81AE00, s31;
	s6 =	sadd.s32 $0x7F4C00, s6  }
0x10: {  	s11 =	sadd.s32 s11, s12;
	s12 =	sadd.s32 $0x6BA000, s13;
	s13 =	sadd.s32 $0x6BEE00, s13  }
.LBB2_1:
0x11: {  	[tilespmem:s3], [sflag:$0x2] =	stream.linear.gather [hbm4b:s13+s3], $0x50, $0x38;
	[tilespmem:$0x69A0] =	vst v63  }
0x12: {  	_ =	swait.ge [sflag:s14], $0x50  }
0x13: {  	[sflag:s14] =	ssyncset.done $0x0  }
0x14: {  	[sflag:s14] =	ssyncadd.s32 $0xFFFFFFB0  }
0x15: {  	[tilespmem:s15], [sflag:$0x2] =	stream.linear.gather [hbm4b:s12+s3], $0x50, $0x38;
	[tilespmem:$0x69A0] =	vst v63  }
0x16: {  	_ =	swait.ge [sflag:s14], $0x50  }
0x17: {  	[sflag:s14] =	ssyncset.done $0x0  }
0x18: {  	[sflag:s14] =	ssyncadd.s32 $0xFFFFFFB0  }
0x19: {  	[tilespmem:s16], [sflag:$0x1] =	stream.indirect.gather [hbm4b:s2+s15], $0x80, s3, s15, $0xb8;
	[tilespmem:$0x69A0] =	vst v63  }
0x1a: {  	_ = 	snop  }
0x1b: {  	[tilespmem:s17], [sflag:$0x1] =	stream.indirect.gather [hbm4b:s2+s15], $0x80, s15, s15, $0xb8;
	[tilespmem:$0x69A0] =	vst v63  }
0x1c: {  	_ = 	snop  }
0x1d: {  	[tilespmem:s18], [sflag:$0x1] =	stream.indirect.gather [hbm4b:s4+s15], $0x40, s3, s15, $0xb8;
	[tilespmem:$0x69A0] =	vst v63  }
0x1e: {  	_ = 	snop  }
0x1f: {  	[tilespmem:s19], [sflag:$0x1] =	stream.indirect.gather [hbm4b:s5+s15], $0x8, s3, s15, $0xb8;
	[tilespmem:$0x69A0] =	vst v63  }
0x20: {  	_ = 	snop  }
0x21: {  	[tilespmem:s20], [sflag:$0x1] =	stream.indirect.gather [hbm4b:s5+s15], $0x8, s15, s15, $0xb8;
	[tilespmem:$0x69A0] =	vst v63  }
0x22: {  	_ =	swait.ge [sflag:s21], $0x2800  }
0x23: {  	[sflag:s21] =	ssyncset.done $0x0  }
0x24: {  	[sflag:s21] =	ssyncadd.s32 $0xFFFFD800  }
0x25: {  	_ =	swait.ge [sflag:s21], $0x2800  }
0x26: {  	[sflag:s21] =	ssyncset.done $0x0  }
0x27: {  	[sflag:s21] =	ssyncadd.s32 $0xFFFFD800  }
0x28: {  	_ =	swait.ge [sflag:s21], $0x1400  }
0x29: {  	[sflag:s21] =	ssyncset.done $0x0  }
0x2a: {  	[sflag:s21] =	ssyncadd.s32 $0xFFFFEC00  }
0x2b: {  	_ =	swait.ge [sflag:s21], $0x280  }
0x2c: {  	[sflag:s21] =	ssyncset.done $0x0  }
0x2d: {  	[sflag:s21] =	ssyncadd.s32 $0xFFFFFD80  }
0x2e: {  	_ =	swait.ge [sflag:s21], $0x280  }
0x2f: {  	[sflag:s21] =	ssyncset.done $0x0  }
0x30: {  	[sflag:s21] =	ssyncadd.s32 $0xFFFFFD80  }
0x31: {  	[hbm4b:s10+s3] =	stream.linear.scatter [tilespmem:s16], [sflag:$0x2], $0x2800, $0x38;
	[tilespmem:$0x69A0] =	vst v63  }
0x32: {  	_ =	swait.ge [sflag:s14], $0x2800  }
0x33: {  	[sflag:s14] =	ssyncset.done $0x0  }
0x34: {  	[sflag:s14] =	ssyncadd.s32 $0xFFFFD800  }
0x35: {  	[hbm4b:s9+s3] =	stream.linear.scatter [tilespmem:s17], [sflag:$0x2], $0x2800, $0x38;
	[tilespmem:$0x69A0] =	vst v63  }
0x36: {  	_ =	swait.ge [sflag:s14], $0x2800  }
0x37: {  	[sflag:s14] =	ssyncset.done $0x0  }
0x38: {  	[sflag:s14] =	ssyncadd.s32 $0xFFFFD800  }
0x39: {  	[hbm4b:s7+s3] =	stream.linear.scatter [tilespmem:s18], [sflag:$0x2], $0x1400, $0x38;
	[tilespmem:$0x69A0] =	vst v63  }
0x3a: {  	_ =	swait.ge [sflag:s14], $0x1400  }
0x3b: {  	[sflag:s14] =	ssyncset.done $0x0  }
0x3c: {  	s23 =	sadd.s32 $0x0, s11;
	[sflag:s14] =	ssyncadd.s32 $0xFFFFEC00  }
0x3d: {  	[hbm4b:s23+s3] =	stream.linear.scatter [tilespmem:s19], [sflag:$0x2], $0x280, $0x38;
	[tilespmem:$0x69A0] =	vst v63  }
0x3e: {  	_ =	swait.ge [sflag:s14], $0x280  }
0x3f: {  	s31 =	sadd.s32 $0x0, s6;
	[sflag:s14] =	ssyncset.done $0x0  }
0x40: {  	s24 =	sadd.s32 $0xA, s13;
	s25 =	sadd.s32 $0x500, s10;
	[sflag:s14] =	ssyncadd.s32 $0xFFFFFD80  }
0x41: {  	[hbm4b:s31+s3] =	stream.linear.scatter [tilespmem:s20], [sflag:$0x2], $0x280, $0x38;
	[tilespmem:$0x69A0] =	vst v63  }
0x42: {  	s26 =	sadd.s32 $0xA, s12;
	s28 =	smov.u32 s7;
	_ =	swait.ge [sflag:s14], $0x280  }
0x43: {  	s29 =	smov.u32 s9;
	s23 =	simm.s32 $0x50;
	[sflag:s14] =	ssyncset.done $0x0  }
.LBB2_2:
0x44: {  	[sflag:s14] =	ssyncadd.s32 $0xFFFFFD80  }
0x45: {  	s28 =	sadd.s32 $0x280, s28;
	s29 =	sadd.s32 $0x500, s29;
	s30 =	smov.u32 s23  }
0x46: {  	[tilespmem:s3], [sflag:$0x2] =	stream.linear.gather [hbm4b:s24+s3], $0x50, $0x38;
	[tilespmem:$0x69A0] =	vst v63  }
0x47: {  	p0 =	sne.s32 s23, $0x12C0;
	s23 =	sadd.s32 $0x50, s23;
	_ =	swait.ge [sflag:s14], $0x50  }
0x48: {  	[sflag:s14] =	ssyncset.done $0x0  }
0x49: {  	[sflag:s14] =	ssyncadd.s32 $0xFFFFFFB0  }
0x4a: {  	[tilespmem:s15], [sflag:$0x2] =	stream.linear.gather [hbm4b:s26+s3], $0x50, $0x38;
	[tilespmem:$0x69A0] =	vst v63  }
0x4b: {  	_ =	swait.ge [sflag:s14], $0x50  }
0x4c: {  	[sflag:s14] =	ssyncset.done $0x0  }
0x4d: {  	[sflag:s14] =	ssyncadd.s32 $0xFFFFFFB0  }
0x4e: {  	[tilespmem:s16], [sflag:$0x1] =	stream.indirect.gather [hbm4b:s2+s15], $0x80, s3, s15, $0xb8;
	[tilespmem:$0x69A0] =	vst v63  }
0x4f: {  	_ = 	snop  }
0x50: {  	[tilespmem:s17], [sflag:$0x1] =	stream.indirect.gather [hbm4b:s2+s15], $0x80, s15, s15, $0xb8;
	[tilespmem:$0x69A0] =	vst v63  }
0x51: {  	_ = 	snop  }
0x52: {  	[tilespmem:s18], [sflag:$0x1] =	stream.indirect.gather [hbm4b:s4+s15], $0x40, s3, s15, $0xb8;
	[tilespmem:$0x69A0] =	vst v63  }
0x53: {  	_ = 	snop  }
0x54: {  	[tilespmem:s19], [sflag:$0x1] =	stream.indirect.gather [hbm4b:s5+s15], $0x8, s3, s15, $0xb8;
	[tilespmem:$0x69A0] =	vst v63  }
0x55: {  	_ = 	snop  }
0x56: {  	[tilespmem:s20], [sflag:$0x1] =	stream.indirect.gather [hbm4b:s5+s15], $0x8, s15, s15, $0xb8;
	[tilespmem:$0x69A0] =	vst v63  }
0x57: {  	_ =	swait.ge [sflag:s21], $0x2800  }
0x58: {  	[sflag:s21] =	ssyncset.done $0x0  }
0x59: {  	[sflag:s21] =	ssyncadd.s32 $0xFFFFD800  }
0x5a: {  	_ =	swait.ge [sflag:s21], $0x2800  }
0x5b: {  	[sflag:s21] =	ssyncset.done $0x0  }
0x5c: {  	[sflag:s21] =	ssyncadd.s32 $0xFFFFD800  }
0x5d: {  	_ =	swait.ge [sflag:s21], $0x1400  }
0x5e: {  	[sflag:s21] =	ssyncset.done $0x0  }
0x5f: {  	[sflag:s21] =	ssyncadd.s32 $0xFFFFEC00  }
0x60: {  	_ =	swait.ge [sflag:s21], $0x280  }
0x61: {  	[sflag:s21] =	ssyncset.done $0x0  }
0x62: {  	[sflag:s21] =	ssyncadd.s32 $0xFFFFFD80  }
0x63: {  	_ =	swait.ge [sflag:s21], $0x280  }
0x64: {  	[sflag:s21] =	ssyncset.done $0x0  }
0x65: {  	[sflag:s21] =	ssyncadd.s32 $0xFFFFFD80  }
0x66: {  	[hbm4b:s25+s3] =	stream.linear.scatter [tilespmem:s16], [sflag:$0x2], $0x2800, $0x38;
	[tilespmem:$0x69A0] =	vst v63  }
0x67: {  	_ =	swait.ge [sflag:s14], $0x2800  }
0x68: {  	[sflag:s14] =	ssyncset.done $0x0  }
0x69: {  	[sflag:s14] =	ssyncadd.s32 $0xFFFFD800  }
0x6a: {  	[hbm4b:s29+s3] =	stream.linear.scatter [tilespmem:s17], [sflag:$0x2], $0x2800, $0x38;
	[tilespmem:$0x69A0] =	vst v63  }
0x6b: {  	_ =	swait.ge [sflag:s14], $0x2800  }
0x6c: {  	[sflag:s14] =	ssyncset.done $0x0  }
0x6d: {  	[sflag:s14] =	ssyncadd.s32 $0xFFFFD800  }
0x6e: {  	[hbm4b:s28+s3] =	stream.linear.scatter [tilespmem:s18], [sflag:$0x2], $0x1400, $0x38;
	[tilespmem:$0x69A0] =	vst v63  }
0x6f: {  	_ =	swait.ge [sflag:s14], $0x1400  }
0x70: {  	[sflag:s14] =	ssyncset.done $0x0  }
0x71: {  	s31 =	sadd.s32 s30, s11;
	[sflag:s14] =	ssyncadd.s32 $0xFFFFEC00  }
0x72: {  	[hbm4b:s31+s3] =	stream.linear.scatter [tilespmem:s19], [sflag:$0x2], $0x280, $0x38;
	[tilespmem:$0x69A0] =	vst v63  }
0x73: {  	_ =	swait.ge [sflag:s14], $0x280  }
.Ltmp0:
0x74: {  	[sflag:s14] =	ssyncset.done $0x0;
	(pc) =	sbr.rel @p0 .LBB2_2-.Ltmp0, $4  }
0x75: {  	s30 =	sadd.s32 s30, s6;
	[sflag:s14] =	ssyncadd.s32 $0xFFFFFD80  }
0x76: {  	[hbm4b:s30+s3] =	stream.linear.scatter [tilespmem:s20], [sflag:$0x2], $0x280, $0x38;
	[tilespmem:$0x69A0] =	vst v63  }
0x77: {  	s24 =	sadd.s32 $0xA, s24;
	_ =	swait.ge [sflag:s14], $0x280  }
0x78: {  	s26 =	sadd.s32 $0xA, s26;
	s25 =	sadd.s32 $0x500, s25;
	[sflag:s14] =	ssyncset.done $0x0  }
0x79: {  	s22 =	sadd.s32 $0x1, s22  }
0x7a: {  	p0 =	sne.s32 s22, s8  }
.Ltmp1:
0x7b: {  	_ = 	snop;
	(pc) =	sbr.rel @p0 .LBB2_1-.Ltmp1, $2  }
0x7c: {  	_ =	sdelay $0x2  }
0x7d: {  	[sflag:s14] =	ssyncadd.s32 $0xFFFFFD80  }
0x7e: {  	_ =	sfence.sel $0x180000  }
0x7f: {  	[bflag:$0x0] =	sbarrier.arrive $0xFFFF  }
0x80: {  	p0 =	sne.s32 s0, $0x0;
	_ =	strace $0x9000004A  }
0x81: {  	s0 =	sadd.s32 @!p0 $0x100000, s1;
	[bflag:$0x2] =	sbarrier.arrive $0xFFFF  }
0x82: {  	[sflag:s0] =	ssyncadd.tile.s32 @!p0 $0x1;
	_ =	shalt  }
.Lfunc_end2:
_tile_overlayer_lowered:
.L_overlay_start_2:
0x83: {  	(tag) =	ssettag $0x2  }
0x84: {  	s0 =	rddreg [dreg:$0x0];
	s2 =	stileid.u32  }
0x85: {  	s1 =	rddreg [dreg:$0x1];
	p0 =	sne.s32 s2, $0x0  }
0x86: {  	s3 =	rddreg [dreg:$0x2];
	[bflag:$0x3] =	sbarrier.arrive $0xFFFF;
	s2 =	simm.s32 @!p0 $0x1C02  }
0x87: {  	[timem:s3], [sflag:s2] =	dma.local @!p0 [hbm:s0], s1  }
0x88: {  	s0 =	simm.s32 @!p0 $0x2  }
0x89: {  	_ =	swait.ge @!p0 [sflag:s0], s1  }
0x8a: {  	s1 =	ssub.s32 @!p0 $0x0, s1;
	[sflag:s0] =	ssyncset.done @!p0 $0x0  }
0x8b: {  	[sflag:s0] =	ssyncadd.s32 @!p0 s1  }
0x8c: {  	[bflag:$0x3] =	sbarrier.arrive $0xFFFF  }
0x8d: {  	_ =	shalt  }

// kernel: kernel.23.cloned.1.call-start
scs
__scs_entry_jumppad:
0x0: {  	(pc) =	sbr.rel $0x88, $3  }
0x1: {  	(tag) =	ssettag $0x0;
	lr =	simm.s32 $0x1  }
0x2: {  	[smem:$0x3F81] =	sst lr;
	_ =	strace $0xD0000000  }
0x3: {  	_ = 	snop  }
0x4: {  	_ = 	snop  }
0x5: {  	_ = 	snop  }
0x6: {  	_ = 	snop  }
0x7: {  	_ = 	snop  }
__scs_overlays_trampoline_lowered:
0x8: {  	[smem:$0x3F90] =	sst s0  }
0x9: {  	[smem:$0x3F91] =	sst s1  }
0xa: {  	[smem:$0x3F92] =	sst s2  }
0xb: {  	[smem:$0x3F93] =	sst s3  }
0xc: {  	[smem:$0x3F94] =	sst s4  }
0xd: {  	[smem:$0x3F95] =	sst s5  }
0xe: {  	[smem:$0x3F96] =	sst s6  }
0xf: {  	[smem:$0x3F97] =	sst s7  }
0x10: {  	[smem:$0x3F98] =	sst s8  }
0x11: {  	[smem:$0x3F99] =	sst s9;
	s0 =	simm.s32 @!p0 $0x0  }
0x12: {  	s1 =	sld [smem:$0x3F7F];
	s0 =	simm.s32 @p0 $0x1  }
0x13: {  	[smem:$0x3F9A] =	sst s0;
	s0 =	simm.s32 @!p1 $0x0  }
0x14: {  	s2 =	sld [smem:$0x3F7E];
	s0 =	simm.s32 @p1 $0x1  }
0x15: {  	[smem:$0x3F9B] =	sst s0;
	s0 =	simm.s32 @!p2 $0x0  }
0x16: {  	s3 =	sld [smem:$0x3FDB];
	s0 =	simm.s32 @p2 $0x1  }
0x17: {  	s4 =	simm.s32 $0x1BF5;
	[smem:$0x3F9D] =	sst s0  }
0x18: {  	s0 =	sld [smem:$0x3F80];
	_ =	swait.ge [sflag:s4], $0x0  }
0x19: {  	s7 =	sld [smem:$0x3F81]  }
0x1a: {  	s8 =	sadd.s32 $0xFFFFE003, lr  }
0x1b: {  	s9 =	sadd.s32 $0xFFFFFEF7, lr;
	s5 =	simm.s32 $0xFFFFFFFF;
	p2 =	slt.u32 s8, $0xFFFFF086  }
0x1c: {  	p1 =	slt.u32 s9, $0xF7A;
	s5 =	simm.s32 @!p2 $0x0  }
0x1d: {  	s5 =	simm.s32 @p1 $0x1;
	p0 =	seq.s32 s7, s2  }
0x1e: {  	s7 =	smul.u32 @!p0 $0xF7A, s2;
	p2 =	seq.s32 @!p0 s5, $0x0  }
0x1f: {  	s9 =	smul.u32 $0xF7A, s1;
	s8 =	simm.s32 @!p0 $0x1BF5;
	p2 =	por !p2, p0  }
0x20: {  	[sflag:s8] =	ssyncset.s32 @!p0 $0xFFFFF086;
	s6 =	sadd.s32 @!p0 s3, s7;
	s7 =	simm.s32 @!p0 $0x108  }
0x21: {  	s3 =	sadd.s32 s3, s9;
	s6 =	sadd.s32 @!p0 $0x88, s6;
	s7 =	simm.s32 @p2 $0x1082  }
0x22: {  	[simem:s7], [sflag:s8] =	dma.local @!p0 [hbm:s6], $0xF7A  }
0x23: {  	s9 =	sor.u32 $0xD0000000, s2;
	s6 =	simm.s32 $0x108;
	_ =	swait.ge @!p0 [sflag:s8], $0x0  }
0x24: {  	s3 =	sadd.s32 $0x88, s3;
	s6 =	simm.s32 @!p1 $0x1082;
	[sflag:s4] =	ssyncset.s32 $0xFFFFF086  }
0x25: {  	[simem:s6], [sflag:s4] =	dma.local [hbm:s3], $0xF7A  }
0x26: {  	[smem:$0x3F81] =	sst s1;
	(tag) =	ssettag s2;
	_ =	strace s9  }
0x27: {  	s1 =	sld [smem:$0x3F91]  }
0x28: {  	s2 =	sld [smem:$0x3F92]  }
0x29: {  	s4 =	sld [smem:$0x3F94]  }
0x2a: {  	p0 =	seq.s32 s5, $0x0;
	s5 =	sld [smem:$0x3F95]  }
0x2b: {  	s6 =	sld [smem:$0x3F96]  }
0x2c: {  	s7 =	sld [smem:$0x3F97]  }
0x2d: {  	s3 =	simm.s32 $0x108;
	s8 =	sld [smem:$0x3F98]  }
0x2e: {  	s3 =	simm.s32 @!p0 $0x1082;
	s9 =	sld [smem:$0x3F99]  }
0x2f: {  	lr =	sadd.s32 s0, s3;
	s0 =	sld [smem:$0x3F90]  }
0x30: {  	s3 =	sld [smem:$0x3F93]  }
0x31: {  	[smem:$0x3F9C] =	sst s10  }
0x32: {  	s10 =	sld [smem:$0x3F9A];
	_ =	sdelay $0x3  }
0x33: {  	p0 =	seq.s32 s10, $0x1;
	s10 =	sld [smem:$0x3F9C];
	_ =	sdelay $0x3  }
0x34: {  	[smem:$0x3F9C] =	sst s10  }
0x35: {  	s10 =	sld [smem:$0x3F9B];
	_ =	sdelay $0x3  }
0x36: {  	p1 =	seq.s32 s10, $0x1;
	s10 =	sld [smem:$0x3F9C];
	_ =	sdelay $0x3  }
0x37: {  	[smem:$0x3F9C] =	sst s10  }
0x38: {  	s10 =	sld [smem:$0x3F9D]  }
0x39: {  	_ = 	snop;
	(pc) =	sbr.ind lr, $3  }
0x3a: {  	_ = 	snop  }
0x3b: {  	_ = 	snop  }
0x3c: {  	p2 =	seq.s32 s10, $0x1;
	s10 =	sld [smem:$0x3F9C]  }
0x3d: {  	_ =	shalt  }
0x3e: {  	_ =	shalt  }
0x3f: {  	_ =	shalt  }
0x40: {  	_ =	shalt  }
0x41: {  	_ =	shalt  }
0x42: {  	_ =	shalt  }
0x43: {  	_ =	shalt  }
0x44: {  	_ =	shalt  }
0x45: {  	_ =	shalt  }
0x46: {  	_ =	shalt  }
0x47: {  	_ =	shalt  }
0x48: {  	_ =	shalt  }
0x49: {  	_ =	shalt  }
0x4a: {  	_ =	shalt  }
0x4b: {  	_ =	shalt  }
0x4c: {  	_ =	shalt  }
0x4d: {  	_ =	shalt  }
0x4e: {  	_ =	shalt  }
0x4f: {  	_ =	shalt  }
0x50: {  	_ =	shalt  }
0x51: {  	_ =	shalt  }
0x52: {  	_ =	shalt  }
0x53: {  	_ =	shalt  }
0x54: {  	_ =	shalt  }
0x55: {  	_ =	shalt  }
0x56: {  	_ =	shalt  }
0x57: {  	_ =	shalt  }
0x58: {  	_ =	shalt  }
0x59: {  	_ =	shalt  }
0x5a: {  	_ =	shalt  }
0x5b: {  	_ =	shalt  }
0x5c: {  	_ =	shalt  }
0x5d: {  	_ =	shalt  }
0x5e: {  	_ =	shalt  }
0x5f: {  	_ =	shalt  }
0x60: {  	_ =	shalt  }
0x61: {  	_ =	shalt  }
0x62: {  	_ =	shalt  }
0x63: {  	_ =	shalt  }
0x64: {  	_ =	shalt  }
0x65: {  	_ =	shalt  }
0x66: {  	_ =	shalt  }
0x67: {  	_ =	shalt  }
0x68: {  	_ =	shalt  }
0x69: {  	_ =	shalt  }
0x6a: {  	_ =	shalt  }
0x6b: {  	_ =	shalt  }
0x6c: {  	_ =	shalt  }
0x6d: {  	_ =	shalt  }
0x6e: {  	_ =	shalt  }
0x6f: {  	_ =	shalt  }
0x70: {  	_ =	shalt  }
0x71: {  	_ =	shalt  }
0x72: {  	_ =	shalt  }
0x73: {  	_ =	shalt  }
0x74: {  	_ =	shalt  }
0x75: {  	_ =	shalt  }
0x76: {  	_ =	shalt  }
0x77: {  	_ =	shalt  }
0x78: {  	_ =	shalt  }
0x79: {  	_ =	shalt  }
0x7a: {  	_ =	shalt  }
0x7b: {  	_ =	shalt  }
0x7c: {  	_ =	shalt  }
0x7d: {  	_ =	shalt  }
0x7e: {  	_ =	shalt  }
0x7f: {  	_ =	shalt  }
0x80: {  	_ =	shalt  }
0x81: {  	_ =	shalt  }
0x82: {  	_ =	shalt  }
0x83: {  	_ =	shalt  }
0x84: {  	_ =	shalt  }
0x85: {  	_ =	shalt  }
0x86: {  	_ =	shalt  }
0x87: {  	_ =	shalt  }
.Lfunc_end0:
.L_simem_size_0:
called_computation.3_lowered:
.L_overlay_start_0:
0x88: {  	s2 =	sld [smem:$0x3FD9]  }
0x89: {  	s3 =	sld [smem:$0x3FFE];
	_ =	sdelay $0x1  }
0x8a: {  	s1 =	srdreg.scid  }
0x8b: {  	s0 =	sand.u32 $0x1, s1  }
0x8c: {  	s15 =	sshll.u32 s0, $0xA;
	s2 =	sadd.s32 s3, s2  }
0x8d: {  	s2 =	sadd.s32 s2, s15  }
0x8e: {  	[smem:$0x3FA8] =	sst s2  }
0x8f: {  	_ = 	snop  }
0x90: {  	s2 =	sld [smem:$0x3FD0];
	_ =	sdelay $0x2  }
0x91: {  	s16 =	simm.s32 $0xB;
	s4 =	simm.s32 $0x10  }
0x92: {  	[smem:s4], [sflag:s16] =	dma.local [hbm:s2], $0x1  }
0x93: {  	_ =	swait.eq [sflag:s16], $0x1  }
0x94: {  	[sflag:s16] =	ssyncset.done $0x0  }
0x95: {  	[sflag:s16] =	ssyncadd.s32 $0xFFFFFFFF  }
0x96: {  	s17 =	sld [smem:$0x11];
	(tm) =	ssettm $0x1  }
0x97: {  	s18 =	sld [smem:$0x3FFB];
	_ =	sdelay $0x3  }
0x98: {  	_ =	strace s18  }
0x99: {  	s2 =	sld [smem:$0x3FFC];
	_ =	sdelay $0x3  }
0x9a: {  	_ =	strace s2  }
0x9b: {  	s2 =	sld [smem:$0x3FFD];
	_ =	sdelay $0x3  }
0x9c: {  	_ =	strace s2  }
0x9d: {  	_ =	strace $0x8FFFFFFF  }
0x9e: {  	s19 =	sld [smem:$0x3FDB];
	_ =	sdelay $0x1  }
0x9f: {  	s20 =	simm.s32 $_scs_section_size  }
0xa0: {  	s5 =	simm.s32 $_size__tile_overlayer_lowered;
	s6 =	simm.s32 $_tile_overlayer_lowered  }
0xa1: {  	s7 =	simm.s32 $0x1BFF;
	s21 =	sshll.u32 s6, $0x1;
	s4 =	sadd.s32 s20, s19  }
0xa2: {  	s22 =	simm.s32 $0x0;
	s5 =	sshll.u32 s5, $0x1;
	s6 =	sadd.s32 s21, s4  }
0xa3: {  	[timem:s22], [sflag:s7] =	dma.local [hbm:s6], s5  }
0xa4: {  	_ =	swait.ge [sflag:s7], s5  }
0xa5: {  	s5 =	ssub.s32 $0x0, s5;
	[sflag:s7] =	ssyncset.done $0x0  }
0xa6: {  	[sflag:s7] =	ssyncadd.s32 s5;
	_ =	sdelay $0x1  }
0xa7: {  	s23 =	simm.s32 $0x1B8B  }
0xa8: {  	_ =	swait.ge [sflag:s23], $0x1  }
0xa9: {  	[sflag:s23] =	ssyncset.done $0x0  }
0xaa: {  	[sflag:s23] =	ssyncadd.s32 $0xFFFFFFFF  }
0xab: {  	s5 =	sld [smem:$0x0]  }
0xac: {  	s6 =	sand.u32 $0xFFFFFFFE, s1  }
0xad: {  	p0 =	sne.s32 s1, s6  }
0xae: {  	s6 =	sshll.u32 @p0 s6, $0xE  }
0xaf: {  	s6 =	sadd.s32 @p0 $0x11B8D, s6;
	s7 =	sshll.u32 @p0 s5, $0x11  }
0xb0: {  	s6 =	sor.u32 @p0 s7, s6  }
0xb1: {  	[sflag:s6] =	ssyncadd.remote.s32 @p0 $0x1;
	_ =	sdelay $0x1  }
0xb2: {  	s6 =	simm.s32 @p0 $0x1B8D  }
0xb3: {  	_ =	swait.eq @p0 [sflag:s6], $0x1  }
0xb4: {  	[sflag:s6] =	ssyncadd.s32 @p0 $0xFFFFFFFF  }
0xb5: {  	s7 =	sshll.u32 @!p0 s1, $0xE  }
0xb6: {  	s7 =	sor.u32 @!p0 $0x4000, s7;
	s6 =	simm.s32 @!p0 $0x1B8D  }
0xb7: {  	s5 =	sshll.u32 @!p0 s5, $0x11;
	s7 =	sadd.s32 @!p0 $0x11B8D, s7;
	_ =	swait.eq @!p0 [sflag:s6], $0x1  }
0xb8: {  	s5 =	sor.u32 @!p0 s5, s7;
	[sflag:s6] =	ssyncadd.s32 @!p0 $0xFFFFFFFF  }
0xb9: {  	s25 =	simm.s32 $0x1B8E;
	s24 =	sld [smem:$0x3FFE];
	[sflag:s5] =	ssyncadd.remote.s32 @!p0 $0x1  }
0xba: {  	s26 =	simm.s32 $execute0_lowered;
	[smem:$0x3FD2] =	sst s25  }
0xbb: {  	s6 =	sshll.u32 s26, $0x1;
	_ =	strace $0x8000004F;
	[dreg:$0x1] =	wrdreg $0xFFFFFFFF  }
0xbc: {  	s28 =	simm.s32 $_size_execute0_lowered;
	s4 =	sadd.s32 s4, s6;
	[dreg:$0x0] =	wrdreg $0x0  }
0xbd: {  	s6 =	sshll.u32 s28, $0x1;
	[dreg:$0x2] =	wrdreg s4  }
0xbe: {  	[dreg:$0x3] =	wrdreg s6  }
0xbf: {  	[dreg:$0x4] =	wrdreg $0xC0  }
0xc0: {  	_ =	task [dreg:s22], $0x5FFFF  }
0xc1: {  	[dreg:$0x1] =	wrdreg $0xFFFFFFFF  }
0xc2: {  	[dreg:$0x0] =	wrdreg $0x60  }
0xc3: {  	[dreg:$0x2] =	wrdreg s24  }
0xc4: {  	[dreg:$0x3] =	wrdreg s17  }
0xc5: {  	[dreg:$0x4] =	wrdreg $0x7D00  }
0xc6: {  	[dreg:$0x5] =	wrdreg $0xA  }
0xc7: {  	_ =	task.clear_ibuf [dreg:s22], $0x6FFFF;
	_ =	strace $0x9000004F  }
0xc8: {  	s29 =	simm.s32 $0xA;
	_ =	strace $0x80000051  }
0xc9: {  	_ =	swait.ge [sflag:s29], $0x1  }
0xca: {  	[sflag:s29] =	ssyncadd.s32 $0xFFFFFFFF  }
0xcb: {  	_ =	strace $0x90000051  }
0xcc: {  	_ =	sfence  }
0xcd: {  	s30 =	sld [smem:$0x0];
	_ =	sdelay $0x2  }
0xce: {  	s31 =	sshll.u32 s1, $0xD;
	s1 =	sshrl.u32 s1, $0x2  }
0xcf: {  	s4 =	sand.u32 $0x4000, s31;
	s1 =	sadd.s32 s1, s30  }
0xd0: {  	s0 =	sor.u32 s4, s0;
	s1 =	sshll.u32 s1, $0x11  }
0xd1: {  	s0 =	sor.u32 s1, s0  }
0xd2: {  	s0 =	sadd.s32 $0x8F2B, s0  }
0xd3: {  	[sflag:s0] =	ssyncadd.remote.s32 $0x1  }
0xd4: {  	_ =	sfence.sel $0xFFFF  }
0xd5: {  	[dreg:$0x0] =	wrdreg $0xFFFFFFFF;
	(pc) =	sbr.abs _section_cstart, $3  }
0xd6: {  	[dreg:$0x1] =	wrdreg $0xFFFFFFFF  }
0xd7: {  	_ =	task.clear_ibuf [dreg:s22], $0x2FFFF;
	_ =	strace $0x9FFFFFFF  }
0xd8: {  	(tm) =	ssettm $0x7FFFFFFF  }
0xd9: {  	_ =	shalt  }
tec
execute0_lowered:
.L_overlay_start_1:
0x0: {  	(tag) =	ssettag $0x1  }
0x1: {  	s0 =	stileid.u32  }
0x2: {  	s4 =	rddreg [dreg:$0x0];
	s7 =	smul.u32 $0x2620, s0  }
0x3: {  	s1 =	srdreg.scid;
	s25 =	smul.u32 $0x7260, s0  }
0x4: {  	s6 =	rddreg [dreg:$0x1];
	s9 =	smul.u32 $0x3A98, s0  }
0x5: {  	s2 =	rddreg [dreg:$0x2];
	s5 =	sand.u32 $0x1, s1;
	s13 =	smul.u32 $0x753, s0  }
0x6: {  	s3 =	simm.s32 $0x0;
	s1 =	rddreg [dreg:$0x3];
	s8 =	smul.u32 $0x1310, s5  }
0x7: {  	[smem:$0x7FF] =	sst s3;
	s30 =	sshll.u32 s0, $0x6;
	s28 =	smul.u32 $0x7530, s5  }
0x8: {  	_ =	strace $0x80000050;
	s26 =	ssub.s32 $0x2, s5;
	s14 =	smul.u32 $0x3930, s5  }
0x9: {  	s5 =	sor.u32 $0x1C01, s30;
	s11 =	sshrl.u32 s9, $0x3;
	s12 =	sshrl.u32 s26, $0x1  }
0xa: {  	s29 =	sadd.s32 s9, s2;
	s7 =	sadd.s32 s8, s7;
	s8 =	sadd.s32 s25, s4  }
0xb: {  	s31 =	sadd.s32 s13, s28;
	s13 =	simm.s32 $0x0;
	s7 =	sshrl.u32 s7, $0x3  }
0xc: {  	s6 =	sadd.s32 s6, s31;
	s8 =	sadd.s32 s14, s8;
	s10 =	sadd.s32 s7, s4  }
0xd: {  	s4 =	sadd.s32 s11, s4;
	s7 =	ssub.s32 s26, s12;
	s8 =	sadd.s32 $0x52C200, s8  }
0xe: {  	s11 =	simm.s32 $0x1;
	s12 =	simm.s32 $0x50;
	s4 =	sadd.s32 $0x52000, s4  }
0xf: {  	s7 =	smax.u32 s7, $0x1;
	s9 =	sadd.s32 $0x6BA000, s10;
	s10 =	sshrl.u32 s29, $0x3  }
.LBB2_1:
0x10: {  	[spmem:s10], [sflag:s5] =	dma.local [hbm:s4], $0x753  }
0x11: {  	_ =	swait.ge [sflag:s11], $0x753  }
0x12: {  	[sflag:s11] =	ssyncset.done $0x0  }
0x13: {  	[sflag:s11] =	ssyncadd.s32 $0xFFFFF8AD  }
0x14: {  	s14 =	sadd.s32 $0x0, s9;
	[bflag:$0x0] =	sbarrier.arrive $0xFFFF  }
0x15: {  	[tilespmem:s3], [sflag:$0x1] =	stream.linear.gather [hbm4b:s14+s3], $0x50, $0x38;
	[tilespmem:$0x4268] =	vst v63  }
0x16: {  	_ =	swait.ge [sflag:s11], $0x50  }
0x17: {  	[sflag:s11] =	ssyncset.done $0x0  }
0x18: {  	[sflag:s11] =	ssyncadd.s32 $0xFFFFFFB0  }
0x19: {  	[tilespmem:s12], [sflag:$0x1] =	stream.linear.gather [hbm4b:s8+s3], $0x780, $0x38;
	[tilespmem:$0x4268] =	vst v63  }
0x1a: {  	_ =	swait.ge [sflag:s11], $0x780  }
0x1b: {  	[sflag:s11] =	ssyncset.done $0x0  }
0x1c: {  	[sflag:s11] =	ssyncadd.s32 $0xFFFFF880  }
0x1d: {  	[spmem:s2] =	stream.indirect.scatter.add.f32 [tilespmem:s12], [sflag:$0x1], $0x18, s3, s12, $0xb8;
	[tilespmem:$0x4268] =	vst v63  }
0x1e: {  	s15 =	simm.s32 $0xA;
	_ =	swait.ge [sflag:s11], $0x780  }
0x1f: {  	s16 =	simm.s32 $0x14;
	s14 =	sadd.s32 $0xF0, s8;
	[sflag:s11] =	ssyncset.done $0x0  }
.LBB2_2:
0x20: {  	s17 =	sadd.s32 s15, s9  }
0x21: {  	[sflag:s11] =	ssyncadd.s32 $0xFFFFF880;
	s15 =	smov.u32 s16;
	s18 =	sadd.s32 $0xA, s16  }
0x22: {  	[tilespmem:s3], [sflag:$0x1] =	stream.linear.gather [hbm4b:s17+s3], $0x50, $0x38;
	[tilespmem:$0x4268] =	vst v63  }
0x23: {  	p0 =	sne.s32 s16, $0x258;
	_ =	swait.ge [sflag:s11], $0x50  }
0x24: {  	[sflag:s11] =	ssyncset.done $0x0  }
0x25: {  	[sflag:s11] =	ssyncadd.s32 $0xFFFFFFB0  }
0x26: {  	[tilespmem:s12], [sflag:$0x1] =	stream.linear.gather [hbm4b:s14+s3], $0x780, $0x38;
	[tilespmem:$0x4268] =	vst v63  }
0x27: {  	_ =	swait.ge [sflag:s11], $0x780  }
.Ltmp0:
0x28: {  	[sflag:s11] =	ssyncset.done $0x0;
	(pc) =	sbr.rel @p0 .LBB2_2-.Ltmp0, $4  }
0x29: {  	[sflag:s11] =	ssyncadd.s32 $0xFFFFF880  }
0x2a: {  	[spmem:s2] =	stream.indirect.scatter.add.f32 [tilespmem:s12], [sflag:$0x1], $0x18, s3, s12, $0xb8;
	[tilespmem:$0x4268] =	vst v63  }
0x2b: {  	_ =	swait.ge [sflag:s11], $0x780  }
0x2c: {  	s16 =	smov.u32 s18;
	s14 =	sadd.s32 $0xF0, s14;
	[sflag:s11] =	ssyncset.done $0x0  }
0x2d: {  	s15 =	sadd.s32 s15, s9;
	[sflag:s11] =	ssyncadd.s32 $0xFFFFF880  }
0x2e: {  	[tilespmem:s3], [sflag:$0x1] =	stream.linear.gather [hbm4b:s15+s3], $0x50, $0x38;
	[tilespmem:$0x4268] =	vst v63  }
0x2f: {  	_ =	swait.ge [sflag:s11], $0x50  }
0x30: {  	[sflag:s11] =	ssyncset.done $0x0  }
0x31: {  	[sflag:s11] =	ssyncadd.s32 $0xFFFFFFB0  }
0x32: {  	[tilespmem:s12], [sflag:$0x1] =	stream.linear.gather [hbm4b:s14+s3], $0x780, $0x38;
	[tilespmem:$0x4268] =	vst v63  }
0x33: {  	_ =	swait.ge [sflag:s11], $0x780  }
0x34: {  	[sflag:s11] =	ssyncset.done $0x0  }
0x35: {  	[sflag:s11] =	ssyncadd.s32 $0xFFFFF880  }
0x36: {  	[spmem:s2] =	stream.indirect.scatter.add.f32 [tilespmem:s12], [sflag:$0x1], $0x18, s3, s12, $0xb8;
	[tilespmem:$0x4268] =	vst v63  }
0x37: {  	_ =	swait.ge [sflag:s11], $0x780  }
0x38: {  	s13 =	sadd.s32 $0x1, s13;
	[sflag:s11] =	ssyncset.done $0x0  }
0x39: {  	p0 =	sne.s32 s13, s7;
	[sflag:s11] =	ssyncadd.s32 $0xFFFFF880  }
.Ltmp1:
0x3a: {  	[bflag:$0x0] =	sbarrier.arrive $0xFFFF;
	(pc) =	sbr.rel @p0 .LBB2_1-.Ltmp1, $4  }
0x3b: {  	[hbm:s6], [sflag:s5] =	dma.local [spmem:s10], $0x753  }
0x3c: {  	_ =	swait.ge [sflag:s11], $0x753  }
0x3d: {  	[sflag:s11] =	ssyncset.done $0x0  }
0x3e: {  	[sflag:s11] =	ssyncadd.s32 $0xFFFFF8AD  }
0x3f: {  	_ =	sfence.sel $0x180000  }
0x40: {  	[bflag:$0x0] =	sbarrier.arrive $0xFFFF  }
0x41: {  	p0 =	sne.s32 s0, $0x0;
	_ =	strace $0x90000050  }
0x42: {  	s0 =	sadd.s32 @!p0 $0x100000, s1;
	[bflag:$0x2] =	sbarrier.arrive $0xFFFF  }
0x43: {  	[sflag:s0] =	ssyncadd.tile.s32 @!p0 $0x1;
	_ =	shalt  }
.Lfunc_end2:
_tile_overlayer_lowered:
.L_overlay_start_2:
0x44: {  	(tag) =	ssettag $0x2  }
0x45: {  	s0 =	rddreg [dreg:$0x0];
	s2 =	stileid.u32  }
0x46: {  	s1 =	rddreg [dreg:$0x1];
	p0 =	sne.s32 s2, $0x0  }
0x47: {  	s3 =	rddreg [dreg:$0x2];
	[bflag:$0x3] =	sbarrier.arrive $0xFFFF;
	s2 =	simm.s32 @!p0 $0x1C01  }
0x48: {  	[timem:s3], [sflag:s2] =	dma.local @!p0 [hbm:s0], s1  }
0x49: {  	s0 =	simm.s32 @!p0 $0x1  }
0x4a: {  	_ =	swait.ge @!p0 [sflag:s0], s1  }
0x4b: {  	s1 =	ssub.s32 @!p0 $0x0, s1;
	[sflag:s0] =	ssyncset.done @!p0 $0x0  }
0x4c: {  	[sflag:s0] =	ssyncadd.s32 @!p0 s1  }
0x4d: {  	[bflag:$0x3] =	sbarrier.arrive $0xFFFF  }
0x4e: {  	_ =	shalt  }

// kernel: kernel.26.cloned.1.call-start
scs
__scs_entry_jumppad:
0x0: {  	(pc) =	sbr.rel $0x88, $3  }
0x1: {  	(tag) =	ssettag $0x0;
	lr =	simm.s32 $0x1  }
0x2: {  	[smem:$0x3F81] =	sst lr;
	_ =	strace $0xD0000000  }
0x3: {  	_ = 	snop  }
0x4: {  	_ = 	snop  }
0x5: {  	_ = 	snop  }
0x6: {  	_ = 	snop  }
0x7: {  	_ = 	snop  }
__scs_overlays_trampoline_lowered:
0x8: {  	[smem:$0x3F90] =	sst s0  }
0x9: {  	[smem:$0x3F91] =	sst s1  }
0xa: {  	[smem:$0x3F92] =	sst s2  }
0xb: {  	[smem:$0x3F93] =	sst s3  }
0xc: {  	[smem:$0x3F94] =	sst s4  }
0xd: {  	[smem:$0x3F95] =	sst s5  }
0xe: {  	[smem:$0x3F96] =	sst s6  }
0xf: {  	[smem:$0x3F97] =	sst s7  }
0x10: {  	[smem:$0x3F98] =	sst s8  }
0x11: {  	[smem:$0x3F99] =	sst s9;
	s0 =	simm.s32 @!p0 $0x0  }
0x12: {  	s1 =	sld [smem:$0x3F7F];
	s0 =	simm.s32 @p0 $0x1  }
0x13: {  	[smem:$0x3F9A] =	sst s0;
	s0 =	simm.s32 @!p1 $0x0  }
0x14: {  	s2 =	sld [smem:$0x3F7E];
	s0 =	simm.s32 @p1 $0x1  }
0x15: {  	[smem:$0x3F9B] =	sst s0;
	s0 =	simm.s32 @!p2 $0x0  }
0x16: {  	s3 =	sld [smem:$0x3FDB];
	s0 =	simm.s32 @p2 $0x1  }
0x17: {  	s4 =	simm.s32 $0x1BF5;
	[smem:$0x3F9D] =	sst s0  }
0x18: {  	s0 =	sld [smem:$0x3F80];
	_ =	swait.ge [sflag:s4], $0x0  }
0x19: {  	s7 =	sld [smem:$0x3F81]  }
0x1a: {  	s8 =	sadd.s32 $0xFFFFE003, lr  }
0x1b: {  	s9 =	sadd.s32 $0xFFFFFEF7, lr;
	s5 =	simm.s32 $0xFFFFFFFF;
	p2 =	slt.u32 s8, $0xFFFFF086  }
0x1c: {  	p1 =	slt.u32 s9, $0xF7A;
	s5 =	simm.s32 @!p2 $0x0  }
0x1d: {  	s5 =	simm.s32 @p1 $0x1;
	p0 =	seq.s32 s7, s2  }
0x1e: {  	s7 =	smul.u32 @!p0 $0xF7A, s2;
	p2 =	seq.s32 @!p0 s5, $0x0  }
0x1f: {  	s9 =	smul.u32 $0xF7A, s1;
	s8 =	simm.s32 @!p0 $0x1BF5;
	p2 =	por !p2, p0  }
0x20: {  	[sflag:s8] =	ssyncset.s32 @!p0 $0xFFFFF086;
	s6 =	sadd.s32 @!p0 s3, s7;
	s7 =	simm.s32 @!p0 $0x108  }
0x21: {  	s3 =	sadd.s32 s3, s9;
	s6 =	sadd.s32 @!p0 $0x88, s6;
	s7 =	simm.s32 @p2 $0x1082  }
0x22: {  	[simem:s7], [sflag:s8] =	dma.local @!p0 [hbm:s6], $0xF7A  }
0x23: {  	s9 =	sor.u32 $0xD0000000, s2;
	s6 =	simm.s32 $0x108;
	_ =	swait.ge @!p0 [sflag:s8], $0x0  }
0x24: {  	s3 =	sadd.s32 $0x88, s3;
	s6 =	simm.s32 @!p1 $0x1082;
	[sflag:s4] =	ssyncset.s32 $0xFFFFF086  }
0x25: {  	[simem:s6], [sflag:s4] =	dma.local [hbm:s3], $0xF7A  }
0x26: {  	[smem:$0x3F81] =	sst s1;
	(tag) =	ssettag s2;
	_ =	strace s9  }
0x27: {  	s1 =	sld [smem:$0x3F91]  }
0x28: {  	s2 =	sld [smem:$0x3F92]  }
0x29: {  	s4 =	sld [smem:$0x3F94]  }
0x2a: {  	p0 =	seq.s32 s5, $0x0;
	s5 =	sld [smem:$0x3F95]  }
0x2b: {  	s6 =	sld [smem:$0x3F96]  }
0x2c: {  	s7 =	sld [smem:$0x3F97]  }
0x2d: {  	s3 =	simm.s32 $0x108;
	s8 =	sld [smem:$0x3F98]  }
0x2e: {  	s3 =	simm.s32 @!p0 $0x1082;
	s9 =	sld [smem:$0x3F99]  }
0x2f: {  	lr =	sadd.s32 s0, s3;
	s0 =	sld [smem:$0x3F90]  }
0x30: {  	s3 =	sld [smem:$0x3F93]  }
0x31: {  	[smem:$0x3F9C] =	sst s10  }
0x32: {  	s10 =	sld [smem:$0x3F9A];
	_ =	sdelay $0x3  }
0x33: {  	p0 =	seq.s32 s10, $0x1;
	s10 =	sld [smem:$0x3F9C];
	_ =	sdelay $0x3  }
0x34: {  	[smem:$0x3F9C] =	sst s10  }
0x35: {  	s10 =	sld [smem:$0x3F9B];
	_ =	sdelay $0x3  }
0x36: {  	p1 =	seq.s32 s10, $0x1;
	s10 =	sld [smem:$0x3F9C];
	_ =	sdelay $0x3  }
0x37: {  	[smem:$0x3F9C] =	sst s10  }
0x38: {  	s10 =	sld [smem:$0x3F9D]  }
0x39: {  	_ = 	snop;
	(pc) =	sbr.ind lr, $3  }
0x3a: {  	_ = 	snop  }
0x3b: {  	_ = 	snop  }
0x3c: {  	p2 =	seq.s32 s10, $0x1;
	s10 =	sld [smem:$0x3F9C]  }
0x3d: {  	_ =	shalt  }
0x3e: {  	_ =	shalt  }
0x3f: {  	_ =	shalt  }
0x40: {  	_ =	shalt  }
0x41: {  	_ =	shalt  }
0x42: {  	_ =	shalt  }
0x43: {  	_ =	shalt  }
0x44: {  	_ =	shalt  }
0x45: {  	_ =	shalt  }
0x46: {  	_ =	shalt  }
0x47: {  	_ =	shalt  }
0x48: {  	_ =	shalt  }
0x49: {  	_ =	shalt  }
0x4a: {  	_ =	shalt  }
0x4b: {  	_ =	shalt  }
0x4c: {  	_ =	shalt  }
0x4d: {  	_ =	shalt  }
0x4e: {  	_ =	shalt  }
0x4f: {  	_ =	shalt  }
0x50: {  	_ =	shalt  }
0x51: {  	_ =	shalt  }
0x52: {  	_ =	shalt  }
0x53: {  	_ =	shalt  }
0x54: {  	_ =	shalt  }
0x55: {  	_ =	shalt  }
0x56: {  	_ =	shalt  }
0x57: {  	_ =	shalt  }
0x58: {  	_ =	shalt  }
0x59: {  	_ =	shalt  }
0x5a: {  	_ =	shalt  }
0x5b: {  	_ =	shalt  }
0x5c: {  	_ =	shalt  }
0x5d: {  	_ =	shalt  }
0x5e: {  	_ =	shalt  }
0x5f: {  	_ =	shalt  }
0x60: {  	_ =	shalt  }
0x61: {  	_ =	shalt  }
0x62: {  	_ =	shalt  }
0x63: {  	_ =	shalt  }
0x64: {  	_ =	shalt  }
0x65: {  	_ =	shalt  }
0x66: {  	_ =	shalt  }
0x67: {  	_ =	shalt  }
0x68: {  	_ =	shalt  }
0x69: {  	_ =	shalt  }
0x6a: {  	_ =	shalt  }
0x6b: {  	_ =	shalt  }
0x6c: {  	_ =	shalt  }
0x6d: {  	_ =	shalt  }
0x6e: {  	_ =	shalt  }
0x6f: {  	_ =	shalt  }
0x70: {  	_ =	shalt  }
0x71: {  	_ =	shalt  }
0x72: {  	_ =	shalt  }
0x73: {  	_ =	shalt  }
0x74: {  	_ =	shalt  }
0x75: {  	_ =	shalt  }
0x76: {  	_ =	shalt  }
0x77: {  	_ =	shalt  }
0x78: {  	_ =	shalt  }
0x79: {  	_ =	shalt  }
0x7a: {  	_ =	shalt  }
0x7b: {  	_ =	shalt  }
0x7c: {  	_ =	shalt  }
0x7d: {  	_ =	shalt  }
0x7e: {  	_ =	shalt  }
0x7f: {  	_ =	shalt  }
0x80: {  	_ =	shalt  }
0x81: {  	_ =	shalt  }
0x82: {  	_ =	shalt  }
0x83: {  	_ =	shalt  }
0x84: {  	_ =	shalt  }
0x85: {  	_ =	shalt  }
0x86: {  	_ =	shalt  }
0x87: {  	_ =	shalt  }
.Lfunc_end0:
.L_simem_size_0:
called_computation.4_lowered:
.L_overlay_start_0:
0x88: {  	s2 =	sld [smem:$0x3FD9]  }
0x89: {  	s3 =	sld [smem:$0x3FFE];
	_ =	sdelay $0x1  }
0x8a: {  	s1 =	srdreg.scid  }
0x8b: {  	s0 =	sand.u32 $0x1, s1  }
0x8c: {  	s14 =	sshll.u32 s0, $0xA;
	s2 =	sadd.s32 s3, s2  }
0x8d: {  	s2 =	sadd.s32 s2, s14  }
0x8e: {  	[smem:$0x3FA8] =	sst s2  }
0x8f: {  	_ = 	snop  }
0x90: {  	s2 =	sld [smem:$0x3FD0];
	_ =	sdelay $0x2  }
0x91: {  	s15 =	simm.s32 $0xB;
	s4 =	simm.s32 $0x10  }
0x92: {  	[smem:s4], [sflag:s15] =	dma.local [hbm:s2], $0x1  }
0x93: {  	_ =	swait.eq [sflag:s15], $0x1  }
0x94: {  	[sflag:s15] =	ssyncset.done $0x0  }
0x95: {  	[sflag:s15] =	ssyncadd.s32 $0xFFFFFFFF  }
0x96: {  	s16 =	sld [smem:$0x11];
	(tm) =	ssettm $0x1  }
0x97: {  	s17 =	sld [smem:$0x3FFB];
	_ =	sdelay $0x3  }
0x98: {  	_ =	strace s17  }
0x99: {  	s3 =	sld [smem:$0x3FFC];
	_ =	sdelay $0x3  }
0x9a: {  	_ =	strace s3  }
0x9b: {  	s3 =	sld [smem:$0x3FFD];
	_ =	sdelay $0x3  }
0x9c: {  	_ =	strace s3  }
0x9d: {  	_ =	strace $0x8FFFFFFF  }
0x9e: {  	s18 =	sld [smem:$0x3FDB];
	_ =	sdelay $0x1  }
0x9f: {  	s19 =	simm.s32 $_scs_section_size  }
0xa0: {  	s5 =	simm.s32 $_size__tile_overlayer_lowered;
	s6 =	simm.s32 $_tile_overlayer_lowered  }
0xa1: {  	s22 =	simm.s32 $0x1BFF;
	s21 =	sshll.u32 s6, $0x1;
	s3 =	sadd.s32 s19, s18  }
0xa2: {  	s7 =	simm.s32 $0x0;
	s20 =	sshll.u32 s5, $0x1;
	s5 =	sadd.s32 s21, s3  }
0xa3: {  	[timem:s7], [sflag:s22] =	dma.local [hbm:s5], s20  }
0xa4: {  	_ =	swait.ge [sflag:s22], s20  }
0xa5: {  	s4 =	ssub.s32 $0x0, s20;
	[sflag:s22] =	ssyncset.done $0x0  }
0xa6: {  	[sflag:s22] =	ssyncadd.s32 s4;
	_ =	sdelay $0x1  }
0xa7: {  	s23 =	simm.s32 $0x1B8B  }
0xa8: {  	_ =	swait.ge [sflag:s23], $0x1  }
0xa9: {  	[sflag:s23] =	ssyncset.done $0x0  }
0xaa: {  	s25 =	simm.s32 $0x1B8E;
	s24 =	sld [smem:$0x3FFE];
	[sflag:s23] =	ssyncadd.s32 $0xFFFFFFFF  }
0xab: {  	s26 =	simm.s32 $execute0_lowered;
	[smem:$0x3FD2] =	sst s25  }
0xac: {  	s5 =	sshll.u32 s26, $0x1;
	_ =	strace $0x80000052;
	[dreg:$0x1] =	wrdreg $0xFFFFFFFF  }
0xad: {  	s28 =	simm.s32 $_size_execute0_lowered;
	s3 =	sadd.s32 s3, s5;
	[dreg:$0x0] =	wrdreg $0x0  }
0xae: {  	s5 =	sshll.u32 s28, $0x1;
	[dreg:$0x2] =	wrdreg s3  }
0xaf: {  	[dreg:$0x3] =	wrdreg s5  }
0xb0: {  	[dreg:$0x4] =	wrdreg $0xC0  }
0xb1: {  	_ =	task [dreg:s7], $0x5FFFF  }
0xb2: {  	[dreg:$0x1] =	wrdreg $0xFFFFFFFF  }
0xb3: {  	[dreg:$0x0] =	wrdreg $0x60  }
0xb4: {  	[dreg:$0x2] =	wrdreg s24  }
0xb5: {  	[dreg:$0x3] =	wrdreg s16  }
0xb6: {  	[dreg:$0x4] =	wrdreg $0x9  }
0xb7: {  	_ =	task.clear_ibuf [dreg:s7], $0x5FFFF;
	_ =	strace $0x90000052  }
0xb8: {  	s29 =	simm.s32 $0x9;
	_ =	strace $0x80000054  }
0xb9: {  	_ =	swait.ge [sflag:s29], $0x1  }
0xba: {  	[sflag:s29] =	ssyncadd.s32 $0xFFFFFFFF  }
0xbb: {  	_ =	strace $0x90000054  }
0xbc: {  	_ =	sfence  }
0xbd: {  	s30 =	sld [smem:$0x0];
	_ =	sdelay $0x2  }
0xbe: {  	s31 =	sshll.u32 s1, $0xD;
	s1 =	sshrl.u32 s1, $0x2  }
0xbf: {  	s3 =	sand.u32 $0x4000, s31;
	s1 =	sadd.s32 s1, s30  }
0xc0: {  	s0 =	sor.u32 s3, s0;
	s1 =	sshll.u32 s1, $0x11  }
0xc1: {  	s0 =	sor.u32 s1, s0  }
0xc2: {  	s0 =	sadd.s32 $0x8F2B, s0  }
0xc3: {  	[sflag:s0] =	ssyncadd.remote.s32 $0x1  }
0xc4: {  	_ =	sfence.sel $0xFFFF  }
0xc5: {  	[dreg:$0x0] =	wrdreg $0xFFFFFFFF;
	(pc) =	sbr.abs _section_cstart, $3  }
0xc6: {  	[dreg:$0x1] =	wrdreg $0xFFFFFFFF  }
0xc7: {  	_ =	task.clear_ibuf [dreg:s7], $0x2FFFF;
	_ =	strace $0x9FFFFFFF  }
0xc8: {  	(tm) =	ssettm $0x7FFFFFFF  }
0xc9: {  	_ =	shalt  }
tec
execute0_lowered:
.L_overlay_start_1:
0x0: {  	(tag) =	ssettag $0x1  }
0x1: {  	s4 =	rddreg [dreg:$0x0];
	s1 =	srdreg.scid  }
0x2: {  	s0 =	stileid.u32;
	s2 =	rddreg [dreg:$0x1];
	s3 =	simm.s32 $0x0  }
0x3: {  	s10 =	simm.s32 $0x50;
	s11 =	simm.s32 $0xA0;
	s12 =	simm.s32 $0x28A0  }
0x4: {  	s13 =	simm.s32 $0x1;
	s14 =	simm.s32 $0x0;
	s6 =	smul.u32 $0x2800, s0  }
0x5: {  	s5 =	sand.u32 $0x1, s1;
	s1 =	rddreg [dreg:$0x2];
	s8 =	smul.u32 $0x28000, s0  }
0x6: {  	[smem:$0x7FF] =	sst s3;
	s7 =	smul.u32 $0x1400, s5;
	s9 =	ssub.s32 $0x2, s5  }
0x7: {  	_ =	strace $0x80000053;
	s5 =	smul.u32 $0x14000, s5;
	s30 =	sshrl.u32 s9, $0x1  }
0x8: {  	s29 =	sadd.s32 s8, s4;
	s6 =	sadd.s32 s7, s6;
	s8 =	ssub.s32 s9, s30  }
0x9: {  	s7 =	sadd.s32 s5, s29;
	s9 =	simm.s32 $0x2;
	s6 =	sshrl.u32 s6, $0x3  }
0xa: {  	s5 =	sadd.s32 $0x943C00, s7;
	s31 =	sadd.s32 s6, s4;
	s4 =	smax.u32 s8, $0x1  }
0xb: {  	s6 =	sadd.s32 $0x6C3C00, s7;
	s7 =	sadd.s32 $0xFC00, s31;
	s8 =	sadd.s32 $0xAC00, s31  }
.LBB2_1:
0xc: {  	s15 =	sadd.s32 $0x0, s8  }
0xd: {  	[tilespmem:s3], [sflag:$0x2] =	stream.linear.gather [hbm4b:s15+s3], $0x50, $0x38;
	[tilespmem:$0x50A0] =	vst v63  }
0xe: {  	_ =	swait.ge [sflag:s9], $0x50  }
0xf: {  	[sflag:s9] =	ssyncset.done $0x0  }
0x10: {  	s31 =	sadd.s32 $0x0, s7;
	[sflag:s9] =	ssyncadd.s32 $0xFFFFFFB0  }
0x11: {  	[tilespmem:s10], [sflag:$0x2] =	stream.linear.gather [hbm4b:s31+s3], $0x50, $0x38;
	[tilespmem:$0x50A0] =	vst v63  }
0x12: {  	_ =	swait.ge [sflag:s9], $0x50  }
0x13: {  	[sflag:s9] =	ssyncset.done $0x0  }
0x14: {  	[sflag:s9] =	ssyncadd.s32 $0xFFFFFFB0  }
0x15: {  	[tilespmem:s11], [sflag:$0x1] =	stream.indirect.gather [hbm4b:s2+s10], $0x80, s3, s10, $0xb8;
	[tilespmem:$0x50A0] =	vst v63  }
0x16: {  	_ = 	snop  }
0x17: {  	[tilespmem:s12], [sflag:$0x1] =	stream.indirect.gather [hbm4b:s2+s10], $0x80, s10, s10, $0xb8;
	[tilespmem:$0x50A0] =	vst v63  }
0x18: {  	_ =	swait.ge [sflag:s13], $0x2800  }
0x19: {  	[sflag:s13] =	ssyncset.done $0x0  }
0x1a: {  	[sflag:s13] =	ssyncadd.s32 $0xFFFFD800  }
0x1b: {  	_ =	swait.ge [sflag:s13], $0x2800  }
0x1c: {  	[sflag:s13] =	ssyncset.done $0x0  }
0x1d: {  	[sflag:s13] =	ssyncadd.s32 $0xFFFFD800  }
0x1e: {  	[hbm4b:s6+s3] =	stream.linear.scatter [tilespmem:s11], [sflag:$0x2], $0x2800, $0x38;
	[tilespmem:$0x50A0] =	vst v63  }
0x1f: {  	_ =	swait.ge [sflag:s9], $0x2800  }
0x20: {  	[sflag:s9] =	ssyncset.done $0x0  }
0x21: {  	[sflag:s9] =	ssyncadd.s32 $0xFFFFD800  }
0x22: {  	[hbm4b:s5+s3] =	stream.linear.scatter [tilespmem:s12], [sflag:$0x2], $0x2800, $0x38;
	[tilespmem:$0x50A0] =	vst v63  }
0x23: {  	s17 =	simm.s32 $0xA;
	s18 =	simm.s32 $0x14;
	_ =	swait.ge [sflag:s9], $0x2800  }
0x24: {  	s16 =	sadd.s32 $0x500, s6;
	s15 =	sadd.s32 $0x500, s5;
	[sflag:s9] =	ssyncset.done $0x0  }
.LBB2_2:
0x25: {  	s19 =	sadd.s32 s17, s8  }
0x26: {  	[sflag:s9] =	ssyncadd.s32 $0xFFFFD800;
	s20 =	smov.u32 s18;
	s21 =	sadd.s32 $0xA, s18  }
0x27: {  	[tilespmem:s3], [sflag:$0x2] =	stream.linear.gather [hbm4b:s19+s3], $0x50, $0x38;
	[tilespmem:$0x50A0] =	vst v63  }
0x28: {  	p0 =	sne.s32 s18, $0x276;
	_ =	swait.ge [sflag:s9], $0x50  }
0x29: {  	[sflag:s9] =	ssyncset.done $0x0  }
0x2a: {  	s18 =	sadd.s32 s17, s7;
	s17 =	smov.u32 s20;
	[sflag:s9] =	ssyncadd.s32 $0xFFFFFFB0  }
0x2b: {  	[tilespmem:s10], [sflag:$0x2] =	stream.linear.gather [hbm4b:s18+s3], $0x50, $0x38;
	[tilespmem:$0x50A0] =	vst v63  }
0x2c: {  	_ =	swait.ge [sflag:s9], $0x50  }
0x2d: {  	[sflag:s9] =	ssyncset.done $0x0  }
0x2e: {  	[sflag:s9] =	ssyncadd.s32 $0xFFFFFFB0  }
0x2f: {  	[tilespmem:s11], [sflag:$0x1] =	stream.indirect.gather [hbm4b:s2+s10], $0x80, s3, s10, $0xb8;
	[tilespmem:$0x50A0] =	vst v63  }
0x30: {  	_ = 	snop  }
0x31: {  	[tilespmem:s12], [sflag:$0x1] =	stream.indirect.gather [hbm4b:s2+s10], $0x80, s10, s10, $0xb8;
	[tilespmem:$0x50A0] =	vst v63  }
0x32: {  	_ =	swait.ge [sflag:s13], $0x2800  }
0x33: {  	[sflag:s13] =	ssyncset.done $0x0  }
0x34: {  	[sflag:s13] =	ssyncadd.s32 $0xFFFFD800  }
0x35: {  	_ =	swait.ge [sflag:s13], $0x2800  }
0x36: {  	[sflag:s13] =	ssyncset.done $0x0  }
0x37: {  	[sflag:s13] =	ssyncadd.s32 $0xFFFFD800  }
0x38: {  	[hbm4b:s16+s3] =	stream.linear.scatter [tilespmem:s11], [sflag:$0x2], $0x2800, $0x38;
	[tilespmem:$0x50A0] =	vst v63  }
0x39: {  	_ =	swait.ge [sflag:s9], $0x2800  }
.Ltmp0:
0x3a: {  	[sflag:s9] =	ssyncset.done $0x0;
	(pc) =	sbr.rel @p0 .LBB2_2-.Ltmp0, $4  }
0x3b: {  	[sflag:s9] =	ssyncadd.s32 $0xFFFFD800  }
0x3c: {  	[hbm4b:s15+s3] =	stream.linear.scatter [tilespmem:s12], [sflag:$0x2], $0x2800, $0x38;
	[tilespmem:$0x50A0] =	vst v63  }
0x3d: {  	s18 =	smov.u32 s21;
	_ =	swait.ge [sflag:s9], $0x2800  }
0x3e: {  	s16 =	sadd.s32 $0x500, s16;
	s15 =	sadd.s32 $0x500, s15;
	[sflag:s9] =	ssyncset.done $0x0  }
0x3f: {  	s18 =	sadd.s32 s17, s8;
	[sflag:s9] =	ssyncadd.s32 $0xFFFFD800  }
0x40: {  	[tilespmem:s3], [sflag:$0x2] =	stream.linear.gather [hbm4b:s18+s3], $0x50, $0x38;
	[tilespmem:$0x50A0] =	vst v63  }
0x41: {  	_ =	swait.ge [sflag:s9], $0x50  }
0x42: {  	[sflag:s9] =	ssyncset.done $0x0  }
0x43: {  	s31 =	sadd.s32 s17, s7;
	[sflag:s9] =	ssyncadd.s32 $0xFFFFFFB0  }
0x44: {  	[tilespmem:s10], [sflag:$0x2] =	stream.linear.gather [hbm4b:s31+s3], $0x50, $0x38;
	[tilespmem:$0x50A0] =	vst v63  }
0x45: {  	_ =	swait.ge [sflag:s9], $0x50  }
0x46: {  	[sflag:s9] =	ssyncset.done $0x0  }
0x47: {  	[sflag:s9] =	ssyncadd.s32 $0xFFFFFFB0  }
0x48: {  	[tilespmem:s11], [sflag:$0x1] =	stream.indirect.gather [hbm4b:s2+s10], $0x80, s3, s10, $0xb8;
	[tilespmem:$0x50A0] =	vst v63  }
0x49: {  	_ = 	snop  }
0x4a: {  	[tilespmem:s12], [sflag:$0x1] =	stream.indirect.gather [hbm4b:s2+s10], $0x80, s10, s10, $0xb8;
	[tilespmem:$0x50A0] =	vst v63  }
0x4b: {  	_ =	swait.ge [sflag:s13], $0x2800  }
0x4c: {  	[sflag:s13] =	ssyncset.done $0x0  }
0x4d: {  	[sflag:s13] =	ssyncadd.s32 $0xFFFFD800  }
0x4e: {  	_ =	swait.ge [sflag:s13], $0x2800  }
0x4f: {  	[sflag:s13] =	ssyncset.done $0x0  }
0x50: {  	[sflag:s13] =	ssyncadd.s32 $0xFFFFD800  }
0x51: {  	[hbm4b:s16+s3] =	stream.linear.scatter [tilespmem:s11], [sflag:$0x2], $0x2800, $0x38;
	[tilespmem:$0x50A0] =	vst v63  }
0x52: {  	s14 =	sadd.s32 $0x1, s14;
	_ =	swait.ge [sflag:s9], $0x2800  }
0x53: {  	p0 =	sne.s32 s14, s4;
	[sflag:s9] =	ssyncset.done $0x0  }
.Ltmp1:
0x54: {  	[sflag:s9] =	ssyncadd.s32 $0xFFFFD800;
	(pc) =	sbr.rel @p0 .LBB2_1-.Ltmp1, $4  }
0x55: {  	[hbm4b:s15+s3] =	stream.linear.scatter [tilespmem:s12], [sflag:$0x2], $0x2800, $0x38;
	[tilespmem:$0x50A0] =	vst v63  }
0x56: {  	_ =	swait.ge [sflag:s9], $0x2800  }
0x57: {  	[sflag:s9] =	ssyncset.done $0x0  }
0x58: {  	[sflag:s9] =	ssyncadd.s32 $0xFFFFD800  }
0x59: {  	_ =	sfence.sel $0x180000  }
0x5a: {  	[bflag:$0x0] =	sbarrier.arrive $0xFFFF  }
0x5b: {  	p0 =	sne.s32 s0, $0x0;
	_ =	strace $0x90000053  }
0x5c: {  	s0 =	sadd.s32 @!p0 $0x100000, s1;
	[bflag:$0x2] =	sbarrier.arrive $0xFFFF  }
0x5d: {  	[sflag:s0] =	ssyncadd.tile.s32 @!p0 $0x1;
	_ =	shalt  }
.Lfunc_end2:
_tile_overlayer_lowered:
.L_overlay_start_2:
0x5e: {  	(tag) =	ssettag $0x2  }
0x5f: {  	s0 =	rddreg [dreg:$0x0];
	s2 =	stileid.u32  }
0x60: {  	s1 =	rddreg [dreg:$0x1];
	p0 =	sne.s32 s2, $0x0  }
0x61: {  	s3 =	rddreg [dreg:$0x2];
	[bflag:$0x3] =	sbarrier.arrive $0xFFFF;
	s2 =	simm.s32 @!p0 $0x1C02  }
0x62: {  	[timem:s3], [sflag:s2] =	dma.local @!p0 [hbm:s0], s1  }
0x63: {  	s0 =	simm.s32 @!p0 $0x2  }
0x64: {  	_ =	swait.ge @!p0 [sflag:s0], s1  }
0x65: {  	s1 =	ssub.s32 @!p0 $0x0, s1;
	[sflag:s0] =	ssyncset.done @!p0 $0x0  }
0x66: {  	[sflag:s0] =	ssyncadd.s32 @!p0 s1  }
0x67: {  	[bflag:$0x3] =	sbarrier.arrive $0xFFFF  }
0x68: {  	_ =	shalt  }

// kernel: kernel.29.cloned.1.call-start
scs
__scs_entry_jumppad:
0x0: {  	(pc) =	sbr.rel $0x88, $3  }
0x1: {  	(tag) =	ssettag $0x0;
	lr =	simm.s32 $0x1  }
0x2: {  	[smem:$0x3F81] =	sst lr;
	_ =	strace $0xD0000000  }
0x3: {  	_ = 	snop  }
0x4: {  	_ = 	snop  }
0x5: {  	_ = 	snop  }
0x6: {  	_ = 	snop  }
0x7: {  	_ = 	snop  }
__scs_overlays_trampoline_lowered:
0x8: {  	[smem:$0x3F90] =	sst s0  }
0x9: {  	[smem:$0x3F91] =	sst s1  }
0xa: {  	[smem:$0x3F92] =	sst s2  }
0xb: {  	[smem:$0x3F93] =	sst s3  }
0xc: {  	[smem:$0x3F94] =	sst s4  }
0xd: {  	[smem:$0x3F95] =	sst s5  }
0xe: {  	[smem:$0x3F96] =	sst s6  }
0xf: {  	[smem:$0x3F97] =	sst s7  }
0x10: {  	[smem:$0x3F98] =	sst s8  }
0x11: {  	[smem:$0x3F99] =	sst s9;
	s0 =	simm.s32 @!p0 $0x0  }
0x12: {  	s1 =	sld [smem:$0x3F7F];
	s0 =	simm.s32 @p0 $0x1  }
0x13: {  	[smem:$0x3F9A] =	sst s0;
	s0 =	simm.s32 @!p1 $0x0  }
0x14: {  	s2 =	sld [smem:$0x3F7E];
	s0 =	simm.s32 @p1 $0x1  }
0x15: {  	[smem:$0x3F9B] =	sst s0;
	s0 =	simm.s32 @!p2 $0x0  }
0x16: {  	s3 =	sld [smem:$0x3FDB];
	s0 =	simm.s32 @p2 $0x1  }
0x17: {  	s4 =	simm.s32 $0x1BF5;
	[smem:$0x3F9D] =	sst s0  }
0x18: {  	s0 =	sld [smem:$0x3F80];
	_ =	swait.ge [sflag:s4], $0x0  }
0x19: {  	s7 =	sld [smem:$0x3F81]  }
0x1a: {  	s8 =	sadd.s32 $0xFFFFE003, lr  }
0x1b: {  	s9 =	sadd.s32 $0xFFFFFEF7, lr;
	s5 =	simm.s32 $0xFFFFFFFF;
	p2 =	slt.u32 s8, $0xFFFFF086  }
0x1c: {  	p1 =	slt.u32 s9, $0xF7A;
	s5 =	simm.s32 @!p2 $0x0  }
0x1d: {  	s5 =	simm.s32 @p1 $0x1;
	p0 =	seq.s32 s7, s2  }
0x1e: {  	s7 =	smul.u32 @!p0 $0xF7A, s2;
	p2 =	seq.s32 @!p0 s5, $0x0  }
0x1f: {  	s9 =	smul.u32 $0xF7A, s1;
	s8 =	simm.s32 @!p0 $0x1BF5;
	p2 =	por !p2, p0  }
0x20: {  	[sflag:s8] =	ssyncset.s32 @!p0 $0xFFFFF086;
	s6 =	sadd.s32 @!p0 s3, s7;
	s7 =	simm.s32 @!p0 $0x108  }
0x21: {  	s3 =	sadd.s32 s3, s9;
	s6 =	sadd.s32 @!p0 $0x88, s6;
	s7 =	simm.s32 @p2 $0x1082  }
0x22: {  	[simem:s7], [sflag:s8] =	dma.local @!p0 [hbm:s6], $0xF7A  }
0x23: {  	s9 =	sor.u32 $0xD0000000, s2;
	s6 =	simm.s32 $0x108;
	_ =	swait.ge @!p0 [sflag:s8], $0x0  }
0x24: {  	s3 =	sadd.s32 $0x88, s3;
	s6 =	simm.s32 @!p1 $0x1082;
	[sflag:s4] =	ssyncset.s32 $0xFFFFF086  }
0x25: {  	[simem:s6], [sflag:s4] =	dma.local [hbm:s3], $0xF7A  }
0x26: {  	[smem:$0x3F81] =	sst s1;
	(tag) =	ssettag s2;
	_ =	strace s9  }
0x27: {  	s1 =	sld [smem:$0x3F91]  }
0x28: {  	s2 =	sld [smem:$0x3F92]  }
0x29: {  	s4 =	sld [smem:$0x3F94]  }
0x2a: {  	p0 =	seq.s32 s5, $0x0;
	s5 =	sld [smem:$0x3F95]  }
0x2b: {  	s6 =	sld [smem:$0x3F96]  }
0x2c: {  	s7 =	sld [smem:$0x3F97]  }
0x2d: {  	s3 =	simm.s32 $0x108;
	s8 =	sld [smem:$0x3F98]  }
0x2e: {  	s3 =	simm.s32 @!p0 $0x1082;
	s9 =	sld [smem:$0x3F99]  }
0x2f: {  	lr =	sadd.s32 s0, s3;
	s0 =	sld [smem:$0x3F90]  }
0x30: {  	s3 =	sld [smem:$0x3F93]  }
0x31: {  	[smem:$0x3F9C] =	sst s10  }
0x32: {  	s10 =	sld [smem:$0x3F9A];
	_ =	sdelay $0x3  }
0x33: {  	p0 =	seq.s32 s10, $0x1;
	s10 =	sld [smem:$0x3F9C];
	_ =	sdelay $0x3  }
0x34: {  	[smem:$0x3F9C] =	sst s10  }
0x35: {  	s10 =	sld [smem:$0x3F9B];
	_ =	sdelay $0x3  }
0x36: {  	p1 =	seq.s32 s10, $0x1;
	s10 =	sld [smem:$0x3F9C];
	_ =	sdelay $0x3  }
0x37: {  	[smem:$0x3F9C] =	sst s10  }
0x38: {  	s10 =	sld [smem:$0x3F9D]  }
0x39: {  	_ = 	snop;
	(pc) =	sbr.ind lr, $3  }
0x3a: {  	_ = 	snop  }
0x3b: {  	_ = 	snop  }
0x3c: {  	p2 =	seq.s32 s10, $0x1;
	s10 =	sld [smem:$0x3F9C]  }
0x3d: {  	_ =	shalt  }
0x3e: {  	_ =	shalt  }
0x3f: {  	_ =	shalt  }
0x40: {  	_ =	shalt  }
0x41: {  	_ =	shalt  }
0x42: {  	_ =	shalt  }
0x43: {  	_ =	shalt  }
0x44: {  	_ =	shalt  }
0x45: {  	_ =	shalt  }
0x46: {  	_ =	shalt  }
0x47: {  	_ =	shalt  }
0x48: {  	_ =	shalt  }
0x49: {  	_ =	shalt  }
0x4a: {  	_ =	shalt  }
0x4b: {  	_ =	shalt  }
0x4c: {  	_ =	shalt  }
0x4d: {  	_ =	shalt  }
0x4e: {  	_ =	shalt  }
0x4f: {  	_ =	shalt  }
0x50: {  	_ =	shalt  }
0x51: {  	_ =	shalt  }
0x52: {  	_ =	shalt  }
0x53: {  	_ =	shalt  }
0x54: {  	_ =	shalt  }
0x55: {  	_ =	shalt  }
0x56: {  	_ =	shalt  }
0x57: {  	_ =	shalt  }
0x58: {  	_ =	shalt  }
0x59: {  	_ =	shalt  }
0x5a: {  	_ =	shalt  }
0x5b: {  	_ =	shalt  }
0x5c: {  	_ =	shalt  }
0x5d: {  	_ =	shalt  }
0x5e: {  	_ =	shalt  }
0x5f: {  	_ =	shalt  }
0x60: {  	_ =	shalt  }
0x61: {  	_ =	shalt  }
0x62: {  	_ =	shalt  }
0x63: {  	_ =	shalt  }
0x64: {  	_ =	shalt  }
0x65: {  	_ =	shalt  }
0x66: {  	_ =	shalt  }
0x67: {  	_ =	shalt  }
0x68: {  	_ =	shalt  }
0x69: {  	_ =	shalt  }
0x6a: {  	_ =	shalt  }
0x6b: {  	_ =	shalt  }
0x6c: {  	_ =	shalt  }
0x6d: {  	_ =	shalt  }
0x6e: {  	_ =	shalt  }
0x6f: {  	_ =	shalt  }
0x70: {  	_ =	shalt  }
0x71: {  	_ =	shalt  }
0x72: {  	_ =	shalt  }
0x73: {  	_ =	shalt  }
0x74: {  	_ =	shalt  }
0x75: {  	_ =	shalt  }
0x76: {  	_ =	shalt  }
0x77: {  	_ =	shalt  }
0x78: {  	_ =	shalt  }
0x79: {  	_ =	shalt  }
0x7a: {  	_ =	shalt  }
0x7b: {  	_ =	shalt  }
0x7c: {  	_ =	shalt  }
0x7d: {  	_ =	shalt  }
0x7e: {  	_ =	shalt  }
0x7f: {  	_ =	shalt  }
0x80: {  	_ =	shalt  }
0x81: {  	_ =	shalt  }
0x82: {  	_ =	shalt  }
0x83: {  	_ =	shalt  }
0x84: {  	_ =	shalt  }
0x85: {  	_ =	shalt  }
0x86: {  	_ =	shalt  }
0x87: {  	_ =	shalt  }
.Lfunc_end0:
.L_simem_size_0:
called_computation.5_lowered:
.L_overlay_start_0:
0x88: {  	s2 =	sld [smem:$0x3FD9]  }
0x89: {  	s3 =	sld [smem:$0x3FFE];
	_ =	sdelay $0x1  }
0x8a: {  	s1 =	srdreg.scid  }
0x8b: {  	s0 =	sand.u32 $0x1, s1  }
0x8c: {  	s15 =	sshll.u32 s0, $0xA;
	s2 =	sadd.s32 s3, s2  }
0x8d: {  	s2 =	sadd.s32 s2, s15  }
0x8e: {  	[smem:$0x3FA8] =	sst s2  }
0x8f: {  	_ = 	snop  }
0x90: {  	s2 =	sld [smem:$0x3FD0];
	_ =	sdelay $0x2  }
0x91: {  	s16 =	simm.s32 $0xB;
	s4 =	simm.s32 $0x10  }
0x92: {  	[smem:s4], [sflag:s16] =	dma.local [hbm:s2], $0x1  }
0x93: {  	_ =	swait.eq [sflag:s16], $0x1  }
0x94: {  	[sflag:s16] =	ssyncset.done $0x0  }
0x95: {  	[sflag:s16] =	ssyncadd.s32 $0xFFFFFFFF  }
0x96: {  	s17 =	sld [smem:$0x11];
	(tm) =	ssettm $0x1  }
0x97: {  	s18 =	sld [smem:$0x3FFB];
	_ =	sdelay $0x3  }
0x98: {  	_ =	strace s18  }
0x99: {  	s2 =	sld [smem:$0x3FFC];
	_ =	sdelay $0x3  }
0x9a: {  	_ =	strace s2  }
0x9b: {  	s2 =	sld [smem:$0x3FFD];
	_ =	sdelay $0x3  }
0x9c: {  	_ =	strace s2  }
0x9d: {  	_ =	strace $0x8FFFFFFF  }
0x9e: {  	s19 =	sld [smem:$0x3FDB];
	_ =	sdelay $0x1  }
0x9f: {  	s20 =	simm.s32 $_scs_section_size  }
0xa0: {  	s5 =	simm.s32 $_size__tile_overlayer_lowered;
	s6 =	simm.s32 $_tile_overlayer_lowered  }
0xa1: {  	s7 =	simm.s32 $0x1BFF;
	s21 =	sshll.u32 s6, $0x1;
	s4 =	sadd.s32 s20, s19  }
0xa2: {  	s22 =	simm.s32 $0x0;
	s5 =	sshll.u32 s5, $0x1;
	s6 =	sadd.s32 s21, s4  }
0xa3: {  	[timem:s22], [sflag:s7] =	dma.local [hbm:s6], s5  }
0xa4: {  	_ =	swait.ge [sflag:s7], s5  }
0xa5: {  	s5 =	ssub.s32 $0x0, s5;
	[sflag:s7] =	ssyncset.done $0x0  }
0xa6: {  	[sflag:s7] =	ssyncadd.s32 s5;
	_ =	sdelay $0x1  }
0xa7: {  	s23 =	simm.s32 $0x1B8B  }
0xa8: {  	_ =	swait.ge [sflag:s23], $0x1  }
0xa9: {  	[sflag:s23] =	ssyncset.done $0x0  }
0xaa: {  	[sflag:s23] =	ssyncadd.s32 $0xFFFFFFFF  }
0xab: {  	s5 =	sld [smem:$0x0]  }
0xac: {  	s6 =	sand.u32 $0xFFFFFFFE, s1  }
0xad: {  	p0 =	sne.s32 s1, s6  }
0xae: {  	s6 =	sshll.u32 @p0 s6, $0xE  }
0xaf: {  	s6 =	sadd.s32 @p0 $0x11B8D, s6;
	s7 =	sshll.u32 @p0 s5, $0x11  }
0xb0: {  	s6 =	sor.u32 @p0 s7, s6  }
0xb1: {  	[sflag:s6] =	ssyncadd.remote.s32 @p0 $0x1;
	_ =	sdelay $0x1  }
0xb2: {  	s6 =	simm.s32 @p0 $0x1B8D  }
0xb3: {  	_ =	swait.eq @p0 [sflag:s6], $0x1  }
0xb4: {  	[sflag:s6] =	ssyncadd.s32 @p0 $0xFFFFFFFF  }
0xb5: {  	s7 =	sshll.u32 @!p0 s1, $0xE  }
0xb6: {  	s7 =	sor.u32 @!p0 $0x4000, s7;
	s6 =	simm.s32 @!p0 $0x1B8D  }
0xb7: {  	s5 =	sshll.u32 @!p0 s5, $0x11;
	s7 =	sadd.s32 @!p0 $0x11B8D, s7;
	_ =	swait.eq @!p0 [sflag:s6], $0x1  }
0xb8: {  	s5 =	sor.u32 @!p0 s5, s7;
	[sflag:s6] =	ssyncadd.s32 @!p0 $0xFFFFFFFF  }
0xb9: {  	s25 =	simm.s32 $0x1B8E;
	s24 =	sld [smem:$0x3FFE];
	[sflag:s5] =	ssyncadd.remote.s32 @!p0 $0x1  }
0xba: {  	s26 =	simm.s32 $execute0_lowered;
	[smem:$0x3FD2] =	sst s25  }
0xbb: {  	s6 =	sshll.u32 s26, $0x1;
	_ =	strace $0x80000055;
	[dreg:$0x1] =	wrdreg $0xFFFFFFFF  }
0xbc: {  	s28 =	simm.s32 $_size_execute0_lowered;
	s4 =	sadd.s32 s4, s6;
	[dreg:$0x0] =	wrdreg $0x0  }
0xbd: {  	s6 =	sshll.u32 s28, $0x1;
	[dreg:$0x2] =	wrdreg s4  }
0xbe: {  	[dreg:$0x3] =	wrdreg s6  }
0xbf: {  	[dreg:$0x4] =	wrdreg $0xC0  }
0xc0: {  	_ =	task [dreg:s22], $0x5FFFF  }
0xc1: {  	[dreg:$0x1] =	wrdreg $0xFFFFFFFF  }
0xc2: {  	[dreg:$0x0] =	wrdreg $0x60  }
0xc3: {  	[dreg:$0x2] =	wrdreg s24  }
0xc4: {  	[dreg:$0x3] =	wrdreg s17  }
0xc5: {  	[dreg:$0x4] =	wrdreg $0xA  }
0xc6: {  	_ =	task.clear_ibuf [dreg:s22], $0x5FFFF;
	_ =	strace $0x90000055  }
0xc7: {  	s29 =	simm.s32 $0xA;
	_ =	strace $0x80000057  }
0xc8: {  	_ =	swait.ge [sflag:s29], $0x1  }
0xc9: {  	[sflag:s29] =	ssyncadd.s32 $0xFFFFFFFF  }
0xca: {  	_ =	strace $0x90000057  }
0xcb: {  	_ =	sfence  }
0xcc: {  	s30 =	sld [smem:$0x0];
	_ =	sdelay $0x2  }
0xcd: {  	s31 =	sshll.u32 s1, $0xD;
	s1 =	sshrl.u32 s1, $0x2  }
0xce: {  	s4 =	sand.u32 $0x4000, s31;
	s1 =	sadd.s32 s1, s30  }
0xcf: {  	s0 =	sor.u32 s4, s0;
	s1 =	sshll.u32 s1, $0x11  }
0xd0: {  	s0 =	sor.u32 s1, s0  }
0xd1: {  	s0 =	sadd.s32 $0x8F2B, s0  }
0xd2: {  	[sflag:s0] =	ssyncadd.remote.s32 $0x1  }
0xd3: {  	_ =	sfence.sel $0xFFFF  }
0xd4: {  	[dreg:$0x0] =	wrdreg $0xFFFFFFFF;
	(pc) =	sbr.abs _section_cstart, $3  }
0xd5: {  	[dreg:$0x1] =	wrdreg $0xFFFFFFFF  }
0xd6: {  	_ =	task.clear_ibuf [dreg:s22], $0x2FFFF;
	_ =	strace $0x9FFFFFFF  }
0xd7: {  	(tm) =	ssettm $0x7FFFFFFF  }
tec
execute0_lowered:
.L_overlay_start_1:
0x0: {  	(tag) =	ssettag $0x1  }
0x1: {  	s4 =	rddreg [dreg:$0x0];
	s1 =	srdreg.scid  }
0x2: {  	s0 =	stileid.u32;
	s2 =	rddreg [dreg:$0x1];
	s3 =	simm.s32 $0x0  }
0x3: {  	s10 =	simm.s32 $0x50;
	s11 =	simm.s32 $0xA0;
	s6 =	smul.u32 $0x2620, s0  }
0x4: {  	s12 =	simm.s32 $0x28A0;
	s5 =	sand.u32 $0x1, s1;
	s8 =	smul.u32 $0x26200, s0  }
0x5: {  	s13 =	simm.s32 $0x1;
	s1 =	rddreg [dreg:$0x2];
	s7 =	smul.u32 $0x1310, s5  }
0x6: {  	s14 =	simm.s32 $0x0;
	[smem:$0x7FF] =	sst s3;
	s28 =	smul.u32 $0x13100, s5  }
0x7: {  	_ =	strace $0x80000056;
	s5 =	ssub.s32 $0x2, s5;
	s8 =	sadd.s32 s8, s4  }
0x8: {  	s29 =	sshrl.u32 s5, $0x1;
	s6 =	sadd.s32 s7, s6;
	s30 =	sadd.s32 s28, s8  }
0x9: {  	s31 =	ssub.s32 s5, s29;
	s6 =	sshrl.u32 s6, $0x3;
	s5 =	sadd.s32 $0x16C6E00, s30  }
0xa: {  	s9 =	sadd.s32 s6, s4;
	s4 =	sadd.s32 $0x1928E00, s30;
	s6 =	smax.u32 s31, $0x1  }
0xb: {  	s7 =	sadd.s32 $0x6BA000, s9;
	s8 =	sadd.s32 $0x6BEE00, s9;
	s9 =	simm.s32 $0x2  }
.LBB2_1:
0xc: {  	s15 =	sadd.s32 $0x0, s8  }
0xd: {  	[tilespmem:s3], [sflag:$0x2] =	stream.linear.gather [hbm4b:s15+s3], $0x50, $0x38;
	[tilespmem:$0x50A0] =	vst v63  }
0xe: {  	_ =	swait.ge [sflag:s9], $0x50  }
0xf: {  	[sflag:s9] =	ssyncset.done $0x0  }
0x10: {  	s31 =	sadd.s32 $0x0, s7;
	[sflag:s9] =	ssyncadd.s32 $0xFFFFFFB0  }
0x11: {  	[tilespmem:s10], [sflag:$0x2] =	stream.linear.gather [hbm4b:s31+s3], $0x50, $0x38;
	[tilespmem:$0x50A0] =	vst v63  }
0x12: {  	_ =	swait.ge [sflag:s9], $0x50  }
0x13: {  	[sflag:s9] =	ssyncset.done $0x0  }
0x14: {  	[sflag:s9] =	ssyncadd.s32 $0xFFFFFFB0  }
0x15: {  	[tilespmem:s11], [sflag:$0x1] =	stream.indirect.gather [hbm4b:s2+s10], $0x80, s3, s10, $0xb8;
	[tilespmem:$0x50A0] =	vst v63  }
0x16: {  	_ = 	snop  }
0x17: {  	[tilespmem:s12], [sflag:$0x1] =	stream.indirect.gather [hbm4b:s2+s10], $0x80, s10, s10, $0xb8;
	[tilespmem:$0x50A0] =	vst v63  }
0x18: {  	_ =	swait.ge [sflag:s13], $0x2800  }
0x19: {  	[sflag:s13] =	ssyncset.done $0x0  }
0x1a: {  	[sflag:s13] =	ssyncadd.s32 $0xFFFFD800  }
0x1b: {  	_ =	swait.ge [sflag:s13], $0x2800  }
0x1c: {  	[sflag:s13] =	ssyncset.done $0x0  }
0x1d: {  	[sflag:s13] =	ssyncadd.s32 $0xFFFFD800  }
0x1e: {  	[hbm4b:s5+s3] =	stream.linear.scatter [tilespmem:s11], [sflag:$0x2], $0x2800, $0x38;
	[tilespmem:$0x50A0] =	vst v63  }
0x1f: {  	_ =	swait.ge [sflag:s9], $0x2800  }
0x20: {  	[sflag:s9] =	ssyncset.done $0x0  }
0x21: {  	[sflag:s9] =	ssyncadd.s32 $0xFFFFD800  }
0x22: {  	[hbm4b:s4+s3] =	stream.linear.scatter [tilespmem:s12], [sflag:$0x2], $0x2800, $0x38;
	[tilespmem:$0x50A0] =	vst v63  }
0x23: {  	s17 =	simm.s32 $0xA;
	s18 =	simm.s32 $0x14;
	_ =	swait.ge [sflag:s9], $0x2800  }
0x24: {  	s16 =	sadd.s32 $0x500, s5;
	s15 =	sadd.s32 $0x500, s4;
	[sflag:s9] =	ssyncset.done $0x0  }
.LBB2_2:
0x25: {  	s19 =	sadd.s32 s17, s8  }
0x26: {  	[sflag:s9] =	ssyncadd.s32 $0xFFFFD800;
	s20 =	smov.u32 s18;
	s21 =	sadd.s32 $0xA, s18  }
0x27: {  	[tilespmem:s3], [sflag:$0x2] =	stream.linear.gather [hbm4b:s19+s3], $0x50, $0x38;
	[tilespmem:$0x50A0] =	vst v63  }
0x28: {  	p0 =	sne.s32 s18, $0x258;
	_ =	swait.ge [sflag:s9], $0x50  }
0x29: {  	[sflag:s9] =	ssyncset.done $0x0  }
0x2a: {  	s18 =	sadd.s32 s17, s7;
	s17 =	smov.u32 s20;
	[sflag:s9] =	ssyncadd.s32 $0xFFFFFFB0  }
0x2b: {  	[tilespmem:s10], [sflag:$0x2] =	stream.linear.gather [hbm4b:s18+s3], $0x50, $0x38;
	[tilespmem:$0x50A0] =	vst v63  }
0x2c: {  	_ =	swait.ge [sflag:s9], $0x50  }
0x2d: {  	[sflag:s9] =	ssyncset.done $0x0  }
0x2e: {  	[sflag:s9] =	ssyncadd.s32 $0xFFFFFFB0  }
0x2f: {  	[tilespmem:s11], [sflag:$0x1] =	stream.indirect.gather [hbm4b:s2+s10], $0x80, s3, s10, $0xb8;
	[tilespmem:$0x50A0] =	vst v63  }
0x30: {  	_ = 	snop  }
0x31: {  	[tilespmem:s12], [sflag:$0x1] =	stream.indirect.gather [hbm4b:s2+s10], $0x80, s10, s10, $0xb8;
	[tilespmem:$0x50A0] =	vst v63  }
0x32: {  	_ =	swait.ge [sflag:s13], $0x2800  }
0x33: {  	[sflag:s13] =	ssyncset.done $0x0  }
0x34: {  	[sflag:s13] =	ssyncadd.s32 $0xFFFFD800  }
0x35: {  	_ =	swait.ge [sflag:s13], $0x2800  }
0x36: {  	[sflag:s13] =	ssyncset.done $0x0  }
0x37: {  	[sflag:s13] =	ssyncadd.s32 $0xFFFFD800  }
0x38: {  	[hbm4b:s16+s3] =	stream.linear.scatter [tilespmem:s11], [sflag:$0x2], $0x2800, $0x38;
	[tilespmem:$0x50A0] =	vst v63  }
0x39: {  	_ =	swait.ge [sflag:s9], $0x2800  }
.Ltmp0:
0x3a: {  	[sflag:s9] =	ssyncset.done $0x0;
	(pc) =	sbr.rel @p0 .LBB2_2-.Ltmp0, $4  }
0x3b: {  	[sflag:s9] =	ssyncadd.s32 $0xFFFFD800  }
0x3c: {  	[hbm4b:s15+s3] =	stream.linear.scatter [tilespmem:s12], [sflag:$0x2], $0x2800, $0x38;
	[tilespmem:$0x50A0] =	vst v63  }
0x3d: {  	s18 =	smov.u32 s21;
	_ =	swait.ge [sflag:s9], $0x2800  }
0x3e: {  	s16 =	sadd.s32 $0x500, s16;
	s15 =	sadd.s32 $0x500, s15;
	[sflag:s9] =	ssyncset.done $0x0  }
0x3f: {  	s18 =	sadd.s32 s17, s8;
	[sflag:s9] =	ssyncadd.s32 $0xFFFFD800  }
0x40: {  	[tilespmem:s3], [sflag:$0x2] =	stream.linear.gather [hbm4b:s18+s3], $0x50, $0x38;
	[tilespmem:$0x50A0] =	vst v63  }
0x41: {  	_ =	swait.ge [sflag:s9], $0x50  }
0x42: {  	[sflag:s9] =	ssyncset.done $0x0  }
0x43: {  	s31 =	sadd.s32 s17, s7;
	[sflag:s9] =	ssyncadd.s32 $0xFFFFFFB0  }
0x44: {  	[tilespmem:s10], [sflag:$0x2] =	stream.linear.gather [hbm4b:s31+s3], $0x50, $0x38;
	[tilespmem:$0x50A0] =	vst v63  }
0x45: {  	_ =	swait.ge [sflag:s9], $0x50  }
0x46: {  	[sflag:s9] =	ssyncset.done $0x0  }
0x47: {  	[sflag:s9] =	ssyncadd.s32 $0xFFFFFFB0  }
0x48: {  	[tilespmem:s11], [sflag:$0x1] =	stream.indirect.gather [hbm4b:s2+s10], $0x80, s3, s10, $0xb8;
	[tilespmem:$0x50A0] =	vst v63  }
0x49: {  	_ = 	snop  }
0x4a: {  	[tilespmem:s12], [sflag:$0x1] =	stream.indirect.gather [hbm4b:s2+s10], $0x80, s10, s10, $0xb8;
	[tilespmem:$0x50A0] =	vst v63  }
0x4b: {  	_ =	swait.ge [sflag:s13], $0x2800  }
0x4c: {  	[sflag:s13] =	ssyncset.done $0x0  }
0x4d: {  	[sflag:s13] =	ssyncadd.s32 $0xFFFFD800  }
0x4e: {  	_ =	swait.ge [sflag:s13], $0x2800  }
0x4f: {  	[sflag:s13] =	ssyncset.done $0x0  }
0x50: {  	[sflag:s13] =	ssyncadd.s32 $0xFFFFD800  }
0x51: {  	[hbm4b:s16+s3] =	stream.linear.scatter [tilespmem:s11], [sflag:$0x2], $0x2800, $0x38;
	[tilespmem:$0x50A0] =	vst v63  }
0x52: {  	s14 =	sadd.s32 $0x1, s14;
	_ =	swait.ge [sflag:s9], $0x2800  }
0x53: {  	p0 =	sne.s32 s14, s6;
	[sflag:s9] =	ssyncset.done $0x0  }
.Ltmp1:
0x54: {  	[sflag:s9] =	ssyncadd.s32 $0xFFFFD800;
	(pc) =	sbr.rel @p0 .LBB2_1-.Ltmp1, $4  }
0x55: {  	[hbm4b:s15+s3] =	stream.linear.scatter [tilespmem:s12], [sflag:$0x2], $0x2800, $0x38;
	[tilespmem:$0x50A0] =	vst v63  }
0x56: {  	_ =	swait.ge [sflag:s9], $0x2800  }
0x57: {  	[sflag:s9] =	ssyncset.done $0x0  }
0x58: {  	[sflag:s9] =	ssyncadd.s32 $0xFFFFD800  }
0x59: {  	_ =	sfence.sel $0x180000  }
0x5a: {  	[bflag:$0x0] =	sbarrier.arrive $0xFFFF  }
0x5b: {  	p0 =	sne.s32 s0, $0x0;
	_ =	strace $0x90000056  }
0x5c: {  	s0 =	sadd.s32 @!p0 $0x100000, s1;
	[bflag:$0x2] =	sbarrier.arrive $0xFFFF  }
0x5d: {  	[sflag:s0] =	ssyncadd.tile.s32 @!p0 $0x1;
	_ =	shalt  }
.Lfunc_end2:
_tile_overlayer_lowered:
.L_overlay_start_2:
0x5e: {  	(tag) =	ssettag $0x2  }
0x5f: {  	s0 =	rddreg [dreg:$0x0];
	s2 =	stileid.u32  }
0x60: {  	s1 =	rddreg [dreg:$0x1];
	p0 =	sne.s32 s2, $0x0  }
0x61: {  	s3 =	rddreg [dreg:$0x2];
	[bflag:$0x3] =	sbarrier.arrive $0xFFFF;
	s2 =	simm.s32 @!p0 $0x1C02  }
0x62: {  	[timem:s3], [sflag:s2] =	dma.local @!p0 [hbm:s0], s1  }
0x63: {  	s0 =	simm.s32 @!p0 $0x2  }
0x64: {  	_ =	swait.ge @!p0 [sflag:s0], s1  }
0x65: {  	s1 =	ssub.s32 @!p0 $0x0, s1;
	[sflag:s0] =	ssyncset.done @!p0 $0x0  }
0x66: {  	[sflag:s0] =	ssyncadd.s32 @!p0 s1  }
0x67: {  	[bflag:$0x3] =	sbarrier.arrive $0xFFFF  }
0x68: {  	_ =	shalt  }

</sc_bundles>
